<compile_context>
chip_gen: v7x
topology: tpu7x:2x2x1
jax: 0.10.2.dev20260603
libtpu: 0.0.44.dev20260713+nightly
codegen_flags: <defaults>
</compile_context>

<pallas_src>
import functools

import jax
import jax.numpy as jnp
from jax import lax
from jax.experimental import pallas as pl
from jax.experimental.pallas import tpu as pltpu
from jax.experimental.pallas import tpu_sc as plsc

NC = 2
NS = 16
NW = NC * NS

CH = 125
CHD = 125



def _sc_degree(dst3, zeros, ones128, n):
    nch, chd = dst3.shape[1], dst3.shape[2]
    np_, d = zeros.shape
    rows = 1000
    mesh = plsc.VectorSubcoreMesh(core_axis_name="c", subcore_axis_name="s")

    @functools.partial(
        pl.kernel,
        out_type=jax.ShapeDtypeStruct((NC, np_, d), jnp.float32),
        mesh=mesh,
        scratch_types=[
            pltpu.VMEM((nch, chd), jnp.int32),
            pltpu.VMEM((chd, d), jnp.float32),
            pltpu.VMEM_SHARED((np_, d), jnp.float32),
            pltpu.SemaphoreType.DMA,
        ],
    )
    def k(dst_hbm, z_hbm, ones_hbm, out_hbm, didx, ones_v, acc, sem):
        c = lax.axis_index("c")
        s = lax.axis_index("s")
        wid = s * NC + c

        @pl.when(s < 10)
        def _():
            pltpu.sync_copy(z_hbm.at[pl.ds(s * rows, rows)], acc.at[pl.ds(s * rows, rows)])

        pltpu.sync_copy(ones_hbm, ones_v)
        pltpu.sync_copy(dst_hbm.at[wid], didx)
        plsc.subcore_barrier()

        pltpu.async_copy(ones_v, acc.at[didx.at[0]], sem, add=True)
        pltpu.async_copy(ones_v, acc.at[didx.at[1]], sem, add=True)

        def body(j, carry):
            @pl.when(j + 2 < nch)
            def _():
                pltpu.async_copy(ones_v, acc.at[didx.at[j + 2]], sem, add=True)

            pltpu.make_async_copy(ones_v, acc.at[didx.at[0]], sem).wait()
            return carry

        lax.fori_loop(0, nch, body, 0)
        plsc.subcore_barrier()

        @pl.when(s < 10)
        def _():
            pltpu.sync_copy(acc.at[pl.ds(s * rows, rows)], out_hbm.at[c, pl.ds(s * rows, rows)])

    return k(dst3, zeros, ones128)


def _sc_aggregate(g, packed, zeros, n, d):
    nch = packed.shape[1]
    np_ = zeros.shape[0]
    rows = 1000
    mesh = plsc.VectorSubcoreMesh(core_axis_name="c", subcore_axis_name="s")

    @functools.partial(
        pl.kernel,
        out_type=jax.ShapeDtypeStruct((NC, np_, d), jnp.float32),
        mesh=mesh,
        scratch_types=[
            pltpu.VMEM((3, 2, CH), jnp.int32),
            pltpu.VMEM((CH, d), jnp.float32),
            pltpu.VMEM((CH, d), jnp.float32),
            pltpu.VMEM((CH, d), jnp.float32),
            pltpu.VMEM_SHARED((np_, d), jnp.float32),
            pltpu.SemaphoreType.DMA,
            pltpu.SemaphoreType.DMA,
            pltpu.SemaphoreType.DMA,
            pltpu.SemaphoreType.DMA,
            pltpu.SemaphoreType.DMA,
            pltpu.SemaphoreType.DMA,
        ],
    )
    def k(g_hbm, idx_hbm, z_hbm, out_hbm, islot, buf0, buf1, buf2, acc,
          sg0, sg1, sg2, si0, si1, si2):
        c = lax.axis_index("c")
        s = lax.axis_index("s")
        wid = s * NC + c
        bufs = (buf0, buf1, buf2)
        sgs = (sg0, sg1, sg2)
        sis = (si0, si1, si2)

        @pl.when(s < 10)
        def _():
            pltpu.sync_copy(z_hbm.at[pl.ds(s * rows, rows)], acc.at[pl.ds(s * rows, rows)])

        plsc.subcore_barrier()

        pltpu.sync_copy(idx_hbm.at[wid, 0], islot.at[0])
        pltpu.sync_copy(idx_hbm.at[wid, 1], islot.at[1])
        pltpu.async_copy(idx_hbm.at[wid, 2], islot.at[2], sis[2])
        pltpu.async_copy(g_hbm.at[islot.at[0, 0]], buf0, sgs[0])
        pltpu.async_copy(g_hbm.at[islot.at[1, 0]], buf1, sgs[1])

        def chunk(j, a):
            an = (a + 2) % 3
            pltpu.make_async_copy(g_hbm.at[islot.at[a, 0]], bufs[a], sgs[a]).wait()
            pltpu.sync_copy(bufs[a], acc.at[islot.at[a, 1]], add=True)

            @pl.when(j + 3 < nch)
            def _():
                pltpu.async_copy(idx_hbm.at[wid, j + 3], islot.at[a], sis[a])

            @pl.when(j + 2 < nch)
            def _():
                pltpu.make_async_copy(idx_hbm.at[wid, 0], islot.at[an], sis[an]).wait()
                pltpu.async_copy(g_hbm.at[islot.at[an, 0]], bufs[an], sgs[an])

        def triple(t, carry):
            j0 = 3 * t
            chunk(j0, 0)
            chunk(j0 + 1, 1)
            chunk(j0 + 2, 2)
            return carry

        lax.fori_loop(0, nch // 3, triple, 0)
        for j in range(3 * (nch // 3), nch):
            a = j % 3
            pltpu.make_async_copy(g_hbm.at[islot.at[a, 0]], bufs[a], sgs[a]).wait()
            pltpu.sync_copy(bufs[a], acc.at[islot.at[a, 1]], add=True)

        plsc.subcore_barrier()

        @pl.when(s < 10)
        def _():
            pltpu.sync_copy(acc.at[pl.ds(s * rows, rows)], out_hbm.at[c, pl.ds(s * rows, rows)])

    return k(g, packed, zeros)



def _tc_scale(degp, x, bn):
    n, d = x.shape
    grid = n // bn

    def body(degp_ref, x_ref, g0_ref, dinv_ref):
        deg = degp_ref[0][:, 0:1] + degp_ref[1][:, 0:1] + 1.0
        dinv = lax.rsqrt(deg)
        dinv_ref[...] = dinv
        g0_ref[...] = x_ref[...] * dinv

    return pl.pallas_call(
        body,
        grid=(grid,),
        in_specs=[
            pl.BlockSpec((NC, bn, d), lambda i: (0, i, 0)),
            pl.BlockSpec((bn, d), lambda i: (i, 0)),
        ],
        out_specs=[
            pl.BlockSpec((bn, d), lambda i: (i, 0)),
            pl.BlockSpec((bn, 1), lambda i: (i, 0)),
        ],
        out_shape=[
            jax.ShapeDtypeStruct((n, d), jnp.float32),
            jax.ShapeDtypeStruct((n, 1), jnp.float32),
        ],
    )(degp, x)


def _tc_mid(p, x, dinv, W1, b1, W2, bn):
    n, d = x.shape
    dh = W1.shape[1]
    do = W2.shape[1]
    grid = n // bn

    def body(p_ref, x_ref, dinv_ref, W1_ref, b1_ref, W2_ref, t_ref, g1_ref):
        dinv = dinv_ref[...]
        sx = dinv * (p_ref[0] + p_ref[1]) + (dinv * dinv) * x_ref[...]
        h = jnp.dot(sx, W1_ref[...], preferred_element_type=jnp.float32)
        h = jnp.maximum(h + b1_ref[...], 0.0)
        t = jnp.dot(h, W2_ref[...], preferred_element_type=jnp.float32)
        t_ref[...] = t
        g1_ref[...] = dinv * t

    return pl.pallas_call(
        body,
        grid=(grid,),
        in_specs=[
            pl.BlockSpec((NC, bn, d), lambda i: (0, i, 0)),
            pl.BlockSpec((bn, d), lambda i: (i, 0)),
            pl.BlockSpec((bn, 1), lambda i: (i, 0)),
            pl.BlockSpec((d, dh), lambda i: (0, 0)),
            pl.BlockSpec((1, dh), lambda i: (0, 0)),
            pl.BlockSpec((dh, do), lambda i: (0, 0)),
        ],
        out_specs=[
            pl.BlockSpec((bn, do), lambda i: (i, 0)),
            pl.BlockSpec((bn, do), lambda i: (i, 0)),
        ],
        out_shape=[
            jax.ShapeDtypeStruct((n, do), jnp.float32),
            jax.ShapeDtypeStruct((n, do), jnp.float32),
        ],
    )(p, x, dinv, W1, b1, W2)


def _tc_final(q, t, dinv, b2, bn):
    n, do = t.shape
    grid = n // bn

    def body(q_ref, t_ref, dinv_ref, b2_ref, o_ref):
        dinv = dinv_ref[...]
        o_ref[...] = (dinv * (q_ref[0] + q_ref[1])
                      + (dinv * dinv) * t_ref[...] + b2_ref[...])

    return pl.pallas_call(
        body,
        grid=(grid,),
        in_specs=[
            pl.BlockSpec((NC, bn, do), lambda i: (0, i, 0)),
            pl.BlockSpec((bn, do), lambda i: (i, 0)),
            pl.BlockSpec((bn, 1), lambda i: (i, 0)),
            pl.BlockSpec((1, do), lambda i: (0, 0)),
        ],
        out_specs=pl.BlockSpec((bn, do), lambda i: (i, 0)),
        out_shape=jax.ShapeDtypeStruct((n, do), jnp.float32),
    )(q, t, dinv, b2)



def kernel(x, edge_index, W1, b1, W2, b2):
    n, d_in = x.shape
    e = edge_index.shape[1]
    ept = e // NW
    bn = 1000

    ncha = ept // CH
    nchd = ept // CHD
    packed = edge_index.reshape(2, NW, ncha, CH).transpose(1, 2, 0, 3)
    dst3 = edge_index[1].reshape(NW, nchd, CHD)
    zeros = jnp.zeros((n, d_in), jnp.float32)
    ones128 = jnp.ones((CHD, d_in), jnp.float32)

    degp = _sc_degree(dst3, zeros, ones128, n)
    g0, dinv = _tc_scale(degp, x, bn)
    p1 = _sc_aggregate(g0, packed, zeros, n, d_in)
    t, g1 = _tc_mid(p1, x, dinv, W1, b1.reshape(1, -1), W2, bn)
    p2 = _sc_aggregate(g1, packed, zeros, n, d_in)
    return _tc_final(p2, t, dinv, b2.reshape(1, -1), bn)

# --- scband reference (transcript-rebuilt; emitter-appended) ---
"""Pipeline reference for scband-two-layer-gcn-19009525252734 (READ-ONLY COPY).

The authoritative reference and input builder live on the scoring server;
editing this copy changes nothing except your own understanding.
"""

import jax, jax.numpy as jnp
import numpy as np

N = 10000
E = 320000
D_IN = 128
D_HID = 256
D_OUT = 128


def gcn_conv(x, edge_index, W, b, num_nodes):
    # GCNConv with add_self_loops=True, normalize=True, bias=True (PyG defaults)
    src = edge_index[0]
    dst = edge_index[1]
    loop = jnp.arange(num_nodes, dtype=src.dtype)
    src = jnp.concatenate([src, loop])
    dst = jnp.concatenate([dst, loop])
    ones = jnp.ones(src.shape[0], dtype=x.dtype)
    deg = jax.ops.segment_sum(ones, dst, num_segments=num_nodes)
    deg_inv_sqrt = jnp.where(deg > 0, deg ** -0.5, 0.0)
    norm = deg_inv_sqrt[src] * deg_inv_sqrt[dst]
    h = x @ W
    msg = jnp.take(h, src, axis=0) * norm[:, None]
    out = jax.ops.segment_sum(msg, dst, num_segments=num_nodes)
    return out + b


def setup_inputs(seed: int = 0) -> dict:
    key = jax.random.key(seed)
    k1, k2, k3, k4, k5, k6 = jax.random.split(key, 6)
    x = jax.random.normal(k1, (N, D_IN), dtype=jnp.float32)
    edge_index = jax.random.randint(k2, (2, E), 0, N, dtype=jnp.int32)
    # Glorot-style init for conv weights, zeros for bias (PyG GCNConv defaults)
    W1 = jax.random.normal(k3, (D_IN, D_HID), dtype=jnp.float32) * (2.0 / (D_IN + D_HID)) ** 0.5
    b1 = jnp.zeros((D_HID,), dtype=jnp.float32)
    W2 = jax.random.normal(k4, (D_HID, D_OUT), dtype=jnp.float32) * (2.0 / (D_HID + D_OUT)) ** 0.5
    b2 = jnp.zeros((D_OUT,), dtype=jnp.float32)
    return {"x": x, "edge_index": edge_index, "W1": W1, "b1": b1, "W2": W2, "b2": b2}


def reference(x, edge_index, W1, b1, W2, b2):
    h = gcn_conv(x, edge_index, W1, b1, N)
    h = jax.nn.relu(h)
    # dropout is identity since is_training=False
    out = gcn_conv(h, edge_index, W2, b2, N)
    # should_l2_normalize_output=False -> no normalize
    return out

if __name__ == "__main__":
    import jax
    _d = setup_inputs()
    print(jax.jit(kernel)(*tuple(_d.values())))

</pallas_src>

<mosaic_0001>
#map = affine_map<(d0, d1) -> (0, 0, 0)>
#map1 = affine_map<(d0, d1) -> (0, 0)>
module attributes {stable_mosaic.version = 14 : i64} {
  func.func @k(%arg0: i32, %arg1: i32, %arg2: memref<32x80x125xi32, #tpu.memory_space<hbm>>, %arg3: memref<10000x128xf32, #tpu.memory_space<hbm>>, %arg4: memref<125x128xf32, #tpu.memory_space<hbm>>, %arg5: memref<2x10000x128xf32, #tpu.memory_space<hbm>>, %arg6: memref<80x125xi32, #tpu.memory_space<vmem>>, %arg7: memref<125x128xf32, #tpu.memory_space<vmem>>, %arg8: memref<10000x128xf32, #tpu.memory_space<vmem_shared>>, %arg9: memref<!tpu.dma_semaphore, #tpu.memory_space<semaphore_mem>>) attributes {dimension_semantics = [#tpu.dimension_semantics<core_parallel>, #tpu.dimension_semantics<subcore_parallel>], iteration_bounds = array<i64: 2, 16>, scalar_prefetch = 0 : i64, scratch_operands = 4 : i64, tpu.core_type = #tpu.core_type<sc_vector_subcore>, window_params = [{transform_indices = #map}, {transform_indices = #map1}, {transform_indices = #map1}, {transform_indices = #map}]} {
    %mul3A = arith.constant 2 : i32
    %mul3A_0 = arith.muli %arg1, %mul3A : i32
    %add3A = arith.addi %mul3A_0, %arg0 : i32
    %lt3A = arith.constant 10 : i32
    %lt3A_1 = arith.cmpi slt, %arg1, %lt3A : i32
    %convert_element_type3A = arith.extui %lt3A_1 : i1 to i32
    %cond3A = arith.constant 0 : i32
    %cond3A_2 = arith.cmpi ne, %convert_element_type3A, %cond3A : i32
    scf.if %cond3A_2 {
      %mul3A_27 = arith.constant 1000 : i32
      %mul3A_28 = arith.muli %arg1, %mul3A_27 : i32
      %mul3A_29 = arith.constant 1000 : i32
      %mul3A_30 = arith.muli %arg1, %mul3A_29 : i32
      "tpu.region"() ({
        %run_scoped3A = tpu.sem_alloc : memref<!tpu.dma_semaphore, #tpu.memory_space<semaphore_mem>>
        %dma_start3A_31 = arith.constant 0 : i32
        %dma_start3A_32 = tpu.memref_slice %arg8[%mul3A_30, %dma_start3A_31] : memref<10000x128xf32, #tpu.memory_space<vmem_shared>> -> memref<1000x128xf32, #tpu.memory_space<vmem_shared>>
        %dma_start3A_33 = arith.constant 0 : i32
        %dma_start3A_34 = tpu.memref_slice %arg3[%mul3A_28, %dma_start3A_33] : memref<10000x128xf32, #tpu.memory_space<hbm>> -> memref<1000x128xf32, #tpu.memory_space<hbm>>
        tpu.enqueue_dma source(%dma_start3A_34 : memref<1000x128xf32, #tpu.memory_space<hbm>>) target(%dma_start3A_32 : memref<1000x128xf32, #tpu.memory_space<vmem_shared>>) target_semaphore(%run_scoped3A : memref<!tpu.dma_semaphore, #tpu.memory_space<semaphore_mem>>)
        %dma_wait3A = arith.constant 0 : i32
        %dma_wait3A_35 = tpu.memref_slice %arg8[%mul3A_30, %dma_wait3A] : memref<10000x128xf32, #tpu.memory_space<vmem_shared>> -> memref<1000x128xf32, #tpu.memory_space<vmem_shared>>
        %dma_wait3A_36 = arith.constant 0 : i32
        %dma_wait3A_37 = tpu.memref_slice %arg3[%mul3A_28, %dma_wait3A_36] : memref<10000x128xf32, #tpu.memory_space<hbm>> -> memref<1000x128xf32, #tpu.memory_space<hbm>>
        tpu.wait_dma2 semaphore(%run_scoped3A : memref<!tpu.dma_semaphore, #tpu.memory_space<semaphore_mem>>) src(%dma_wait3A_37 : memref<1000x128xf32, #tpu.memory_space<hbm>>) dst(%dma_wait3A_35 : memref<1000x128xf32, #tpu.memory_space<vmem_shared>>)
        tpu.yield
      }) : () -> ()
    } else {
    }
    "tpu.region"() ({
      %run_scoped3A = tpu.sem_alloc : memref<!tpu.dma_semaphore, #tpu.memory_space<semaphore_mem>>
      tpu.enqueue_dma source(%arg4 : memref<125x128xf32, #tpu.memory_space<hbm>>) target(%arg7 : memref<125x128xf32, #tpu.memory_space<vmem>>) target_semaphore(%run_scoped3A : memref<!tpu.dma_semaphore, #tpu.memory_space<semaphore_mem>>)
      tpu.wait_dma2 semaphore(%run_scoped3A : memref<!tpu.dma_semaphore, #tpu.memory_space<semaphore_mem>>) src(%arg4 : memref<125x128xf32, #tpu.memory_space<hbm>>) dst(%arg7 : memref<125x128xf32, #tpu.memory_space<vmem>>)
      tpu.yield
    }) : () -> ()
    "tpu.region"() ({
      %run_scoped3A = tpu.sem_alloc : memref<!tpu.dma_semaphore, #tpu.memory_space<semaphore_mem>>
      %dma_start3A_27 = arith.constant 0 : i32
      %dma_start3A_28 = arith.constant 0 : i32
      %dma_start3A_29 = tpu.memref_slice %arg2[%add3A, %dma_start3A_27, %dma_start3A_28] : memref<32x80x125xi32, #tpu.memory_space<hbm>> -> memref<1x80x125xi32, #tpu.memory_space<hbm>>
      %dma_start3A_30 = tpu.memref_squeeze %dma_start3A_29 : memref<1x80x125xi32, #tpu.memory_space<hbm>> -> memref<80x125xi32, #tpu.memory_space<hbm>>
      %dma_start3A_31 = arith.constant 0 : i32
      %dma_start3A_32 = arith.constant 0 : i32
      %dma_start3A_33 = tpu.memref_slice %arg2[%add3A, %dma_start3A_31, %dma_start3A_32] : memref<32x80x125xi32, #tpu.memory_space<hbm>> -> memref<1x80x125xi32, #tpu.memory_space<hbm>>
      %dma_start3A_34 = tpu.memref_squeeze %dma_start3A_33 : memref<1x80x125xi32, #tpu.memory_space<hbm>> -> memref<80x125xi32, #tpu.memory_space<hbm>>
      tpu.enqueue_dma source(%dma_start3A_34 : memref<80x125xi32, #tpu.memory_space<hbm>>) target(%arg6 : memref<80x125xi32, #tpu.memory_space<vmem>>) target_semaphore(%run_scoped3A : memref<!tpu.dma_semaphore, #tpu.memory_space<semaphore_mem>>)
      %dma_wait3A = arith.constant 0 : i32
      %dma_wait3A_35 = arith.constant 0 : i32
      %dma_wait3A_36 = tpu.memref_slice %arg2[%add3A, %dma_wait3A, %dma_wait3A_35] : memref<32x80x125xi32, #tpu.memory_space<hbm>> -> memref<1x80x125xi32, #tpu.memory_space<hbm>>
      %dma_wait3A_37 = tpu.memref_squeeze %dma_wait3A_36 : memref<1x80x125xi32, #tpu.memory_space<hbm>> -> memref<80x125xi32, #tpu.memory_space<hbm>>
      %dma_wait3A_38 = arith.constant 0 : i32
      %dma_wait3A_39 = arith.constant 0 : i32
      %dma_wait3A_40 = tpu.memref_slice %arg2[%add3A, %dma_wait3A_38, %dma_wait3A_39] : memref<32x80x125xi32, #tpu.memory_space<hbm>> -> memref<1x80x125xi32, #tpu.memory_space<hbm>>
      %dma_wait3A_41 = tpu.memref_squeeze %dma_wait3A_40 : memref<1x80x125xi32, #tpu.memory_space<hbm>> -> memref<80x125xi32, #tpu.memory_space<hbm>>
      tpu.wait_dma2 semaphore(%run_scoped3A : memref<!tpu.dma_semaphore, #tpu.memory_space<semaphore_mem>>) src(%dma_wait3A_41 : memref<80x125xi32, #tpu.memory_space<hbm>>) dst(%arg6 : memref<80x125xi32, #tpu.memory_space<vmem>>)
      tpu.yield
    }) : () -> ()
    %barrier3A = arith.constant 0 : index
    tpu.barrier barrier_id(%barrier3A)
    %dma_start3A = arith.constant 0 : i32
    %dma_start3A_3 = arith.constant 0 : i32
    %dma_start3A_4 = tpu.memref_slice %arg6[%dma_start3A, %dma_start3A_3] : memref<80x125xi32, #tpu.memory_space<vmem>> -> memref<1x125xi32, #tpu.memory_space<vmem>>
    %dma_start3A_5 = tpu.memref_squeeze %dma_start3A_4 : memref<1x125xi32, #tpu.memory_space<vmem>> -> memref<125xi32, #tpu.memory_space<vmem>>
    %dma_start3A_6 = arith.constant 0 : i32
    %dma_start3A_7 = arith.constant 0 : i32
    %dma_start3A_8 = tpu.memref_slice %arg8[%dma_start3A_6, %dma_start3A_7] : memref<10000x128xf32, #tpu.memory_space<vmem_shared>> -> memref<10000x128xf32, #tpu.memory_space<vmem_shared>>
    tpu.enqueue_indirect_dma source(%arg7 : memref<125x128xf32, #tpu.memory_space<vmem>>) target(%dma_start3A_8 : memref<10000x128xf32, #tpu.memory_space<vmem_shared>>) offsets(%dma_start3A_5 : memref<125xi32, #tpu.memory_space<vmem>>) semaphore(%arg9 : memref<!tpu.dma_semaphore, #tpu.memory_space<semaphore_mem>>) {add = true}
    %dma_start3A_9 = arith.constant 1 : i32
    %dma_start3A_10 = arith.constant 0 : i32
    %dma_start3A_11 = tpu.memref_slice %arg6[%dma_start3A_9, %dma_start3A_10] : memref<80x125xi32, #tpu.memory_space<vmem>> -> memref<1x125xi32, #tpu.memory_space<vmem>>
    %dma_start3A_12 = tpu.memref_squeeze %dma_start3A_11 : memref<1x125xi32, #tpu.memory_space<vmem>> -> memref<125xi32, #tpu.memory_space<vmem>>
    %dma_start3A_13 = arith.constant 0 : i32
    %dma_start3A_14 = arith.constant 0 : i32
    %dma_start3A_15 = tpu.memref_slice %arg8[%dma_start3A_13, %dma_start3A_14] : memref<10000x128xf32, #tpu.memory_space<vmem_shared>> -> memref<10000x128xf32, #tpu.memory_space<vmem_shared>>
    tpu.enqueue_indirect_dma source(%arg7 : memref<125x128xf32, #tpu.memory_space<vmem>>) target(%dma_start3A_15 : memref<10000x128xf32, #tpu.memory_space<vmem_shared>>) offsets(%dma_start3A_12 : memref<125xi32, #tpu.memory_space<vmem>>) semaphore(%arg9 : memref<!tpu.dma_semaphore, #tpu.memory_space<semaphore_mem>>) {add = true}
    %scan3A = arith.constant 0 : i32
    %scan3A_16 = arith.constant 0 : i32
    %scan3A_17 = arith.constant 80 : i32
    %scan3A_18 = arith.addi %scan3A_16, %scan3A_17 : i32
    %scan3A_19 = arith.constant 1 : i32
    scf.for %scan3A_27 = %scan3A_16 to %scan3A_18 step %scan3A_19  : i32 {
      %add3A_28 = arith.constant 2 : i32
      %add3A_29 = arith.addi %scan3A_27, %add3A_28 : i32
      %lt3A_30 = arith.constant 80 : i32
      %lt3A_31 = arith.cmpi slt, %add3A_29, %lt3A_30 : i32
      %convert_element_type3A_32 = arith.extui %lt3A_31 : i1 to i32
      %cond3A_33 = arith.constant 0 : i32
      %cond3A_34 = arith.cmpi ne, %convert_element_type3A_32, %cond3A_33 : i32
      scf.if %cond3A_34 {
        %add3A_41 = arith.constant 2 : i32
        %add3A_42 = arith.addi %scan3A_27, %add3A_41 : i32
        %dma_start3A_43 = arith.constant 0 : i32
        %dma_start3A_44 = tpu.memref_slice %arg6[%add3A_42, %dma_start3A_43] : memref<80x125xi32, #tpu.memory_space<vmem>> -> memref<1x125xi32, #tpu.memory_space<vmem>>
        %dma_start3A_45 = tpu.memref_squeeze %dma_start3A_44 : memref<1x125xi32, #tpu.memory_space<vmem>> -> memref<125xi32, #tpu.memory_space<vmem>>
        %dma_start3A_46 = arith.constant 0 : i32
        %dma_start3A_47 = arith.constant 0 : i32
        %dma_start3A_48 = tpu.memref_slice %arg8[%dma_start3A_46, %dma_start3A_47] : memref<10000x128xf32, #tpu.memory_space<vmem_shared>> -> memref<10000x128xf32, #tpu.memory_space<vmem_shared>>
        tpu.enqueue_indirect_dma source(%arg7 : memref<125x128xf32, #tpu.memory_space<vmem>>) target(%dma_start3A_48 : memref<10000x128xf32, #tpu.memory_space<vmem_shared>>) offsets(%dma_start3A_45 : memref<125xi32, #tpu.memory_space<vmem>>) semaphore(%arg9 : memref<!tpu.dma_semaphore, #tpu.memory_space<semaphore_mem>>) {add = true}
      } else {
      }
      %dma_wait3A = arith.constant 0 : i32
      %dma_wait3A_35 = arith.constant 0 : i32
      %dma_wait3A_36 = tpu.memref_slice %arg6[%dma_wait3A, %dma_wait3A_35] : memref<80x125xi32, #tpu.memory_space<vmem>> -> memref<1x125xi32, #tpu.memory_space<vmem>>
      %dma_wait3A_37 = tpu.memref_squeeze %dma_wait3A_36 : memref<1x125xi32, #tpu.memory_space<vmem>> -> memref<125xi32, #tpu.memory_space<vmem>>
      %dma_wait3A_38 = arith.constant 0 : i32
      %dma_wait3A_39 = arith.constant 0 : i32
      %dma_wait3A_40 = tpu.memref_slice %arg8[%dma_wait3A_38, %dma_wait3A_39] : memref<10000x128xf32, #tpu.memory_space<vmem_shared>> -> memref<10000x128xf32, #tpu.memory_space<vmem_shared>>
      tpu.wait_indirect_dma semaphore(%arg9 : memref<!tpu.dma_semaphore, #tpu.memory_space<semaphore_mem>>) src(%arg7 : memref<125x128xf32, #tpu.memory_space<vmem>>) dst(%dma_wait3A_40 : memref<10000x128xf32, #tpu.memory_space<vmem_shared>>)
    }
    %scan3A_20 = arith.constant 80 : i32
    %barrier3A_21 = arith.constant 0 : index
    tpu.barrier barrier_id(%barrier3A_21)
    %lt3A_22 = arith.constant 10 : i32
    %lt3A_23 = arith.cmpi slt, %arg1, %lt3A_22 : i32
    %convert_element_type3A_24 = arith.extui %lt3A_23 : i1 to i32
    %cond3A_25 = arith.constant 0 : i32
    %cond3A_26 = arith.cmpi ne, %convert_element_type3A_24, %cond3A_25 : i32
    scf.if %cond3A_26 {
      %mul3A_27 = arith.constant 1000 : i32
      %mul3A_28 = arith.muli %arg1, %mul3A_27 : i32
      %mul3A_29 = arith.constant 1000 : i32
      %mul3A_30 = arith.muli %arg1, %mul3A_29 : i32
      "tpu.region"() ({
        %run_scoped3A = tpu.sem_alloc : memref<!tpu.dma_semaphore, #tpu.memory_space<semaphore_mem>>
        %dma_start3A_31 = arith.constant 0 : i32
        %dma_start3A_32 = tpu.memref_slice %arg5[%arg0, %mul3A_30, %dma_start3A_31] : memref<2x10000x128xf32, #tpu.memory_space<hbm>> -> memref<1x1000x128xf32, #tpu.memory_space<hbm>>
        %dma_start3A_33 = tpu.memref_squeeze %dma_start3A_32 : memref<1x1000x128xf32, #tpu.memory_space<hbm>> -> memref<1000x128xf32, #tpu.memory_space<hbm>>
        %dma_start3A_34 = arith.constant 0 : i32
        %dma_start3A_35 = tpu.memref_slice %arg8[%mul3A_28, %dma_start3A_34] : memref<10000x128xf32, #tpu.memory_space<vmem_shared>> -> memref<1000x128xf32, #tpu.memory_space<vmem_shared>>
        tpu.enqueue_dma source(%dma_start3A_35 : memref<1000x128xf32, #tpu.memory_space<vmem_shared>>) target(%dma_start3A_33 : memref<1000x128xf32, #tpu.memory_space<hbm>>) target_semaphore(%run_scoped3A : memref<!tpu.dma_semaphore, #tpu.memory_space<semaphore_mem>>)
        %dma_wait3A = arith.constant 0 : i32
        %dma_wait3A_36 = tpu.memref_slice %arg5[%arg0, %mul3A_30, %dma_wait3A] : memref<2x10000x128xf32, #tpu.memory_space<hbm>> -> memref<1x1000x128xf32, #tpu.memory_space<hbm>>
        %dma_wait3A_37 = tpu.memref_squeeze %dma_wait3A_36 : memref<1x1000x128xf32, #tpu.memory_space<hbm>> -> memref<1000x128xf32, #tpu.memory_space<hbm>>
        %dma_wait3A_38 = arith.constant 0 : i32
        %dma_wait3A_39 = tpu.memref_slice %arg8[%mul3A_28, %dma_wait3A_38] : memref<10000x128xf32, #tpu.memory_space<vmem_shared>> -> memref<1000x128xf32, #tpu.memory_space<vmem_shared>>
        tpu.wait_dma2 semaphore(%run_scoped3A : memref<!tpu.dma_semaphore, #tpu.memory_space<semaphore_mem>>) src(%dma_wait3A_39 : memref<1000x128xf32, #tpu.memory_space<vmem_shared>>) dst(%dma_wait3A_37 : memref<1000x128xf32, #tpu.memory_space<hbm>>)
        tpu.yield
      }) : () -> ()
    } else {
    }
    return
  }
}

#map = affine_map<(d0, d1) -> (0, 0)>
#map1 = affine_map<(d0, d1) -> (0, 0, 0, 0)>
#map2 = affine_map<(d0, d1) -> (0, 0, 0)>
module attributes {stable_mosaic.version = 14 : i64} {
  func.func @k(%arg0: i32, %arg1: i32, %arg2: memref<10000x128xf32, #tpu.memory_space<hbm>>, %arg3: memref<32x80x2x125xi32, #tpu.memory_space<hbm>>, %arg4: memref<10000x128xf32, #tpu.memory_space<hbm>>, %arg5: memref<2x10000x128xf32, #tpu.memory_space<hbm>>, %arg6: memref<3x2x125xi32, #tpu.memory_space<vmem>>, %arg7: memref<125x128xf32, #tpu.memory_space<vmem>>, %arg8: memref<125x128xf32, #tpu.memory_space<vmem>>, %arg9: memref<125x128xf32, #tpu.memory_space<vmem>>, %arg10: memref<10000x128xf32, #tpu.memory_space<vmem_shared>>, %arg11: memref<!tpu.dma_semaphore, #tpu.memory_space<semaphore_mem>>, %arg12: memref<!tpu.dma_semaphore, #tpu.memory_space<semaphore_mem>>, %arg13: memref<!tpu.dma_semaphore, #tpu.memory_space<semaphore_mem>>, %arg14: memref<!tpu.dma_semaphore, #tpu.memory_space<semaphore_mem>>, %arg15: memref<!tpu.dma_semaphore, #tpu.memory_space<semaphore_mem>>, %arg16: memref<!tpu.dma_semaphore, #tpu.memory_space<semaphore_mem>>) attributes {dimension_semantics = [#tpu.dimension_semantics<core_parallel>, #tpu.dimension_semantics<subcore_parallel>], iteration_bounds = array<i64: 2, 16>, scalar_prefetch = 0 : i64, scratch_operands = 11 : i64, tpu.core_type = #tpu.core_type<sc_vector_subcore>, window_params = [{transform_indices = #map}, {transform_indices = #map1}, {transform_indices = #map}, {transform_indices = #map2}]} {
    %mul3A = arith.constant 2 : i32
    %mul3A_0 = arith.muli %arg1, %mul3A : i32
    %add3A = arith.addi %mul3A_0, %arg0 : i32
    %lt3A = arith.constant 10 : i32
    %lt3A_1 = arith.cmpi slt, %arg1, %lt3A : i32
    %convert_element_type3A = arith.extui %lt3A_1 : i1 to i32
    %cond3A = arith.constant 0 : i32
    %cond3A_2 = arith.cmpi ne, %convert_element_type3A, %cond3A : i32
    scf.if %cond3A_2 {
      %mul3A_69 = arith.constant 1000 : i32
      %mul3A_70 = arith.muli %arg1, %mul3A_69 : i32
      %mul3A_71 = arith.constant 1000 : i32
      %mul3A_72 = arith.muli %arg1, %mul3A_71 : i32
      "tpu.region"() ({
        %run_scoped3A_73 = tpu.sem_alloc : memref<!tpu.dma_semaphore, #tpu.memory_space<semaphore_mem>>
        %dma_start3A_74 = arith.constant 0 : i32
        %dma_start3A_75 = tpu.memref_slice %arg10[%mul3A_72, %dma_start3A_74] : memref<10000x128xf32, #tpu.memory_space<vmem_shared>> -> memref<1000x128xf32, #tpu.memory_space<vmem_shared>>
        %dma_start3A_76 = arith.constant 0 : i32
        %dma_start3A_77 = tpu.memref_slice %arg4[%mul3A_70, %dma_start3A_76] : memref<10000x128xf32, #tpu.memory_space<hbm>> -> memref<1000x128xf32, #tpu.memory_space<hbm>>
        tpu.enqueue_dma source(%dma_start3A_77 : memref<1000x128xf32, #tpu.memory_space<hbm>>) target(%dma_start3A_75 : memref<1000x128xf32, #tpu.memory_space<vmem_shared>>) target_semaphore(%run_scoped3A_73 : memref<!tpu.dma_semaphore, #tpu.memory_space<semaphore_mem>>)
        %dma_wait3A_78 = arith.constant 0 : i32
        %dma_wait3A_79 = tpu.memref_slice %arg10[%mul3A_72, %dma_wait3A_78] : memref<10000x128xf32, #tpu.memory_space<vmem_shared>> -> memref<1000x128xf32, #tpu.memory_space<vmem_shared>>
        %dma_wait3A_80 = arith.constant 0 : i32
        %dma_wait3A_81 = tpu.memref_slice %arg4[%mul3A_70, %dma_wait3A_80] : memref<10000x128xf32, #tpu.memory_space<hbm>> -> memref<1000x128xf32, #tpu.memory_space<hbm>>
        tpu.wait_dma2 semaphore(%run_scoped3A_73 : memref<!tpu.dma_semaphore, #tpu.memory_space<semaphore_mem>>) src(%dma_wait3A_81 : memref<1000x128xf32, #tpu.memory_space<hbm>>) dst(%dma_wait3A_79 : memref<1000x128xf32, #tpu.memory_space<vmem_shared>>)
        tpu.yield
      }) : () -> ()
    } else {
    }
    %barrier3A = arith.constant 0 : index
    tpu.barrier barrier_id(%barrier3A)
    %run_scoped3A = arith.constant 0 : i32
    %run_scoped3A_3 = arith.constant 0 : i32
    "tpu.region"() ({
      %run_scoped3A_69 = tpu.sem_alloc : memref<!tpu.dma_semaphore, #tpu.memory_space<semaphore_mem>>
      %dma_start3A_70 = arith.constant 0 : i32
      %dma_start3A_71 = arith.constant 0 : i32
      %dma_start3A_72 = tpu.memref_slice %arg6[%run_scoped3A_3, %dma_start3A_70, %dma_start3A_71] : memref<3x2x125xi32, #tpu.memory_space<vmem>> -> memref<1x2x125xi32, #tpu.memory_space<vmem>>
      %dma_start3A_73 = tpu.memref_squeeze %dma_start3A_72 : memref<1x2x125xi32, #tpu.memory_space<vmem>> -> memref<2x125xi32, #tpu.memory_space<vmem>>
      %dma_start3A_74 = arith.constant 0 : i32
      %dma_start3A_75 = arith.constant 0 : i32
      %dma_start3A_76 = tpu.memref_slice %arg3[%add3A, %run_scoped3A, %dma_start3A_74, %dma_start3A_75] : memref<32x80x2x125xi32, #tpu.memory_space<hbm>> -> memref<1x1x2x125xi32, #tpu.memory_space<hbm>>
      %dma_start3A_77 = tpu.memref_squeeze %dma_start3A_76 : memref<1x1x2x125xi32, #tpu.memory_space<hbm>> -> memref<2x125xi32, #tpu.memory_space<hbm>>
      %dma_start3A_78 = arith.constant 0 : i32
      %dma_start3A_79 = arith.constant 0 : i32
      %dma_start3A_80 = tpu.memref_slice %arg6[%run_scoped3A_3, %dma_start3A_78, %dma_start3A_79] : memref<3x2x125xi32, #tpu.memory_space<vmem>> -> memref<1x2x125xi32, #tpu.memory_space<vmem>>
      %dma_start3A_81 = tpu.memref_squeeze %dma_start3A_80 : memref<1x2x125xi32, #tpu.memory_space<vmem>> -> memref<2x125xi32, #tpu.memory_space<vmem>>
      %dma_start3A_82 = arith.constant 0 : i32
      %dma_start3A_83 = arith.constant 0 : i32
      %dma_start3A_84 = tpu.memref_slice %arg3[%add3A, %run_scoped3A, %dma_start3A_82, %dma_start3A_83] : memref<32x80x2x125xi32, #tpu.memory_space<hbm>> -> memref<1x1x2x125xi32, #tpu.memory_space<hbm>>
      %dma_start3A_85 = tpu.memref_squeeze %dma_start3A_84 : memref<1x1x2x125xi32, #tpu.memory_space<hbm>> -> memref<2x125xi32, #tpu.memory_space<hbm>>
      tpu.enqueue_dma source(%dma_start3A_85 : memref<2x125xi32, #tpu.memory_space<hbm>>) target(%dma_start3A_81 : memref<2x125xi32, #tpu.memory_space<vmem>>) target_semaphore(%run_scoped3A_69 : memref<!tpu.dma_semaphore, #tpu.memory_space<semaphore_mem>>)
      %dma_wait3A_86 = arith.constant 0 : i32
      %dma_wait3A_87 = arith.constant 0 : i32
      %dma_wait3A_88 = tpu.memref_slice %arg6[%run_scoped3A_3, %dma_wait3A_86, %dma_wait3A_87] : memref<3x2x125xi32, #tpu.memory_space<vmem>> -> memref<1x2x125xi32, #tpu.memory_space<vmem>>
      %dma_wait3A_89 = tpu.memref_squeeze %dma_wait3A_88 : memref<1x2x125xi32, #tpu.memory_space<vmem>> -> memref<2x125xi32, #tpu.memory_space<vmem>>
      %dma_wait3A_90 = arith.constant 0 : i32
      %dma_wait3A_91 = arith.constant 0 : i32
      %dma_wait3A_92 = tpu.memref_slice %arg3[%add3A, %run_scoped3A, %dma_wait3A_90, %dma_wait3A_91] : memref<32x80x2x125xi32, #tpu.memory_space<hbm>> -> memref<1x1x2x125xi32, #tpu.memory_space<hbm>>
      %dma_wait3A_93 = tpu.memref_squeeze %dma_wait3A_92 : memref<1x1x2x125xi32, #tpu.memory_space<hbm>> -> memref<2x125xi32, #tpu.memory_space<hbm>>
      %dma_wait3A_94 = arith.constant 0 : i32
      %dma_wait3A_95 = arith.constant 0 : i32
      %dma_wait3A_96 = tpu.memref_slice %arg6[%run_scoped3A_3, %dma_wait3A_94, %dma_wait3A_95] : memref<3x2x125xi32, #tpu.memory_space<vmem>> -> memref<1x2x125xi32, #tpu.memory_space<vmem>>
      %dma_wait3A_97 = tpu.memref_squeeze %dma_wait3A_96 : memref<1x2x125xi32, #tpu.memory_space<vmem>> -> memref<2x125xi32, #tpu.memory_space<vmem>>
      %dma_wait3A_98 = arith.constant 0 : i32
      %dma_wait3A_99 = arith.constant 0 : i32
      %dma_wait3A_100 = tpu.memref_slice %arg3[%add3A, %run_scoped3A, %dma_wait3A_98, %dma_wait3A_99] : memref<32x80x2x125xi32, #tpu.memory_space<hbm>> -> memref<1x1x2x125xi32, #tpu.memory_space<hbm>>
      %dma_wait3A_101 = tpu.memref_squeeze %dma_wait3A_100 : memref<1x1x2x125xi32, #tpu.memory_space<hbm>> -> memref<2x125xi32, #tpu.memory_space<hbm>>
      tpu.wait_dma2 semaphore(%run_scoped3A_69 : memref<!tpu.dma_semaphore, #tpu.memory_space<semaphore_mem>>) src(%dma_wait3A_101 : memref<2x125xi32, #tpu.memory_space<hbm>>) dst(%dma_wait3A_97 : memref<2x125xi32, #tpu.memory_space<vmem>>)
      tpu.yield
    }) : () -> ()
    %run_scoped3A_4 = arith.constant 1 : i32
    %run_scoped3A_5 = arith.constant 1 : i32
    "tpu.region"() ({
      %run_scoped3A_69 = tpu.sem_alloc : memref<!tpu.dma_semaphore, #tpu.memory_space<semaphore_mem>>
      %dma_start3A_70 = arith.constant 0 : i32
      %dma_start3A_71 = arith.constant 0 : i32
      %dma_start3A_72 = tpu.memref_slice %arg6[%run_scoped3A_5, %dma_start3A_70, %dma_start3A_71] : memref<3x2x125xi32, #tpu.memory_space<vmem>> -> memref<1x2x125xi32, #tpu.memory_space<vmem>>
      %dma_start3A_73 = tpu.memref_squeeze %dma_start3A_72 : memref<1x2x125xi32, #tpu.memory_space<vmem>> -> memref<2x125xi32, #tpu.memory_space<vmem>>
      %dma_start3A_74 = arith.constant 0 : i32
      %dma_start3A_75 = arith.constant 0 : i32
      %dma_start3A_76 = tpu.memref_slice %arg3[%add3A, %run_scoped3A_4, %dma_start3A_74, %dma_start3A_75] : memref<32x80x2x125xi32, #tpu.memory_space<hbm>> -> memref<1x1x2x125xi32, #tpu.memory_space<hbm>>
      %dma_start3A_77 = tpu.memref_squeeze %dma_start3A_76 : memref<1x1x2x125xi32, #tpu.memory_space<hbm>> -> memref<2x125xi32, #tpu.memory_space<hbm>>
      %dma_start3A_78 = arith.constant 0 : i32
      %dma_start3A_79 = arith.constant 0 : i32
      %dma_start3A_80 = tpu.memref_slice %arg6[%run_scoped3A_5, %dma_start3A_78, %dma_start3A_79] : memref<3x2x125xi32, #tpu.memory_space<vmem>> -> memref<1x2x125xi32, #tpu.memory_space<vmem>>
      %dma_start3A_81 = tpu.memref_squeeze %dma_start3A_80 : memref<1x2x125xi32, #tpu.memory_space<vmem>> -> memref<2x125xi32, #tpu.memory_space<vmem>>
      %dma_start3A_82 = arith.constant 0 : i32
      %dma_start3A_83 = arith.constant 0 : i32
      %dma_start3A_84 = tpu.memref_slice %arg3[%add3A, %run_scoped3A_4, %dma_start3A_82, %dma_start3A_83] : memref<32x80x2x125xi32, #tpu.memory_space<hbm>> -> memref<1x1x2x125xi32, #tpu.memory_space<hbm>>
      %dma_start3A_85 = tpu.memref_squeeze %dma_start3A_84 : memref<1x1x2x125xi32, #tpu.memory_space<hbm>> -> memref<2x125xi32, #tpu.memory_space<hbm>>
      tpu.enqueue_dma source(%dma_start3A_85 : memref<2x125xi32, #tpu.memory_space<hbm>>) target(%dma_start3A_81 : memref<2x125xi32, #tpu.memory_space<vmem>>) target_semaphore(%run_scoped3A_69 : memref<!tpu.dma_semaphore, #tpu.memory_space<semaphore_mem>>)
      %dma_wait3A_86 = arith.constant 0 : i32
      %dma_wait3A_87 = arith.constant 0 : i32
      %dma_wait3A_88 = tpu.memref_slice %arg6[%run_scoped3A_5, %dma_wait3A_86, %dma_wait3A_87] : memref<3x2x125xi32, #tpu.memory_space<vmem>> -> memref<1x2x125xi32, #tpu.memory_space<vmem>>
      %dma_wait3A_89 = tpu.memref_squeeze %dma_wait3A_88 : memref<1x2x125xi32, #tpu.memory_space<vmem>> -> memref<2x125xi32, #tpu.memory_space<vmem>>
      %dma_wait3A_90 = arith.constant 0 : i32
      %dma_wait3A_91 = arith.constant 0 : i32
      %dma_wait3A_92 = tpu.memref_slice %arg3[%add3A, %run_scoped3A_4, %dma_wait3A_90, %dma_wait3A_91] : memref<32x80x2x125xi32, #tpu.memory_space<hbm>> -> memref<1x1x2x125xi32, #tpu.memory_space<hbm>>
      %dma_wait3A_93 = tpu.memref_squeeze %dma_wait3A_92 : memref<1x1x2x125xi32, #tpu.memory_space<hbm>> -> memref<2x125xi32, #tpu.memory_space<hbm>>
      %dma_wait3A_94 = arith.constant 0 : i32
      %dma_wait3A_95 = arith.constant 0 : i32
      %dma_wait3A_96 = tpu.memref_slice %arg6[%run_scoped3A_5, %dma_wait3A_94, %dma_wait3A_95] : memref<3x2x125xi32, #tpu.memory_space<vmem>> -> memref<1x2x125xi32, #tpu.memory_space<vmem>>
      %dma_wait3A_97 = tpu.memref_squeeze %dma_wait3A_96 : memref<1x2x125xi32, #tpu.memory_space<vmem>> -> memref<2x125xi32, #tpu.memory_space<vmem>>
      %dma_wait3A_98 = arith.constant 0 : i32
      %dma_wait3A_99 = arith.constant 0 : i32
      %dma_wait3A_100 = tpu.memref_slice %arg3[%add3A, %run_scoped3A_4, %dma_wait3A_98, %dma_wait3A_99] : memref<32x80x2x125xi32, #tpu.memory_space<hbm>> -> memref<1x1x2x125xi32, #tpu.memory_space<hbm>>
      %dma_wait3A_101 = tpu.memref_squeeze %dma_wait3A_100 : memref<1x1x2x125xi32, #tpu.memory_space<hbm>> -> memref<2x125xi32, #tpu.memory_space<hbm>>
      tpu.wait_dma2 semaphore(%run_scoped3A_69 : memref<!tpu.dma_semaphore, #tpu.memory_space<semaphore_mem>>) src(%dma_wait3A_101 : memref<2x125xi32, #tpu.memory_space<hbm>>) dst(%dma_wait3A_97 : memref<2x125xi32, #tpu.memory_space<vmem>>)
      tpu.yield
    }) : () -> ()
    %dma_start3A = arith.constant 2 : i32
    %dma_start3A_6 = arith.constant 2 : i32
    %dma_start3A_7 = arith.constant 0 : i32
    %dma_start3A_8 = arith.constant 0 : i32
    %dma_start3A_9 = tpu.memref_slice %arg6[%dma_start3A_6, %dma_start3A_7, %dma_start3A_8] : memref<3x2x125xi32, #tpu.memory_space<vmem>> -> memref<1x2x125xi32, #tpu.memory_space<vmem>>
    %dma_start3A_10 = tpu.memref_squeeze %dma_start3A_9 : memref<1x2x125xi32, #tpu.memory_space<vmem>> -> memref<2x125xi32, #tpu.memory_space<vmem>>
    %dma_start3A_11 = arith.constant 0 : i32
    %dma_start3A_12 = arith.constant 0 : i32
    %dma_start3A_13 = tpu.memref_slice %arg3[%add3A, %dma_start3A, %dma_start3A_11, %dma_start3A_12] : memref<32x80x2x125xi32, #tpu.memory_space<hbm>> -> memref<1x1x2x125xi32, #tpu.memory_space<hbm>>
    %dma_start3A_14 = tpu.memref_squeeze %dma_start3A_13 : memref<1x1x2x125xi32, #tpu.memory_space<hbm>> -> memref<2x125xi32, #tpu.memory_space<hbm>>
    %dma_start3A_15 = arith.constant 0 : i32
    %dma_start3A_16 = arith.constant 0 : i32
    %dma_start3A_17 = tpu.memref_slice %arg6[%dma_start3A_6, %dma_start3A_15, %dma_start3A_16] : memref<3x2x125xi32, #tpu.memory_space<vmem>> -> memref<1x2x125xi32, #tpu.memory_space<vmem>>
    %dma_start3A_18 = tpu.memref_squeeze %dma_start3A_17 : memref<1x2x125xi32, #tpu.memory_space<vmem>> -> memref<2x125xi32, #tpu.memory_space<vmem>>
    %dma_start3A_19 = arith.constant 0 : i32
    %dma_start3A_20 = arith.constant 0 : i32
    %dma_start3A_21 = tpu.memref_slice %arg3[%add3A, %dma_start3A, %dma_start3A_19, %dma_start3A_20] : memref<32x80x2x125xi32, #tpu.memory_space<hbm>> -> memref<1x1x2x125xi32, #tpu.memory_space<hbm>>
    %dma_start3A_22 = tpu.memref_squeeze %dma_start3A_21 : memref<1x1x2x125xi32, #tpu.memory_space<hbm>> -> memref<2x125xi32, #tpu.memory_space<hbm>>
    tpu.enqueue_dma source(%dma_start3A_22 : memref<2x125xi32, #tpu.memory_space<hbm>>) target(%dma_start3A_18 : memref<2x125xi32, #tpu.memory_space<vmem>>) target_semaphore(%arg16 : memref<!tpu.dma_semaphore, #tpu.memory_space<semaphore_mem>>)
    %dma_start3A_23 = arith.constant 0 : i32
    %dma_start3A_24 = arith.constant 0 : i32
    %dma_start3A_25 = arith.constant 0 : i32
    %dma_start3A_26 = tpu.memref_slice %arg6[%dma_start3A_23, %dma_start3A_24, %dma_start3A_25] : memref<3x2x125xi32, #tpu.memory_space<vmem>> -> memref<1x1x125xi32, #tpu.memory_space<vmem>>
    %dma_start3A_27 = tpu.memref_squeeze %dma_start3A_26 : memref<1x1x125xi32, #tpu.memory_space<vmem>> -> memref<125xi32, #tpu.memory_space<vmem>>
    %dma_start3A_28 = arith.constant 0 : i32
    %dma_start3A_29 = arith.constant 0 : i32
    %dma_start3A_30 = tpu.memref_slice %arg2[%dma_start3A_28, %dma_start3A_29] : memref<10000x128xf32, #tpu.memory_space<hbm>> -> memref<10000x128xf32, #tpu.memory_space<hbm>>
    tpu.enqueue_indirect_dma source(%dma_start3A_30 : memref<10000x128xf32, #tpu.memory_space<hbm>>) target(%arg7 : memref<125x128xf32, #tpu.memory_space<vmem>>) offsets(%dma_start3A_27 : memref<125xi32, #tpu.memory_space<vmem>>) semaphore(%arg11 : memref<!tpu.dma_semaphore, #tpu.memory_space<semaphore_mem>>)
    %dma_start3A_31 = arith.constant 1 : i32
    %dma_start3A_32 = arith.constant 0 : i32
    %dma_start3A_33 = arith.constant 0 : i32
    %dma_start3A_34 = tpu.memref_slice %arg6[%dma_start3A_31, %dma_start3A_32, %dma_start3A_33] : memref<3x2x125xi32, #tpu.memory_space<vmem>> -> memref<1x1x125xi32, #tpu.memory_space<vmem>>
    %dma_start3A_35 = tpu.memref_squeeze %dma_start3A_34 : memref<1x1x125xi32, #tpu.memory_space<vmem>> -> memref<125xi32, #tpu.memory_space<vmem>>
    %dma_start3A_36 = arith.constant 0 : i32
    %dma_start3A_37 = arith.constant 0 : i32
    %dma_start3A_38 = tpu.memref_slice %arg2[%dma_start3A_36, %dma_start3A_37] : memref<10000x128xf32, #tpu.memory_space<hbm>> -> memref<10000x128xf32, #tpu.memory_space<hbm>>
    tpu.enqueue_indirect_dma source(%dma_start3A_38 : memref<10000x128xf32, #tpu.memory_space<hbm>>) target(%arg8 : memref<125x128xf32, #tpu.memory_space<vmem>>) offsets(%dma_start3A_35 : memref<125xi32, #tpu.memory_space<vmem>>) semaphore(%arg12 : memref<!tpu.dma_semaphore, #tpu.memory_space<semaphore_mem>>)
    %scan3A = arith.constant 0 : i32
    %scan3A_39 = arith.constant 0 : i32
    %scan3A_40 = arith.constant 26 : i32
    %scan3A_41 = arith.addi %scan3A_39, %scan3A_40 : i32
    %scan3A_42 = arith.constant 1 : i32
    scf.for %scan3A_69 = %scan3A_39 to %scan3A_41 step %scan3A_42  : i32 {
      %mul3A_70 = arith.constant 3 : i32
      %mul3A_71 = arith.muli %mul3A_70, %scan3A_69 : i32
      %dma_wait3A_72 = arith.constant 0 : i32
      %dma_wait3A_73 = arith.constant 0 : i32
      %dma_wait3A_74 = arith.constant 0 : i32
      %dma_wait3A_75 = tpu.memref_slice %arg6[%dma_wait3A_72, %dma_wait3A_73, %dma_wait3A_74] : memref<3x2x125xi32, #tpu.memory_space<vmem>> -> memref<1x1x125xi32, #tpu.memory_space<vmem>>
      %dma_wait3A_76 = tpu.memref_squeeze %dma_wait3A_75 : memref<1x1x125xi32, #tpu.memory_space<vmem>> -> memref<125xi32, #tpu.memory_space<vmem>>
      %dma_wait3A_77 = arith.constant 0 : i32
      %dma_wait3A_78 = arith.constant 0 : i32
      %dma_wait3A_79 = tpu.memref_slice %arg2[%dma_wait3A_77, %dma_wait3A_78] : memref<10000x128xf32, #tpu.memory_space<hbm>> -> memref<10000x128xf32, #tpu.memory_space<hbm>>
      tpu.wait_indirect_dma semaphore(%arg11 : memref<!tpu.dma_semaphore, #tpu.memory_space<semaphore_mem>>) src(%dma_wait3A_79 : memref<10000x128xf32, #tpu.memory_space<hbm>>) dst(%arg7 : memref<125x128xf32, #tpu.memory_space<vmem>>)
      %run_scoped3A_80 = arith.constant 0 : i32
      %run_scoped3A_81 = arith.constant 1 : i32
      "tpu.region"() ({
        %run_scoped3A_148 = tpu.sem_alloc : memref<!tpu.dma_semaphore, #tpu.memory_space<semaphore_mem>>
        %dma_start3A_149 = arith.constant 0 : i32
        %dma_start3A_150 = tpu.memref_slice %arg6[%run_scoped3A_80, %run_scoped3A_81, %dma_start3A_149] : memref<3x2x125xi32, #tpu.memory_space<vmem>> -> memref<1x1x125xi32, #tpu.memory_space<vmem>>
        %dma_start3A_151 = tpu.memref_squeeze %dma_start3A_150 : memref<1x1x125xi32, #tpu.memory_space<vmem>> -> memref<125xi32, #tpu.memory_space<vmem>>
        %dma_start3A_152 = arith.constant 0 : i32
        %dma_start3A_153 = arith.constant 0 : i32
        %dma_start3A_154 = tpu.memref_slice %arg10[%dma_start3A_152, %dma_start3A_153] : memref<10000x128xf32, #tpu.memory_space<vmem_shared>> -> memref<10000x128xf32, #tpu.memory_space<vmem_shared>>
        tpu.enqueue_indirect_dma source(%arg7 : memref<125x128xf32, #tpu.memory_space<vmem>>) target(%dma_start3A_154 : memref<10000x128xf32, #tpu.memory_space<vmem_shared>>) offsets(%dma_start3A_151 : memref<125xi32, #tpu.memory_space<vmem>>) semaphore(%run_scoped3A_148 : memref<!tpu.dma_semaphore, #tpu.memory_space<semaphore_mem>>) {add = true}
        %dma_wait3A_155 = arith.constant 0 : i32
        %dma_wait3A_156 = tpu.memref_slice %arg6[%run_scoped3A_80, %run_scoped3A_81, %dma_wait3A_155] : memref<3x2x125xi32, #tpu.memory_space<vmem>> -> memref<1x1x125xi32, #tpu.memory_space<vmem>>
        %dma_wait3A_157 = tpu.memref_squeeze %dma_wait3A_156 : memref<1x1x125xi32, #tpu.memory_space<vmem>> -> memref<125xi32, #tpu.memory_space<vmem>>
        %dma_wait3A_158 = arith.constant 0 : i32
        %dma_wait3A_159 = arith.constant 0 : i32
        %dma_wait3A_160 = tpu.memref_slice %arg10[%dma_wait3A_158, %dma_wait3A_159] : memref<10000x128xf32, #tpu.memory_space<vmem_shared>> -> memref<10000x128xf32, #tpu.memory_space<vmem_shared>>
        tpu.wait_indirect_dma semaphore(%run_scoped3A_148 : memref<!tpu.dma_semaphore, #tpu.memory_space<semaphore_mem>>) src(%arg7 : memref<125x128xf32, #tpu.memory_space<vmem>>) dst(%dma_wait3A_160 : memref<10000x128xf32, #tpu.memory_space<vmem_shared>>)
        tpu.yield
      }) : () -> ()
      %add3A_82 = arith.constant 3 : i32
      %add3A_83 = arith.addi %mul3A_71, %add3A_82 : i32
      %lt3A_84 = arith.constant 80 : i32
      %lt3A_85 = arith.cmpi slt, %add3A_83, %lt3A_84 : i32
      %convert_element_type3A_86 = arith.extui %lt3A_85 : i1 to i32
      %cond3A_87 = arith.constant 0 : i32
      %cond3A_88 = arith.cmpi ne, %convert_element_type3A_86, %cond3A_87 : i32
      scf.if %cond3A_88 {
        %add3A_148 = arith.constant 3 : i32
        %add3A_149 = arith.addi %mul3A_71, %add3A_148 : i32
        %dma_start3A_150 = arith.constant 0 : i32
        %dma_start3A_151 = arith.constant 0 : i32
        %dma_start3A_152 = arith.constant 0 : i32
        %dma_start3A_153 = tpu.memref_slice %arg6[%dma_start3A_150, %dma_start3A_151, %dma_start3A_152] : memref<3x2x125xi32, #tpu.memory_space<vmem>> -> memref<1x2x125xi32, #tpu.memory_space<vmem>>
        %dma_start3A_154 = tpu.memref_squeeze %dma_start3A_153 : memref<1x2x125xi32, #tpu.memory_space<vmem>> -> memref<2x125xi32, #tpu.memory_space<vmem>>
        %dma_start3A_155 = arith.constant 0 : i32
        %dma_start3A_156 = arith.constant 0 : i32
        %dma_start3A_157 = tpu.memref_slice %arg3[%add3A, %add3A_149, %dma_start3A_155, %dma_start3A_156] : memref<32x80x2x125xi32, #tpu.memory_space<hbm>> -> memref<1x1x2x125xi32, #tpu.memory_space<hbm>>
        %dma_start3A_158 = tpu.memref_squeeze %dma_start3A_157 : memref<1x1x2x125xi32, #tpu.memory_space<hbm>> -> memref<2x125xi32, #tpu.memory_space<hbm>>
        %dma_start3A_159 = arith.constant 0 : i32
        %dma_start3A_160 = arith.constant 0 : i32
        %dma_start3A_161 = tpu.memref_slice %arg6[%dma_start3A_150, %dma_start3A_159, %dma_start3A_160] : memref<3x2x125xi32, #tpu.memory_space<vmem>> -> memref<1x2x125xi32, #tpu.memory_space<vmem>>
        %dma_start3A_162 = tpu.memref_squeeze %dma_start3A_161 : memref<1x2x125xi32, #tpu.memory_space<vmem>> -> memref<2x125xi32, #tpu.memory_space<vmem>>
        %dma_start3A_163 = arith.constant 0 : i32
        %dma_start3A_164 = arith.constant 0 : i32
        %dma_start3A_165 = tpu.memref_slice %arg3[%add3A, %add3A_149, %dma_start3A_163, %dma_start3A_164] : memref<32x80x2x125xi32, #tpu.memory_space<hbm>> -> memref<1x1x2x125xi32, #tpu.memory_space<hbm>>
        %dma_start3A_166 = tpu.memref_squeeze %dma_start3A_165 : memref<1x1x2x125xi32, #tpu.memory_space<hbm>> -> memref<2x125xi32, #tpu.memory_space<hbm>>
        tpu.enqueue_dma source(%dma_start3A_166 : memref<2x125xi32, #tpu.memory_space<hbm>>) target(%dma_start3A_162 : memref<2x125xi32, #tpu.memory_space<vmem>>) target_semaphore(%arg14 : memref<!tpu.dma_semaphore, #tpu.memory_space<semaphore_mem>>)
      } else {
      }
      %add3A_89 = arith.constant 2 : i32
      %add3A_90 = arith.addi %mul3A_71, %add3A_89 : i32
      %lt3A_91 = arith.constant 80 : i32
      %lt3A_92 = arith.cmpi slt, %add3A_90, %lt3A_91 : i32
      %convert_element_type3A_93 = arith.extui %lt3A_92 : i1 to i32
      %cond3A_94 = arith.constant 0 : i32
      %cond3A_95 = arith.cmpi ne, %convert_element_type3A_93, %cond3A_94 : i32
      scf.if %cond3A_95 {
        %dma_wait3A_148 = arith.constant 0 : i32
        %dma_wait3A_149 = arith.constant 2 : i32
        %dma_wait3A_150 = arith.constant 0 : i32
        %dma_wait3A_151 = arith.constant 0 : i32
        %dma_wait3A_152 = tpu.memref_slice %arg6[%dma_wait3A_149, %dma_wait3A_150, %dma_wait3A_151] : memref<3x2x125xi32, #tpu.memory_space<vmem>> -> memref<1x2x125xi32, #tpu.memory_space<vmem>>
        %dma_wait3A_153 = tpu.memref_squeeze %dma_wait3A_152 : memref<1x2x125xi32, #tpu.memory_space<vmem>> -> memref<2x125xi32, #tpu.memory_space<vmem>>
        %dma_wait3A_154 = arith.constant 0 : i32
        %dma_wait3A_155 = arith.constant 0 : i32
        %dma_wait3A_156 = tpu.memref_slice %arg3[%add3A, %dma_wait3A_148, %dma_wait3A_154, %dma_wait3A_155] : memref<32x80x2x125xi32, #tpu.memory_space<hbm>> -> memref<1x1x2x125xi32, #tpu.memory_space<hbm>>
        %dma_wait3A_157 = tpu.memref_squeeze %dma_wait3A_156 : memref<1x1x2x125xi32, #tpu.memory_space<hbm>> -> memref<2x125xi32, #tpu.memory_space<hbm>>
        %dma_wait3A_158 = arith.constant 0 : i32
        %dma_wait3A_159 = arith.constant 0 : i32
        %dma_wait3A_160 = tpu.memref_slice %arg6[%dma_wait3A_149, %dma_wait3A_158, %dma_wait3A_159] : memref<3x2x125xi32, #tpu.memory_space<vmem>> -> memref<1x2x125xi32, #tpu.memory_space<vmem>>
        %dma_wait3A_161 = tpu.memref_squeeze %dma_wait3A_160 : memref<1x2x125xi32, #tpu.memory_space<vmem>> -> memref<2x125xi32, #tpu.memory_space<vmem>>
        %dma_wait3A_162 = arith.constant 0 : i32
        %dma_wait3A_163 = arith.constant 0 : i32
        %dma_wait3A_164 = tpu.memref_slice %arg3[%add3A, %dma_wait3A_148, %dma_wait3A_162, %dma_wait3A_163] : memref<32x80x2x125xi32, #tpu.memory_space<hbm>> -> memref<1x1x2x125xi32, #tpu.memory_space<hbm>>
        %dma_wait3A_165 = tpu.memref_squeeze %dma_wait3A_164 : memref<1x1x2x125xi32, #tpu.memory_space<hbm>> -> memref<2x125xi32, #tpu.memory_space<hbm>>
        tpu.wait_dma2 semaphore(%arg16 : memref<!tpu.dma_semaphore, #tpu.memory_space<semaphore_mem>>) src(%dma_wait3A_165 : memref<2x125xi32, #tpu.memory_space<hbm>>) dst(%dma_wait3A_161 : memref<2x125xi32, #tpu.memory_space<vmem>>)
        %dma_start3A_166 = arith.constant 2 : i32
        %dma_start3A_167 = arith.constant 0 : i32
        %dma_start3A_168 = arith.constant 0 : i32
        %dma_start3A_169 = tpu.memref_slice %arg6[%dma_start3A_166, %dma_start3A_167, %dma_start3A_168] : memref<3x2x125xi32, #tpu.memory_space<vmem>> -> memref<1x1x125xi32, #tpu.memory_space<vmem>>
        %dma_start3A_170 = tpu.memref_squeeze %dma_start3A_169 : memref<1x1x125xi32, #tpu.memory_space<vmem>> -> memref<125xi32, #tpu.memory_space<vmem>>
        %dma_start3A_171 = arith.constant 0 : i32
        %dma_start3A_172 = arith.constant 0 : i32
        %dma_start3A_173 = tpu.memref_slice %arg2[%dma_start3A_171, %dma_start3A_172] : memref<10000x128xf32, #tpu.memory_space<hbm>> -> memref<10000x128xf32, #tpu.memory_space<hbm>>
        tpu.enqueue_indirect_dma source(%dma_start3A_173 : memref<10000x128xf32, #tpu.memory_space<hbm>>) target(%arg9 : memref<125x128xf32, #tpu.memory_space<vmem>>) offsets(%dma_start3A_170 : memref<125xi32, #tpu.memory_space<vmem>>) semaphore(%arg13 : memref<!tpu.dma_semaphore, #tpu.memory_space<semaphore_mem>>)
      } else {
      }
      %add3A_96 = arith.constant 1 : i32
      %add3A_97 = arith.addi %mul3A_71, %add3A_96 : i32
      %dma_wait3A_98 = arith.constant 1 : i32
      %dma_wait3A_99 = arith.constant 0 : i32
      %dma_wait3A_100 = arith.constant 0 : i32
      %dma_wait3A_101 = tpu.memref_slice %arg6[%dma_wait3A_98, %dma_wait3A_99, %dma_wait3A_100] : memref<3x2x125xi32, #tpu.memory_space<vmem>> -> memref<1x1x125xi32, #tpu.memory_space<vmem>>
      %dma_wait3A_102 = tpu.memref_squeeze %dma_wait3A_101 : memref<1x1x125xi32, #tpu.memory_space<vmem>> -> memref<125xi32, #tpu.memory_space<vmem>>
      %dma_wait3A_103 = arith.constant 0 : i32
      %dma_wait3A_104 = arith.constant 0 : i32
      %dma_wait3A_105 = tpu.memref_slice %arg2[%dma_wait3A_103, %dma_wait3A_104] : memref<10000x128xf32, #tpu.memory_space<hbm>> -> memref<10000x128xf32, #tpu.memory_space<hbm>>
      tpu.wait_indirect_dma semaphore(%arg12 : memref<!tpu.dma_semaphore, #tpu.memory_space<semaphore_mem>>) src(%dma_wait3A_105 : memref<10000x128xf32, #tpu.memory_space<hbm>>) dst(%arg8 : memref<125x128xf32, #tpu.memory_space<vmem>>)
      %run_scoped3A_106 = arith.constant 1 : i32
      %run_scoped3A_107 = arith.constant 1 : i32
      "tpu.region"() ({
        %run_scoped3A_148 = tpu.sem_alloc : memref<!tpu.dma_semaphore, #tpu.memory_space<semaphore_mem>>
        %dma_start3A_149 = arith.constant 0 : i32
        %dma_start3A_150 = tpu.memref_slice %arg6[%run_scoped3A_106, %run_scoped3A_107, %dma_start3A_149] : memref<3x2x125xi32, #tpu.memory_space<vmem>> -> memref<1x1x125xi32, #tpu.memory_space<vmem>>
        %dma_start3A_151 = tpu.memref_squeeze %dma_start3A_150 : memref<1x1x125xi32, #tpu.memory_space<vmem>> -> memref<125xi32, #tpu.memory_space<vmem>>
        %dma_start3A_152 = arith.constant 0 : i32
        %dma_start3A_153 = arith.constant 0 : i32
        %dma_start3A_154 = tpu.memref_slice %arg10[%dma_start3A_152, %dma_start3A_153] : memref<10000x128xf32, #tpu.memory_space<vmem_shared>> -> memref<10000x128xf32, #tpu.memory_space<vmem_shared>>
        tpu.enqueue_indirect_dma source(%arg8 : memref<125x128xf32, #tpu.memory_space<vmem>>) target(%dma_start3A_154 : memref<10000x128xf32, #tpu.memory_space<vmem_shared>>) offsets(%dma_start3A_151 : memref<125xi32, #tpu.memory_space<vmem>>) semaphore(%run_scoped3A_148 : memref<!tpu.dma_semaphore, #tpu.memory_space<semaphore_mem>>) {add = true}
        %dma_wait3A_155 = arith.constant 0 : i32
        %dma_wait3A_156 = tpu.memref_slice %arg6[%run_scoped3A_106, %run_scoped3A_107, %dma_wait3A_155] : memref<3x2x125xi32, #tpu.memory_space<vmem>> -> memref<1x1x125xi32, #tpu.memory_space<vmem>>
        %dma_wait3A_157 = tpu.memref_squeeze %dma_wait3A_156 : memref<1x1x125xi32, #tpu.memory_space<vmem>> -> memref<125xi32, #tpu.memory_space<vmem>>
        %dma_wait3A_158 = arith.constant 0 : i32
        %dma_wait3A_159 = arith.constant 0 : i32
        %dma_wait3A_160 = tpu.memref_slice %arg10[%dma_wait3A_158, %dma_wait3A_159] : memref<10000x128xf32, #tpu.memory_space<vmem_shared>> -> memref<10000x128xf32, #tpu.memory_space<vmem_shared>>
        tpu.wait_indirect_dma semaphore(%run_scoped3A_148 : memref<!tpu.dma_semaphore, #tpu.memory_space<semaphore_mem>>) src(%arg8 : memref<125x128xf32, #tpu.memory_space<vmem>>) dst(%dma_wait3A_160 : memref<10000x128xf32, #tpu.memory_space<vmem_shared>>)
        tpu.yield
      }) : () -> ()
      %add3A_108 = arith.constant 3 : i32
      %add3A_109 = arith.addi %add3A_97, %add3A_108 : i32
      %lt3A_110 = arith.constant 80 : i32
      %lt3A_111 = arith.cmpi slt, %add3A_109, %lt3A_110 : i32
      %convert_element_type3A_112 = arith.extui %lt3A_111 : i1 to i32
      %cond3A_113 = arith.constant 0 : i32
      %cond3A_114 = arith.cmpi ne, %convert_element_type3A_112, %cond3A_113 : i32
      scf.if %cond3A_114 {
        %add3A_148 = arith.constant 3 : i32
        %add3A_149 = arith.addi %add3A_97, %add3A_148 : i32
        %dma_start3A_150 = arith.constant 1 : i32
        %dma_start3A_151 = arith.constant 0 : i32
        %dma_start3A_152 = arith.constant 0 : i32
        %dma_start3A_153 = tpu.memref_slice %arg6[%dma_start3A_150, %dma_start3A_151, %dma_start3A_152] : memref<3x2x125xi32, #tpu.memory_space<vmem>> -> memref<1x2x125xi32, #tpu.memory_space<vmem>>
        %dma_start3A_154 = tpu.memref_squeeze %dma_start3A_153 : memref<1x2x125xi32, #tpu.memory_space<vmem>> -> memref<2x125xi32, #tpu.memory_space<vmem>>
        %dma_start3A_155 = arith.constant 0 : i32
        %dma_start3A_156 = arith.constant 0 : i32
        %dma_start3A_157 = tpu.memref_slice %arg3[%add3A, %add3A_149, %dma_start3A_155, %dma_start3A_156] : memref<32x80x2x125xi32, #tpu.memory_space<hbm>> -> memref<1x1x2x125xi32, #tpu.memory_space<hbm>>
        %dma_start3A_158 = tpu.memref_squeeze %dma_start3A_157 : memref<1x1x2x125xi32, #tpu.memory_space<hbm>> -> memref<2x125xi32, #tpu.memory_space<hbm>>
        %dma_start3A_159 = arith.constant 0 : i32
        %dma_start3A_160 = arith.constant 0 : i32
        %dma_start3A_161 = tpu.memref_slice %arg6[%dma_start3A_150, %dma_start3A_159, %dma_start3A_160] : memref<3x2x125xi32, #tpu.memory_space<vmem>> -> memref<1x2x125xi32, #tpu.memory_space<vmem>>
        %dma_start3A_162 = tpu.memref_squeeze %dma_start3A_161 : memref<1x2x125xi32, #tpu.memory_space<vmem>> -> memref<2x125xi32, #tpu.memory_space<vmem>>
        %dma_start3A_163 = arith.constant 0 : i32
        %dma_start3A_164 = arith.constant 0 : i32
        %dma_start3A_165 = tpu.memref_slice %arg3[%add3A, %add3A_149, %dma_start3A_163, %dma_start3A_164] : memref<32x80x2x125xi32, #tpu.memory_space<hbm>> -> memref<1x1x2x125xi32, #tpu.memory_space<hbm>>
        %dma_start3A_166 = tpu.memref_squeeze %dma_start3A_165 : memref<1x1x2x125xi32, #tpu.memory_space<hbm>> -> memref<2x125xi32, #tpu.memory_space<hbm>>
        tpu.enqueue_dma source(%dma_start3A_166 : memref<2x125xi32, #tpu.memory_space<hbm>>) target(%dma_start3A_162 : memref<2x125xi32, #tpu.memory_space<vmem>>) target_semaphore(%arg15 : memref<!tpu.dma_semaphore, #tpu.memory_space<semaphore_mem>>)
      } else {
      }
      %add3A_115 = arith.constant 2 : i32
      %add3A_116 = arith.addi %add3A_97, %add3A_115 : i32
      %lt3A_117 = arith.constant 80 : i32
      %lt3A_118 = arith.cmpi slt, %add3A_116, %lt3A_117 : i32
      %convert_element_type3A_119 = arith.extui %lt3A_118 : i1 to i32
      %cond3A_120 = arith.constant 0 : i32
      %cond3A_121 = arith.cmpi ne, %convert_element_type3A_119, %cond3A_120 : i32
      scf.if %cond3A_121 {
        %dma_wait3A_148 = arith.constant 0 : i32
        %dma_wait3A_149 = arith.constant 0 : i32
        %dma_wait3A_150 = arith.constant 0 : i32
        %dma_wait3A_151 = arith.constant 0 : i32
        %dma_wait3A_152 = tpu.memref_slice %arg6[%dma_wait3A_149, %dma_wait3A_150, %dma_wait3A_151] : memref<3x2x125xi32, #tpu.memory_space<vmem>> -> memref<1x2x125xi32, #tpu.memory_space<vmem>>
        %dma_wait3A_153 = tpu.memref_squeeze %dma_wait3A_152 : memref<1x2x125xi32, #tpu.memory_space<vmem>> -> memref<2x125xi32, #tpu.memory_space<vmem>>
        %dma_wait3A_154 = arith.constant 0 : i32
        %dma_wait3A_155 = arith.constant 0 : i32
        %dma_wait3A_156 = tpu.memref_slice %arg3[%add3A, %dma_wait3A_148, %dma_wait3A_154, %dma_wait3A_155] : memref<32x80x2x125xi32, #tpu.memory_space<hbm>> -> memref<1x1x2x125xi32, #tpu.memory_space<hbm>>
        %dma_wait3A_157 = tpu.memref_squeeze %dma_wait3A_156 : memref<1x1x2x125xi32, #tpu.memory_space<hbm>> -> memref<2x125xi32, #tpu.memory_space<hbm>>
        %dma_wait3A_158 = arith.constant 0 : i32
        %dma_wait3A_159 = arith.constant 0 : i32
        %dma_wait3A_160 = tpu.memref_slice %arg6[%dma_wait3A_149, %dma_wait3A_158, %dma_wait3A_159] : memref<3x2x125xi32, #tpu.memory_space<vmem>> -> memref<1x2x125xi32, #tpu.memory_space<vmem>>
        %dma_wait3A_161 = tpu.memref_squeeze %dma_wait3A_160 : memref<1x2x125xi32, #tpu.memory_space<vmem>> -> memref<2x125xi32, #tpu.memory_space<vmem>>
        %dma_wait3A_162 = arith.constant 0 : i32
        %dma_wait3A_163 = arith.constant 0 : i32
        %dma_wait3A_164 = tpu.memref_slice %arg3[%add3A, %dma_wait3A_148, %dma_wait3A_162, %dma_wait3A_163] : memref<32x80x2x125xi32, #tpu.memory_space<hbm>> -> memref<1x1x2x125xi32, #tpu.memory_space<hbm>>
        %dma_wait3A_165 = tpu.memref_squeeze %dma_wait3A_164 : memref<1x1x2x125xi32, #tpu.memory_space<hbm>> -> memref<2x125xi32, #tpu.memory_space<hbm>>
        tpu.wait_dma2 semaphore(%arg14 : memref<!tpu.dma_semaphore, #tpu.memory_space<semaphore_mem>>) src(%dma_wait3A_165 : memref<2x125xi32, #tpu.memory_space<hbm>>) dst(%dma_wait3A_161 : memref<2x125xi32, #tpu.memory_space<vmem>>)
        %dma_start3A_166 = arith.constant 0 : i32
        %dma_start3A_167 = arith.constant 0 : i32
        %dma_start3A_168 = arith.constant 0 : i32
        %dma_start3A_169 = tpu.memref_slice %arg6[%dma_start3A_166, %dma_start3A_167, %dma_start3A_168] : memref<3x2x125xi32, #tpu.memory_space<vmem>> -> memref<1x1x125xi32, #tpu.memory_space<vmem>>
        %dma_start3A_170 = tpu.memref_squeeze %dma_start3A_169 : memref<1x1x125xi32, #tpu.memory_space<vmem>> -> memref<125xi32, #tpu.memory_space<vmem>>
        %dma_start3A_171 = arith.constant 0 : i32
        %dma_start3A_172 = arith.constant 0 : i32
        %dma_start3A_173 = tpu.memref_slice %arg2[%dma_start3A_171, %dma_start3A_172] : memref<10000x128xf32, #tpu.memory_space<hbm>> -> memref<10000x128xf32, #tpu.memory_space<hbm>>
        tpu.enqueue_indirect_dma source(%dma_start3A_173 : memref<10000x128xf32, #tpu.memory_space<hbm>>) target(%arg7 : memref<125x128xf32, #tpu.memory_space<vmem>>) offsets(%dma_start3A_170 : memref<125xi32, #tpu.memory_space<vmem>>) semaphore(%arg11 : memref<!tpu.dma_semaphore, #tpu.memory_space<semaphore_mem>>)
      } else {
      }
      %add3A_122 = arith.constant 2 : i32
      %add3A_123 = arith.addi %mul3A_71, %add3A_122 : i32
      %dma_wait3A_124 = arith.constant 2 : i32
      %dma_wait3A_125 = arith.constant 0 : i32
      %dma_wait3A_126 = arith.constant 0 : i32
      %dma_wait3A_127 = tpu.memref_slice %arg6[%dma_wait3A_124, %dma_wait3A_125, %dma_wait3A_126] : memref<3x2x125xi32, #tpu.memory_space<vmem>> -> memref<1x1x125xi32, #tpu.memory_space<vmem>>
      %dma_wait3A_128 = tpu.memref_squeeze %dma_wait3A_127 : memref<1x1x125xi32, #tpu.memory_space<vmem>> -> memref<125xi32, #tpu.memory_space<vmem>>
      %dma_wait3A_129 = arith.constant 0 : i32
      %dma_wait3A_130 = arith.constant 0 : i32
      %dma_wait3A_131 = tpu.memref_slice %arg2[%dma_wait3A_129, %dma_wait3A_130] : memref<10000x128xf32, #tpu.memory_space<hbm>> -> memref<10000x128xf32, #tpu.memory_space<hbm>>
      tpu.wait_indirect_dma semaphore(%arg13 : memref<!tpu.dma_semaphore, #tpu.memory_space<semaphore_mem>>) src(%dma_wait3A_131 : memref<10000x128xf32, #tpu.memory_space<hbm>>) dst(%arg9 : memref<125x128xf32, #tpu.memory_space<vmem>>)
      %run_scoped3A_132 = arith.constant 2 : i32
      %run_scoped3A_133 = arith.constant 1 : i32
      "tpu.region"() ({
        %run_scoped3A_148 = tpu.sem_alloc : memref<!tpu.dma_semaphore, #tpu.memory_space<semaphore_mem>>
        %dma_start3A_149 = arith.constant 0 : i32
        %dma_start3A_150 = tpu.memref_slice %arg6[%run_scoped3A_132, %run_scoped3A_133, %dma_start3A_149] : memref<3x2x125xi32, #tpu.memory_space<vmem>> -> memref<1x1x125xi32, #tpu.memory_space<vmem>>
        %dma_start3A_151 = tpu.memref_squeeze %dma_start3A_150 : memref<1x1x125xi32, #tpu.memory_space<vmem>> -> memref<125xi32, #tpu.memory_space<vmem>>
        %dma_start3A_152 = arith.constant 0 : i32
        %dma_start3A_153 = arith.constant 0 : i32
        %dma_start3A_154 = tpu.memref_slice %arg10[%dma_start3A_152, %dma_start3A_153] : memref<10000x128xf32, #tpu.memory_space<vmem_shared>> -> memref<10000x128xf32, #tpu.memory_space<vmem_shared>>
        tpu.enqueue_indirect_dma source(%arg9 : memref<125x128xf32, #tpu.memory_space<vmem>>) target(%dma_start3A_154 : memref<10000x128xf32, #tpu.memory_space<vmem_shared>>) offsets(%dma_start3A_151 : memref<125xi32, #tpu.memory_space<vmem>>) semaphore(%run_scoped3A_148 : memref<!tpu.dma_semaphore, #tpu.memory_space<semaphore_mem>>) {add = true}
        %dma_wait3A_155 = arith.constant 0 : i32
        %dma_wait3A_156 = tpu.memref_slice %arg6[%run_scoped3A_132, %run_scoped3A_133, %dma_wait3A_155] : memref<3x2x125xi32, #tpu.memory_space<vmem>> -> memref<1x1x125xi32, #tpu.memory_space<vmem>>
        %dma_wait3A_157 = tpu.memref_squeeze %dma_wait3A_156 : memref<1x1x125xi32, #tpu.memory_space<vmem>> -> memref<125xi32, #tpu.memory_space<vmem>>
        %dma_wait3A_158 = arith.constant 0 : i32
        %dma_wait3A_159 = arith.constant 0 : i32
        %dma_wait3A_160 = tpu.memref_slice %arg10[%dma_wait3A_158, %dma_wait3A_159] : memref<10000x128xf32, #tpu.memory_space<vmem_shared>> -> memref<10000x128xf32, #tpu.memory_space<vmem_shared>>
        tpu.wait_indirect_dma semaphore(%run_scoped3A_148 : memref<!tpu.dma_semaphore, #tpu.memory_space<semaphore_mem>>) src(%arg9 : memref<125x128xf32, #tpu.memory_space<vmem>>) dst(%dma_wait3A_160 : memref<10000x128xf32, #tpu.memory_space<vmem_shared>>)
        tpu.yield
      }) : () -> ()
      %add3A_134 = arith.constant 3 : i32
      %add3A_135 = arith.addi %add3A_123, %add3A_134 : i32
      %lt3A_136 = arith.constant 80 : i32
      %lt3A_137 = arith.cmpi slt, %add3A_135, %lt3A_136 : i32
      %convert_element_type3A_138 = arith.extui %lt3A_137 : i1 to i32
      %cond3A_139 = arith.constant 0 : i32
      %cond3A_140 = arith.cmpi ne, %convert_element_type3A_138, %cond3A_139 : i32
      scf.if %cond3A_140 {
        %add3A_148 = arith.constant 3 : i32
        %add3A_149 = arith.addi %add3A_123, %add3A_148 : i32
        %dma_start3A_150 = arith.constant 2 : i32
        %dma_start3A_151 = arith.constant 0 : i32
        %dma_start3A_152 = arith.constant 0 : i32
        %dma_start3A_153 = tpu.memref_slice %arg6[%dma_start3A_150, %dma_start3A_151, %dma_start3A_152] : memref<3x2x125xi32, #tpu.memory_space<vmem>> -> memref<1x2x125xi32, #tpu.memory_space<vmem>>
        %dma_start3A_154 = tpu.memref_squeeze %dma_start3A_153 : memref<1x2x125xi32, #tpu.memory_space<vmem>> -> memref<2x125xi32, #tpu.memory_space<vmem>>
        %dma_start3A_155 = arith.constant 0 : i32
        %dma_start3A_156 = arith.constant 0 : i32
        %dma_start3A_157 = tpu.memref_slice %arg3[%add3A, %add3A_149, %dma_start3A_155, %dma_start3A_156] : memref<32x80x2x125xi32, #tpu.memory_space<hbm>> -> memref<1x1x2x125xi32, #tpu.memory_space<hbm>>
        %dma_start3A_158 = tpu.memref_squeeze %dma_start3A_157 : memref<1x1x2x125xi32, #tpu.memory_space<hbm>> -> memref<2x125xi32, #tpu.memory_space<hbm>>
        %dma_start3A_159 = arith.constant 0 : i32
        %dma_start3A_160 = arith.constant 0 : i32
        %dma_start3A_161 = tpu.memref_slice %arg6[%dma_start3A_150, %dma_start3A_159, %dma_start3A_160] : memref<3x2x125xi32, #tpu.memory_space<vmem>> -> memref<1x2x125xi32, #tpu.memory_space<vmem>>
        %dma_start3A_162 = tpu.memref_squeeze %dma_start3A_161 : memref<1x2x125xi32, #tpu.memory_space<vmem>> -> memref<2x125xi32, #tpu.memory_space<vmem>>
        %dma_start3A_163 = arith.constant 0 : i32
        %dma_start3A_164 = arith.constant 0 : i32
        %dma_start3A_165 = tpu.memref_slice %arg3[%add3A, %add3A_149, %dma_start3A_163, %dma_start3A_164] : memref<32x80x2x125xi32, #tpu.memory_space<hbm>> -> memref<1x1x2x125xi32, #tpu.memory_space<hbm>>
        %dma_start3A_166 = tpu.memref_squeeze %dma_start3A_165 : memref<1x1x2x125xi32, #tpu.memory_space<hbm>> -> memref<2x125xi32, #tpu.memory_space<hbm>>
        tpu.enqueue_dma source(%dma_start3A_166 : memref<2x125xi32, #tpu.memory_space<hbm>>) target(%dma_start3A_162 : memref<2x125xi32, #tpu.memory_space<vmem>>) target_semaphore(%arg16 : memref<!tpu.dma_semaphore, #tpu.memory_space<semaphore_mem>>)
      } else {
      }
      %add3A_141 = arith.constant 2 : i32
      %add3A_142 = arith.addi %add3A_123, %add3A_141 : i32
      %lt3A_143 = arith.constant 80 : i32
      %lt3A_144 = arith.cmpi slt, %add3A_142, %lt3A_143 : i32
      %convert_element_type3A_145 = arith.extui %lt3A_144 : i1 to i32
      %cond3A_146 = arith.constant 0 : i32
      %cond3A_147 = arith.cmpi ne, %convert_element_type3A_145, %cond3A_146 : i32
      scf.if %cond3A_147 {
        %dma_wait3A_148 = arith.constant 0 : i32
        %dma_wait3A_149 = arith.constant 1 : i32
        %dma_wait3A_150 = arith.constant 0 : i32
        %dma_wait3A_151 = arith.constant 0 : i32
        %dma_wait3A_152 = tpu.memref_slice %arg6[%dma_wait3A_149, %dma_wait3A_150, %dma_wait3A_151] : memref<3x2x125xi32, #tpu.memory_space<vmem>> -> memref<1x2x125xi32, #tpu.memory_space<vmem>>
        %dma_wait3A_153 = tpu.memref_squeeze %dma_wait3A_152 : memref<1x2x125xi32, #tpu.memory_space<vmem>> -> memref<2x125xi32, #tpu.memory_space<vmem>>
        %dma_wait3A_154 = arith.constant 0 : i32
        %dma_wait3A_155 = arith.constant 0 : i32
        %dma_wait3A_156 = tpu.memref_slice %arg3[%add3A, %dma_wait3A_148, %dma_wait3A_154, %dma_wait3A_155] : memref<32x80x2x125xi32, #tpu.memory_space<hbm>> -> memref<1x1x2x125xi32, #tpu.memory_space<hbm>>
        %dma_wait3A_157 = tpu.memref_squeeze %dma_wait3A_156 : memref<1x1x2x125xi32, #tpu.memory_space<hbm>> -> memref<2x125xi32, #tpu.memory_space<hbm>>
        %dma_wait3A_158 = arith.constant 0 : i32
        %dma_wait3A_159 = arith.constant 0 : i32
        %dma_wait3A_160 = tpu.memref_slice %arg6[%dma_wait3A_149, %dma_wait3A_158, %dma_wait3A_159] : memref<3x2x125xi32, #tpu.memory_space<vmem>> -> memref<1x2x125xi32, #tpu.memory_space<vmem>>
        %dma_wait3A_161 = tpu.memref_squeeze %dma_wait3A_160 : memref<1x2x125xi32, #tpu.memory_space<vmem>> -> memref<2x125xi32, #tpu.memory_space<vmem>>
        %dma_wait3A_162 = arith.constant 0 : i32
        %dma_wait3A_163 = arith.constant 0 : i32
        %dma_wait3A_164 = tpu.memref_slice %arg3[%add3A, %dma_wait3A_148, %dma_wait3A_162, %dma_wait3A_163] : memref<32x80x2x125xi32, #tpu.memory_space<hbm>> -> memref<1x1x2x125xi32, #tpu.memory_space<hbm>>
        %dma_wait3A_165 = tpu.memref_squeeze %dma_wait3A_164 : memref<1x1x2x125xi32, #tpu.memory_space<hbm>> -> memref<2x125xi32, #tpu.memory_space<hbm>>
        tpu.wait_dma2 semaphore(%arg15 : memref<!tpu.dma_semaphore, #tpu.memory_space<semaphore_mem>>) src(%dma_wait3A_165 : memref<2x125xi32, #tpu.memory_space<hbm>>) dst(%dma_wait3A_161 : memref<2x125xi32, #tpu.memory_space<vmem>>)
        %dma_start3A_166 = arith.constant 1 : i32
        %dma_start3A_167 = arith.constant 0 : i32
        %dma_start3A_168 = arith.constant 0 : i32
        %dma_start3A_169 = tpu.memref_slice %arg6[%dma_start3A_166, %dma_start3A_167, %dma_start3A_168] : memref<3x2x125xi32, #tpu.memory_space<vmem>> -> memref<1x1x125xi32, #tpu.memory_space<vmem>>
        %dma_start3A_170 = tpu.memref_squeeze %dma_start3A_169 : memref<1x1x125xi32, #tpu.memory_space<vmem>> -> memref<125xi32, #tpu.memory_space<vmem>>
        %dma_start3A_171 = arith.constant 0 : i32
        %dma_start3A_172 = arith.constant 0 : i32
        %dma_start3A_173 = tpu.memref_slice %arg2[%dma_start3A_171, %dma_start3A_172] : memref<10000x128xf32, #tpu.memory_space<hbm>> -> memref<10000x128xf32, #tpu.memory_space<hbm>>
        tpu.enqueue_indirect_dma source(%dma_start3A_173 : memref<10000x128xf32, #tpu.memory_space<hbm>>) target(%arg8 : memref<125x128xf32, #tpu.memory_space<vmem>>) offsets(%dma_start3A_170 : memref<125xi32, #tpu.memory_space<vmem>>) semaphore(%arg12 : memref<!tpu.dma_semaphore, #tpu.memory_space<semaphore_mem>>)
      } else {
      }
    }
    %scan3A_43 = arith.constant 26 : i32
    %dma_wait3A = arith.constant 0 : i32
    %dma_wait3A_44 = arith.constant 0 : i32
    %dma_wait3A_45 = arith.constant 0 : i32
    %dma_wait3A_46 = tpu.memref_slice %arg6[%dma_wait3A, %dma_wait3A_44, %dma_wait3A_45] : memref<3x2x125xi32, #tpu.memory_space<vmem>> -> memref<1x1x125xi32, #tpu.memory_space<vmem>>
    %dma_wait3A_47 = tpu.memref_squeeze %dma_wait3A_46 : memref<1x1x125xi32, #tpu.memory_space<vmem>> -> memref<125xi32, #tpu.memory_space<vmem>>
    %dma_wait3A_48 = arith.constant 0 : i32
    %dma_wait3A_49 = arith.constant 0 : i32
    %dma_wait3A_50 = tpu.memref_slice %arg2[%dma_wait3A_48, %dma_wait3A_49] : memref<10000x128xf32, #tpu.memory_space<hbm>> -> memref<10000x128xf32, #tpu.memory_space<hbm>>
    tpu.wait_indirect_dma semaphore(%arg11 : memref<!tpu.dma_semaphore, #tpu.memory_space<semaphore_mem>>) src(%dma_wait3A_50 : memref<10000x128xf32, #tpu.memory_space<hbm>>) dst(%arg7 : memref<125x128xf32, #tpu.memory_space<vmem>>)
    %run_scoped3A_51 = arith.constant 0 : i32
    %run_scoped3A_52 = arith.constant 1 : i32
    "tpu.region"() ({
      %run_scoped3A_69 = tpu.sem_alloc : memref<!tpu.dma_semaphore, #tpu.memory_space<semaphore_mem>>
      %dma_start3A_70 = arith.constant 0 : i32
      %dma_start3A_71 = tpu.memref_slice %arg6[%run_scoped3A_51, %run_scoped3A_52, %dma_start3A_70] : memref<3x2x125xi32, #tpu.memory_space<vmem>> -> memref<1x1x125xi32, #tpu.memory_space<vmem>>
      %dma_start3A_72 = tpu.memref_squeeze %dma_start3A_71 : memref<1x1x125xi32, #tpu.memory_space<vmem>> -> memref<125xi32, #tpu.memory_space<vmem>>
      %dma_start3A_73 = arith.constant 0 : i32
      %dma_start3A_74 = arith.constant 0 : i32
      %dma_start3A_75 = tpu.memref_slice %arg10[%dma_start3A_73, %dma_start3A_74] : memref<10000x128xf32, #tpu.memory_space<vmem_shared>> -> memref<10000x128xf32, #tpu.memory_space<vmem_shared>>
      tpu.enqueue_indirect_dma source(%arg7 : memref<125x128xf32, #tpu.memory_space<vmem>>) target(%dma_start3A_75 : memref<10000x128xf32, #tpu.memory_space<vmem_shared>>) offsets(%dma_start3A_72 : memref<125xi32, #tpu.memory_space<vmem>>) semaphore(%run_scoped3A_69 : memref<!tpu.dma_semaphore, #tpu.memory_space<semaphore_mem>>) {add = true}
      %dma_wait3A_76 = arith.constant 0 : i32
      %dma_wait3A_77 = tpu.memref_slice %arg6[%run_scoped3A_51, %run_scoped3A_52, %dma_wait3A_76] : memref<3x2x125xi32, #tpu.memory_space<vmem>> -> memref<1x1x125xi32, #tpu.memory_space<vmem>>
      %dma_wait3A_78 = tpu.memref_squeeze %dma_wait3A_77 : memref<1x1x125xi32, #tpu.memory_space<vmem>> -> memref<125xi32, #tpu.memory_space<vmem>>
      %dma_wait3A_79 = arith.constant 0 : i32
      %dma_wait3A_80 = arith.constant 0 : i32
      %dma_wait3A_81 = tpu.memref_slice %arg10[%dma_wait3A_79, %dma_wait3A_80] : memref<10000x128xf32, #tpu.memory_space<vmem_shared>> -> memref<10000x128xf32, #tpu.memory_space<vmem_shared>>
      tpu.wait_indirect_dma semaphore(%run_scoped3A_69 : memref<!tpu.dma_semaphore, #tpu.memory_space<semaphore_mem>>) src(%arg7 : memref<125x128xf32, #tpu.memory_space<vmem>>) dst(%dma_wait3A_81 : memref<10000x128xf32, #tpu.memory_space<vmem_shared>>)
      tpu.yield
    }) : () -> ()
    %dma_wait3A_53 = arith.constant 1 : i32
    %dma_wait3A_54 = arith.constant 0 : i32
    %dma_wait3A_55 = arith.constant 0 : i32
    %dma_wait3A_56 = tpu.memref_slice %arg6[%dma_wait3A_53, %dma_wait3A_54, %dma_wait3A_55] : memref<3x2x125xi32, #tpu.memory_space<vmem>> -> memref<1x1x125xi32, #tpu.memory_space<vmem>>
    %dma_wait3A_57 = tpu.memref_squeeze %dma_wait3A_56 : memref<1x1x125xi32, #tpu.memory_space<vmem>> -> memref<125xi32, #tpu.memory_space<vmem>>
    %dma_wait3A_58 = arith.constant 0 : i32
    %dma_wait3A_59 = arith.constant 0 : i32
    %dma_wait3A_60 = tpu.memref_slice %arg2[%dma_wait3A_58, %dma_wait3A_59] : memref<10000x128xf32, #tpu.memory_space<hbm>> -> memref<10000x128xf32, #tpu.memory_space<hbm>>
    tpu.wait_indirect_dma semaphore(%arg12 : memref<!tpu.dma_semaphore, #tpu.memory_space<semaphore_mem>>) src(%dma_wait3A_60 : memref<10000x128xf32, #tpu.memory_space<hbm>>) dst(%arg8 : memref<125x128xf32, #tpu.memory_space<vmem>>)
    %run_scoped3A_61 = arith.constant 1 : i32
    %run_scoped3A_62 = arith.constant 1 : i32
    "tpu.region"() ({
      %run_scoped3A_69 = tpu.sem_alloc : memref<!tpu.dma_semaphore, #tpu.memory_space<semaphore_mem>>
      %dma_start3A_70 = arith.constant 0 : i32
      %dma_start3A_71 = tpu.memref_slice %arg6[%run_scoped3A_61, %run_scoped3A_62, %dma_start3A_70] : memref<3x2x125xi32, #tpu.memory_space<vmem>> -> memref<1x1x125xi32, #tpu.memory_space<vmem>>
      %dma_start3A_72 = tpu.memref_squeeze %dma_start3A_71 : memref<1x1x125xi32, #tpu.memory_space<vmem>> -> memref<125xi32, #tpu.memory_space<vmem>>
      %dma_start3A_73 = arith.constant 0 : i32
      %dma_start3A_74 = arith.constant 0 : i32
      %dma_start3A_75 = tpu.memref_slice %arg10[%dma_start3A_73, %dma_start3A_74] : memref<10000x128xf32, #tpu.memory_space<vmem_shared>> -> memref<10000x128xf32, #tpu.memory_space<vmem_shared>>
      tpu.enqueue_indirect_dma source(%arg8 : memref<125x128xf32, #tpu.memory_space<vmem>>) target(%dma_start3A_75 : memref<10000x128xf32, #tpu.memory_space<vmem_shared>>) offsets(%dma_start3A_72 : memref<125xi32, #tpu.memory_space<vmem>>) semaphore(%run_scoped3A_69 : memref<!tpu.dma_semaphore, #tpu.memory_space<semaphore_mem>>) {add = true}
      %dma_wait3A_76 = arith.constant 0 : i32
      %dma_wait3A_77 = tpu.memref_slice %arg6[%run_scoped3A_61, %run_scoped3A_62, %dma_wait3A_76] : memref<3x2x125xi32, #tpu.memory_space<vmem>> -> memref<1x1x125xi32, #tpu.memory_space<vmem>>
      %dma_wait3A_78 = tpu.memref_squeeze %dma_wait3A_77 : memref<1x1x125xi32, #tpu.memory_space<vmem>> -> memref<125xi32, #tpu.memory_space<vmem>>
      %dma_wait3A_79 = arith.constant 0 : i32
      %dma_wait3A_80 = arith.constant 0 : i32
      %dma_wait3A_81 = tpu.memref_slice %arg10[%dma_wait3A_79, %dma_wait3A_80] : memref<10000x128xf32, #tpu.memory_space<vmem_shared>> -> memref<10000x128xf32, #tpu.memory_space<vmem_shared>>
      tpu.wait_indirect_dma semaphore(%run_scoped3A_69 : memref<!tpu.dma_semaphore, #tpu.memory_space<semaphore_mem>>) src(%arg8 : memref<125x128xf32, #tpu.memory_space<vmem>>) dst(%dma_wait3A_81 : memref<10000x128xf32, #tpu.memory_space<vmem_shared>>)
      tpu.yield
    }) : () -> ()
    %barrier3A_63 = arith.constant 0 : index
    tpu.barrier barrier_id(%barrier3A_63)
    %lt3A_64 = arith.constant 10 : i32
    %lt3A_65 = arith.cmpi slt, %arg1, %lt3A_64 : i32
    %convert_element_type3A_66 = arith.extui %lt3A_65 : i1 to i32
    %cond3A_67 = arith.constant 0 : i32
    %cond3A_68 = arith.cmpi ne, %convert_element_type3A_66, %cond3A_67 : i32
    scf.if %cond3A_68 {
      %mul3A_69 = arith.constant 1000 : i32
      %mul3A_70 = arith.muli %arg1, %mul3A_69 : i32
      %mul3A_71 = arith.constant 1000 : i32
      %mul3A_72 = arith.muli %arg1, %mul3A_71 : i32
      "tpu.region"() ({
        %run_scoped3A_73 = tpu.sem_alloc : memref<!tpu.dma_semaphore, #tpu.memory_space<semaphore_mem>>
        %dma_start3A_74 = arith.constant 0 : i32
        %dma_start3A_75 = tpu.memref_slice %arg5[%arg0, %mul3A_72, %dma_start3A_74] : memref<2x10000x128xf32, #tpu.memory_space<hbm>> -> memref<1x1000x128xf32, #tpu.memory_space<hbm>>
        %dma_start3A_76 = tpu.memref_squeeze %dma_start3A_75 : memref<1x1000x128xf32, #tpu.memory_space<hbm>> -> memref<1000x128xf32, #tpu.memory_space<hbm>>
        %dma_start3A_77 = arith.constant 0 : i32
        %dma_start3A_78 = tpu.memref_slice %arg10[%mul3A_70, %dma_start3A_77] : memref<10000x128xf32, #tpu.memory_space<vmem_shared>> -> memref<1000x128xf32, #tpu.memory_space<vmem_shared>>
        tpu.enqueue_dma source(%dma_start3A_78 : memref<1000x128xf32, #tpu.memory_space<vmem_shared>>) target(%dma_start3A_76 : memref<1000x128xf32, #tpu.memory_space<hbm>>) target_semaphore(%run_scoped3A_73 : memref<!tpu.dma_semaphore, #tpu.memory_space<semaphore_mem>>)
        %dma_wait3A_79 = arith.constant 0 : i32
        %dma_wait3A_80 = tpu.memref_slice %arg5[%arg0, %mul3A_72, %dma_wait3A_79] : memref<2x10000x128xf32, #tpu.memory_space<hbm>> -> memref<1x1000x128xf32, #tpu.memory_space<hbm>>
        %dma_wait3A_81 = tpu.memref_squeeze %dma_wait3A_80 : memref<1x1000x128xf32, #tpu.memory_space<hbm>> -> memref<1000x128xf32, #tpu.memory_space<hbm>>
        %dma_wait3A_82 = arith.constant 0 : i32
        %dma_wait3A_83 = tpu.memref_slice %arg10[%mul3A_70, %dma_wait3A_82] : memref<10000x128xf32, #tpu.memory_space<vmem_shared>> -> memref<1000x128xf32, #tpu.memory_space<vmem_shared>>
        tpu.wait_dma2 semaphore(%run_scoped3A_73 : memref<!tpu.dma_semaphore, #tpu.memory_space<semaphore_mem>>) src(%dma_wait3A_83 : memref<1000x128xf32, #tpu.memory_space<vmem_shared>>) dst(%dma_wait3A_81 : memref<1000x128xf32, #tpu.memory_space<hbm>>)
        tpu.yield
      }) : () -> ()
    } else {
    }
    return
  }
}

#map = affine_map<(d0, d1) -> (0, 0)>
#map1 = affine_map<(d0, d1) -> (0, 0, 0, 0)>
#map2 = affine_map<(d0, d1) -> (0, 0, 0)>
module attributes {stable_mosaic.version = 14 : i64} {
  func.func @k(%arg0: i32, %arg1: i32, %arg2: memref<10000x128xf32, #tpu.memory_space<hbm>>, %arg3: memref<32x80x2x125xi32, #tpu.memory_space<hbm>>, %arg4: memref<10000x128xf32, #tpu.memory_space<hbm>>, %arg5: memref<2x10000x128xf32, #tpu.memory_space<hbm>>, %arg6: memref<3x2x125xi32, #tpu.memory_space<vmem>>, %arg7: memref<125x128xf32, #tpu.memory_space<vmem>>, %arg8: memref<125x128xf32, #tpu.memory_space<vmem>>, %arg9: memref<125x128xf32, #tpu.memory_space<vmem>>, %arg10: memref<10000x128xf32, #tpu.memory_space<vmem_shared>>, %arg11: memref<!tpu.dma_semaphore, #tpu.memory_space<semaphore_mem>>, %arg12: memref<!tpu.dma_semaphore, #tpu.memory_space<semaphore_mem>>, %arg13: memref<!tpu.dma_semaphore, #tpu.memory_space<semaphore_mem>>, %arg14: memref<!tpu.dma_semaphore, #tpu.memory_space<semaphore_mem>>, %arg15: memref<!tpu.dma_semaphore, #tpu.memory_space<semaphore_mem>>, %arg16: memref<!tpu.dma_semaphore, #tpu.memory_space<semaphore_mem>>) attributes {dimension_semantics = [#tpu.dimension_semantics<core_parallel>, #tpu.dimension_semantics<subcore_parallel>], iteration_bounds = array<i64: 2, 16>, scalar_prefetch = 0 : i64, scratch_operands = 11 : i64, tpu.core_type = #tpu.core_type<sc_vector_subcore>, window_params = [{transform_indices = #map}, {transform_indices = #map1}, {transform_indices = #map}, {transform_indices = #map2}]} {
    %mul3A = arith.constant 2 : i32
    %mul3A_0 = arith.muli %arg1, %mul3A : i32
    %add3A = arith.addi %mul3A_0, %arg0 : i32
    %lt3A = arith.constant 10 : i32
    %lt3A_1 = arith.cmpi slt, %arg1, %lt3A : i32
    %convert_element_type3A = arith.extui %lt3A_1 : i1 to i32
    %cond3A = arith.constant 0 : i32
    %cond3A_2 = arith.cmpi ne, %convert_element_type3A, %cond3A : i32
    scf.if %cond3A_2 {
      %mul3A_69 = arith.constant 1000 : i32
      %mul3A_70 = arith.muli %arg1, %mul3A_69 : i32
      %mul3A_71 = arith.constant 1000 : i32
      %mul3A_72 = arith.muli %arg1, %mul3A_71 : i32
      "tpu.region"() ({
        %run_scoped3A_73 = tpu.sem_alloc : memref<!tpu.dma_semaphore, #tpu.memory_space<semaphore_mem>>
        %dma_start3A_74 = arith.constant 0 : i32
        %dma_start3A_75 = tpu.memref_slice %arg10[%mul3A_72, %dma_start3A_74] : memref<10000x128xf32, #tpu.memory_space<vmem_shared>> -> memref<1000x128xf32, #tpu.memory_space<vmem_shared>>
        %dma_start3A_76 = arith.constant 0 : i32
        %dma_start3A_77 = tpu.memref_slice %arg4[%mul3A_70, %dma_start3A_76] : memref<10000x128xf32, #tpu.memory_space<hbm>> -> memref<1000x128xf32, #tpu.memory_space<hbm>>
        tpu.enqueue_dma source(%dma_start3A_77 : memref<1000x128xf32, #tpu.memory_space<hbm>>) target(%dma_start3A_75 : memref<1000x128xf32, #tpu.memory_space<vmem_shared>>) target_semaphore(%run_scoped3A_73 : memref<!tpu.dma_semaphore, #tpu.memory_space<semaphore_mem>>)
        %dma_wait3A_78 = arith.constant 0 : i32
        %dma_wait3A_79 = tpu.memref_slice %arg10[%mul3A_72, %dma_wait3A_78] : memref<10000x128xf32, #tpu.memory_space<vmem_shared>> -> memref<1000x128xf32, #tpu.memory_space<vmem_shared>>
        %dma_wait3A_80 = arith.constant 0 : i32
        %dma_wait3A_81 = tpu.memref_slice %arg4[%mul3A_70, %dma_wait3A_80] : memref<10000x128xf32, #tpu.memory_space<hbm>> -> memref<1000x128xf32, #tpu.memory_space<hbm>>
        tpu.wait_dma2 semaphore(%run_scoped3A_73 : memref<!tpu.dma_semaphore, #tpu.memory_space<semaphore_mem>>) src(%dma_wait3A_81 : memref<1000x128xf32, #tpu.memory_space<hbm>>) dst(%dma_wait3A_79 : memref<1000x128xf32, #tpu.memory_space<vmem_shared>>)
        tpu.yield
      }) : () -> ()
    } else {
    }
    %barrier3A = arith.constant 0 : index
    tpu.barrier barrier_id(%barrier3A)
    %run_scoped3A = arith.constant 0 : i32
    %run_scoped3A_3 = arith.constant 0 : i32
    "tpu.region"() ({
      %run_scoped3A_69 = tpu.sem_alloc : memref<!tpu.dma_semaphore, #tpu.memory_space<semaphore_mem>>
      %dma_start3A_70 = arith.constant 0 : i32
      %dma_start3A_71 = arith.constant 0 : i32
      %dma_start3A_72 = tpu.memref_slice %arg6[%run_scoped3A_3, %dma_start3A_70, %dma_start3A_71] : memref<3x2x125xi32, #tpu.memory_space<vmem>> -> memref<1x2x125xi32, #tpu.memory_space<vmem>>
      %dma_start3A_73 = tpu.memref_squeeze %dma_start3A_72 : memref<1x2x125xi32, #tpu.memory_space<vmem>> -> memref<2x125xi32, #tpu.memory_space<vmem>>
      %dma_start3A_74 = arith.constant 0 : i32
      %dma_start3A_75 = arith.constant 0 : i32
      %dma_start3A_76 = tpu.memref_slice %arg3[%add3A, %run_scoped3A, %dma_start3A_74, %dma_start3A_75] : memref<32x80x2x125xi32, #tpu.memory_space<hbm>> -> memref<1x1x2x125xi32, #tpu.memory_space<hbm>>
      %dma_start3A_77 = tpu.memref_squeeze %dma_start3A_76 : memref<1x1x2x125xi32, #tpu.memory_space<hbm>> -> memref<2x125xi32, #tpu.memory_space<hbm>>
      %dma_start3A_78 = arith.constant 0 : i32
      %dma_start3A_79 = arith.constant 0 : i32
      %dma_start3A_80 = tpu.memref_slice %arg6[%run_scoped3A_3, %dma_start3A_78, %dma_start3A_79] : memref<3x2x125xi32, #tpu.memory_space<vmem>> -> memref<1x2x125xi32, #tpu.memory_space<vmem>>
      %dma_start3A_81 = tpu.memref_squeeze %dma_start3A_80 : memref<1x2x125xi32, #tpu.memory_space<vmem>> -> memref<2x125xi32, #tpu.memory_space<vmem>>
      %dma_start3A_82 = arith.constant 0 : i32
      %dma_start3A_83 = arith.constant 0 : i32
      %dma_start3A_84 = tpu.memref_slice %arg3[%add3A, %run_scoped3A, %dma_start3A_82, %dma_start3A_83] : memref<32x80x2x125xi32, #tpu.memory_space<hbm>> -> memref<1x1x2x125xi32, #tpu.memory_space<hbm>>
      %dma_start3A_85 = tpu.memref_squeeze %dma_start3A_84 : memref<1x1x2x125xi32, #tpu.memory_space<hbm>> -> memref<2x125xi32, #tpu.memory_space<hbm>>
      tpu.enqueue_dma source(%dma_start3A_85 : memref<2x125xi32, #tpu.memory_space<hbm>>) target(%dma_start3A_81 : memref<2x125xi32, #tpu.memory_space<vmem>>) target_semaphore(%run_scoped3A_69 : memref<!tpu.dma_semaphore, #tpu.memory_space<semaphore_mem>>)
      %dma_wait3A_86 = arith.constant 0 : i32
      %dma_wait3A_87 = arith.constant 0 : i32
      %dma_wait3A_88 = tpu.memref_slice %arg6[%run_scoped3A_3, %dma_wait3A_86, %dma_wait3A_87] : memref<3x2x125xi32, #tpu.memory_space<vmem>> -> memref<1x2x125xi32, #tpu.memory_space<vmem>>
      %dma_wait3A_89 = tpu.memref_squeeze %dma_wait3A_88 : memref<1x2x125xi32, #tpu.memory_space<vmem>> -> memref<2x125xi32, #tpu.memory_space<vmem>>
      %dma_wait3A_90 = arith.constant 0 : i32
      %dma_wait3A_91 = arith.constant 0 : i32
      %dma_wait3A_92 = tpu.memref_slice %arg3[%add3A, %run_scoped3A, %dma_wait3A_90, %dma_wait3A_91] : memref<32x80x2x125xi32, #tpu.memory_space<hbm>> -> memref<1x1x2x125xi32, #tpu.memory_space<hbm>>
      %dma_wait3A_93 = tpu.memref_squeeze %dma_wait3A_92 : memref<1x1x2x125xi32, #tpu.memory_space<hbm>> -> memref<2x125xi32, #tpu.memory_space<hbm>>
      %dma_wait3A_94 = arith.constant 0 : i32
      %dma_wait3A_95 = arith.constant 0 : i32
      %dma_wait3A_96 = tpu.memref_slice %arg6[%run_scoped3A_3, %dma_wait3A_94, %dma_wait3A_95] : memref<3x2x125xi32, #tpu.memory_space<vmem>> -> memref<1x2x125xi32, #tpu.memory_space<vmem>>
      %dma_wait3A_97 = tpu.memref_squeeze %dma_wait3A_96 : memref<1x2x125xi32, #tpu.memory_space<vmem>> -> memref<2x125xi32, #tpu.memory_space<vmem>>
      %dma_wait3A_98 = arith.constant 0 : i32
      %dma_wait3A_99 = arith.constant 0 : i32
      %dma_wait3A_100 = tpu.memref_slice %arg3[%add3A, %run_scoped3A, %dma_wait3A_98, %dma_wait3A_99] : memref<32x80x2x125xi32, #tpu.memory_space<hbm>> -> memref<1x1x2x125xi32, #tpu.memory_space<hbm>>
      %dma_wait3A_101 = tpu.memref_squeeze %dma_wait3A_100 : memref<1x1x2x125xi32, #tpu.memory_space<hbm>> -> memref<2x125xi32, #tpu.memory_space<hbm>>
      tpu.wait_dma2 semaphore(%run_scoped3A_69 : memref<!tpu.dma_semaphore, #tpu.memory_space<semaphore_mem>>) src(%dma_wait3A_101 : memref<2x125xi32, #tpu.memory_space<hbm>>) dst(%dma_wait3A_97 : memref<2x125xi32, #tpu.memory_space<vmem>>)
      tpu.yield
    }) : () -> ()
    %run_scoped3A_4 = arith.constant 1 : i32
    %run_scoped3A_5 = arith.constant 1 : i32
    "tpu.region"() ({
      %run_scoped3A_69 = tpu.sem_alloc : memref<!tpu.dma_semaphore, #tpu.memory_space<semaphore_mem>>
      %dma_start3A_70 = arith.constant 0 : i32
      %dma_start3A_71 = arith.constant 0 : i32
      %dma_start3A_72 = tpu.memref_slice %arg6[%run_scoped3A_5, %dma_start3A_70, %dma_start3A_71] : memref<3x2x125xi32, #tpu.memory_space<vmem>> -> memref<1x2x125xi32, #tpu.memory_space<vmem>>
      %dma_start3A_73 = tpu.memref_squeeze %dma_start3A_72 : memref<1x2x125xi32, #tpu.memory_space<vmem>> -> memref<2x125xi32, #tpu.memory_space<vmem>>
      %dma_start3A_74 = arith.constant 0 : i32
      %dma_start3A_75 = arith.constant 0 : i32
      %dma_start3A_76 = tpu.memref_slice %arg3[%add3A, %run_scoped3A_4, %dma_start3A_74, %dma_start3A_75] : memref<32x80x2x125xi32, #tpu.memory_space<hbm>> -> memref<1x1x2x125xi32, #tpu.memory_space<hbm>>
      %dma_start3A_77 = tpu.memref_squeeze %dma_start3A_76 : memref<1x1x2x125xi32, #tpu.memory_space<hbm>> -> memref<2x125xi32, #tpu.memory_space<hbm>>
      %dma_start3A_78 = arith.constant 0 : i32
      %dma_start3A_79 = arith.constant 0 : i32
      %dma_start3A_80 = tpu.memref_slice %arg6[%run_scoped3A_5, %dma_start3A_78, %dma_start3A_79] : memref<3x2x125xi32, #tpu.memory_space<vmem>> -> memref<1x2x125xi32, #tpu.memory_space<vmem>>
      %dma_start3A_81 = tpu.memref_squeeze %dma_start3A_80 : memref<1x2x125xi32, #tpu.memory_space<vmem>> -> memref<2x125xi32, #tpu.memory_space<vmem>>
      %dma_start3A_82 = arith.constant 0 : i32
      %dma_start3A_83 = arith.constant 0 : i32
      %dma_start3A_84 = tpu.memref_slice %arg3[%add3A, %run_scoped3A_4, %dma_start3A_82, %dma_start3A_83] : memref<32x80x2x125xi32, #tpu.memory_space<hbm>> -> memref<1x1x2x125xi32, #tpu.memory_space<hbm>>
      %dma_start3A_85 = tpu.memref_squeeze %dma_start3A_84 : memref<1x1x2x125xi32, #tpu.memory_space<hbm>> -> memref<2x125xi32, #tpu.memory_space<hbm>>
      tpu.enqueue_dma source(%dma_start3A_85 : memref<2x125xi32, #tpu.memory_space<hbm>>) target(%dma_start3A_81 : memref<2x125xi32, #tpu.memory_space<vmem>>) target_semaphore(%run_scoped3A_69 : memref<!tpu.dma_semaphore, #tpu.memory_space<semaphore_mem>>)
      %dma_wait3A_86 = arith.constant 0 : i32
      %dma_wait3A_87 = arith.constant 0 : i32
      %dma_wait3A_88 = tpu.memref_slice %arg6[%run_scoped3A_5, %dma_wait3A_86, %dma_wait3A_87] : memref<3x2x125xi32, #tpu.memory_space<vmem>> -> memref<1x2x125xi32, #tpu.memory_space<vmem>>
      %dma_wait3A_89 = tpu.memref_squeeze %dma_wait3A_88 : memref<1x2x125xi32, #tpu.memory_space<vmem>> -> memref<2x125xi32, #tpu.memory_space<vmem>>
      %dma_wait3A_90 = arith.constant 0 : i32
      %dma_wait3A_91 = arith.constant 0 : i32
      %dma_wait3A_92 = tpu.memref_slice %arg3[%add3A, %run_scoped3A_4, %dma_wait3A_90, %dma_wait3A_91] : memref<32x80x2x125xi32, #tpu.memory_space<hbm>> -> memref<1x1x2x125xi32, #tpu.memory_space<hbm>>
      %dma_wait3A_93 = tpu.memref_squeeze %dma_wait3A_92 : memref<1x1x2x125xi32, #tpu.memory_space<hbm>> -> memref<2x125xi32, #tpu.memory_space<hbm>>
      %dma_wait3A_94 = arith.constant 0 : i32
      %dma_wait3A_95 = arith.constant 0 : i32
      %dma_wait3A_96 = tpu.memref_slice %arg6[%run_scoped3A_5, %dma_wait3A_94, %dma_wait3A_95] : memref<3x2x125xi32, #tpu.memory_space<vmem>> -> memref<1x2x125xi32, #tpu.memory_space<vmem>>
      %dma_wait3A_97 = tpu.memref_squeeze %dma_wait3A_96 : memref<1x2x125xi32, #tpu.memory_space<vmem>> -> memref<2x125xi32, #tpu.memory_space<vmem>>
      %dma_wait3A_98 = arith.constant 0 : i32
      %dma_wait3A_99 = arith.constant 0 : i32
      %dma_wait3A_100 = tpu.memref_slice %arg3[%add3A, %run_scoped3A_4, %dma_wait3A_98, %dma_wait3A_99] : memref<32x80x2x125xi32, #tpu.memory_space<hbm>> -> memref<1x1x2x125xi32, #tpu.memory_space<hbm>>
      %dma_wait3A_101 = tpu.memref_squeeze %dma_wait3A_100 : memref<1x1x2x125xi32, #tpu.memory_space<hbm>> -> memref<2x125xi32, #tpu.memory_space<hbm>>
      tpu.wait_dma2 semaphore(%run_scoped3A_69 : memref<!tpu.dma_semaphore, #tpu.memory_space<semaphore_mem>>) src(%dma_wait3A_101 : memref<2x125xi32, #tpu.memory_space<hbm>>) dst(%dma_wait3A_97 : memref<2x125xi32, #tpu.memory_space<vmem>>)
      tpu.yield
    }) : () -> ()
    %dma_start3A = arith.constant 2 : i32
    %dma_start3A_6 = arith.constant 2 : i32
    %dma_start3A_7 = arith.constant 0 : i32
    %dma_start3A_8 = arith.constant 0 : i32
    %dma_start3A_9 = tpu.memref_slice %arg6[%dma_start3A_6, %dma_start3A_7, %dma_start3A_8] : memref<3x2x125xi32, #tpu.memory_space<vmem>> -> memref<1x2x125xi32, #tpu.memory_space<vmem>>
    %dma_start3A_10 = tpu.memref_squeeze %dma_start3A_9 : memref<1x2x125xi32, #tpu.memory_space<vmem>> -> memref<2x125xi32, #tpu.memory_space<vmem>>
    %dma_start3A_11 = arith.constant 0 : i32
    %dma_start3A_12 = arith.constant 0 : i32
    %dma_start3A_13 = tpu.memref_slice %arg3[%add3A, %dma_start3A, %dma_start3A_11, %dma_start3A_12] : memref<32x80x2x125xi32, #tpu.memory_space<hbm>> -> memref<1x1x2x125xi32, #tpu.memory_space<hbm>>
    %dma_start3A_14 = tpu.memref_squeeze %dma_start3A_13 : memref<1x1x2x125xi32, #tpu.memory_space<hbm>> -> memref<2x125xi32, #tpu.memory_space<hbm>>
    %dma_start3A_15 = arith.constant 0 : i32
    %dma_start3A_16 = arith.constant 0 : i32
    %dma_start3A_17 = tpu.memref_slice %arg6[%dma_start3A_6, %dma_start3A_15, %dma_start3A_16] : memref<3x2x125xi32, #tpu.memory_space<vmem>> -> memref<1x2x125xi32, #tpu.memory_space<vmem>>
    %dma_start3A_18 = tpu.memref_squeeze %dma_start3A_17 : memref<1x2x125xi32, #tpu.memory_space<vmem>> -> memref<2x125xi32, #tpu.memory_space<vmem>>
    %dma_start3A_19 = arith.constant 0 : i32
    %dma_start3A_20 = arith.constant 0 : i32
    %dma_start3A_21 = tpu.memref_slice %arg3[%add3A, %dma_start3A, %dma_start3A_19, %dma_start3A_20] : memref<32x80x2x125xi32, #tpu.memory_space<hbm>> -> memref<1x1x2x125xi32, #tpu.memory_space<hbm>>
    %dma_start3A_22 = tpu.memref_squeeze %dma_start3A_21 : memref<1x1x2x125xi32, #tpu.memory_space<hbm>> -> memref<2x125xi32, #tpu.memory_space<hbm>>
    tpu.enqueue_dma source(%dma_start3A_22 : memref<2x125xi32, #tpu.memory_space<hbm>>) target(%dma_start3A_18 : memref<2x125xi32, #tpu.memory_space<vmem>>) target_semaphore(%arg16 : memref<!tpu.dma_semaphore, #tpu.memory_space<semaphore_mem>>)
    %dma_start3A_23 = arith.constant 0 : i32
    %dma_start3A_24 = arith.constant 0 : i32
    %dma_start3A_25 = arith.constant 0 : i32
    %dma_start3A_26 = tpu.memref_slice %arg6[%dma_start3A_23, %dma_start3A_24, %dma_start3A_25] : memref<3x2x125xi32, #tpu.memory_space<vmem>> -> memref<1x1x125xi32, #tpu.memory_space<vmem>>
    %dma_start3A_27 = tpu.memref_squeeze %dma_start3A_26 : memref<1x1x125xi32, #tpu.memory_space<vmem>> -> memref<125xi32, #tpu.memory_space<vmem>>
    %dma_start3A_28 = arith.constant 0 : i32
    %dma_start3A_29 = arith.constant 0 : i32
    %dma_start3A_30 = tpu.memref_slice %arg2[%dma_start3A_28, %dma_start3A_29] : memref<10000x128xf32, #tpu.memory_space<hbm>> -> memref<10000x128xf32, #tpu.memory_space<hbm>>
    tpu.enqueue_indirect_dma source(%dma_start3A_30 : memref<10000x128xf32, #tpu.memory_space<hbm>>) target(%arg7 : memref<125x128xf32, #tpu.memory_space<vmem>>) offsets(%dma_start3A_27 : memref<125xi32, #tpu.memory_space<vmem>>) semaphore(%arg11 : memref<!tpu.dma_semaphore, #tpu.memory_space<semaphore_mem>>)
    %dma_start3A_31 = arith.constant 1 : i32
    %dma_start3A_32 = arith.constant 0 : i32
    %dma_start3A_33 = arith.constant 0 : i32
    %dma_start3A_34 = tpu.memref_slice %arg6[%dma_start3A_31, %dma_start3A_32, %dma_start3A_33] : memref<3x2x125xi32, #tpu.memory_space<vmem>> -> memref<1x1x125xi32, #tpu.memory_space<vmem>>
    %dma_start3A_35 = tpu.memref_squeeze %dma_start3A_34 : memref<1x1x125xi32, #tpu.memory_space<vmem>> -> memref<125xi32, #tpu.memory_space<vmem>>
    %dma_start3A_36 = arith.constant 0 : i32
    %dma_start3A_37 = arith.constant 0 : i32
    %dma_start3A_38 = tpu.memref_slice %arg2[%dma_start3A_36, %dma_start3A_37] : memref<10000x128xf32, #tpu.memory_space<hbm>> -> memref<10000x128xf32, #tpu.memory_space<hbm>>
    tpu.enqueue_indirect_dma source(%dma_start3A_38 : memref<10000x128xf32, #tpu.memory_space<hbm>>) target(%arg8 : memref<125x128xf32, #tpu.memory_space<vmem>>) offsets(%dma_start3A_35 : memref<125xi32, #tpu.memory_space<vmem>>) semaphore(%arg12 : memref<!tpu.dma_semaphore, #tpu.memory_space<semaphore_mem>>)
    %scan3A = arith.constant 0 : i32
    %scan3A_39 = arith.constant 0 : i32
    %scan3A_40 = arith.constant 26 : i32
    %scan3A_41 = arith.addi %scan3A_39, %scan3A_40 : i32
    %scan3A_42 = arith.constant 1 : i32
    scf.for %scan3A_69 = %scan3A_39 to %scan3A_41 step %scan3A_42  : i32 {
      %mul3A_70 = arith.constant 3 : i32
      %mul3A_71 = arith.muli %mul3A_70, %scan3A_69 : i32
      %dma_wait3A_72 = arith.constant 0 : i32
      %dma_wait3A_73 = arith.constant 0 : i32
      %dma_wait3A_74 = arith.constant 0 : i32
      %dma_wait3A_75 = tpu.memref_slice %arg6[%dma_wait3A_72, %dma_wait3A_73, %dma_wait3A_74] : memref<3x2x125xi32, #tpu.memory_space<vmem>> -> memref<1x1x125xi32, #tpu.memory_space<vmem>>
      %dma_wait3A_76 = tpu.memref_squeeze %dma_wait3A_75 : memref<1x1x125xi32, #tpu.memory_space<vmem>> -> memref<125xi32, #tpu.memory_space<vmem>>
      %dma_wait3A_77 = arith.constant 0 : i32
      %dma_wait3A_78 = arith.constant 0 : i32
      %dma_wait3A_79 = tpu.memref_slice %arg2[%dma_wait3A_77, %dma_wait3A_78] : memref<10000x128xf32, #tpu.memory_space<hbm>> -> memref<10000x128xf32, #tpu.memory_space<hbm>>
      tpu.wait_indirect_dma semaphore(%arg11 : memref<!tpu.dma_semaphore, #tpu.memory_space<semaphore_mem>>) src(%dma_wait3A_79 : memref<10000x128xf32, #tpu.memory_space<hbm>>) dst(%arg7 : memref<125x128xf32, #tpu.memory_space<vmem>>)
      %run_scoped3A_80 = arith.constant 0 : i32
      %run_scoped3A_81 = arith.constant 1 : i32
      "tpu.region"() ({
        %run_scoped3A_148 = tpu.sem_alloc : memref<!tpu.dma_semaphore, #tpu.memory_space<semaphore_mem>>
        %dma_start3A_149 = arith.constant 0 : i32
        %dma_start3A_150 = tpu.memref_slice %arg6[%run_scoped3A_80, %run_scoped3A_81, %dma_start3A_149] : memref<3x2x125xi32, #tpu.memory_space<vmem>> -> memref<1x1x125xi32, #tpu.memory_space<vmem>>
        %dma_start3A_151 = tpu.memref_squeeze %dma_start3A_150 : memref<1x1x125xi32, #tpu.memory_space<vmem>> -> memref<125xi32, #tpu.memory_space<vmem>>
        %dma_start3A_152 = arith.constant 0 : i32
        %dma_start3A_153 = arith.constant 0 : i32
        %dma_start3A_154 = tpu.memref_slice %arg10[%dma_start3A_152, %dma_start3A_153] : memref<10000x128xf32, #tpu.memory_space<vmem_shared>> -> memref<10000x128xf32, #tpu.memory_space<vmem_shared>>
        tpu.enqueue_indirect_dma source(%arg7 : memref<125x128xf32, #tpu.memory_space<vmem>>) target(%dma_start3A_154 : memref<10000x128xf32, #tpu.memory_space<vmem_shared>>) offsets(%dma_start3A_151 : memref<125xi32, #tpu.memory_space<vmem>>) semaphore(%run_scoped3A_148 : memref<!tpu.dma_semaphore, #tpu.memory_space<semaphore_mem>>) {add = true}
        %dma_wait3A_155 = arith.constant 0 : i32
        %dma_wait3A_156 = tpu.memref_slice %arg6[%run_scoped3A_80, %run_scoped3A_81, %dma_wait3A_155] : memref<3x2x125xi32, #tpu.memory_space<vmem>> -> memref<1x1x125xi32, #tpu.memory_space<vmem>>
        %dma_wait3A_157 = tpu.memref_squeeze %dma_wait3A_156 : memref<1x1x125xi32, #tpu.memory_space<vmem>> -> memref<125xi32, #tpu.memory_space<vmem>>
        %dma_wait3A_158 = arith.constant 0 : i32
        %dma_wait3A_159 = arith.constant 0 : i32
        %dma_wait3A_160 = tpu.memref_slice %arg10[%dma_wait3A_158, %dma_wait3A_159] : memref<10000x128xf32, #tpu.memory_space<vmem_shared>> -> memref<10000x128xf32, #tpu.memory_space<vmem_shared>>
        tpu.wait_indirect_dma semaphore(%run_scoped3A_148 : memref<!tpu.dma_semaphore, #tpu.memory_space<semaphore_mem>>) src(%arg7 : memref<125x128xf32, #tpu.memory_space<vmem>>) dst(%dma_wait3A_160 : memref<10000x128xf32, #tpu.memory_space<vmem_shared>>)
        tpu.yield
      }) : () -> ()
      %add3A_82 = arith.constant 3 : i32
      %add3A_83 = arith.addi %mul3A_71, %add3A_82 : i32
      %lt3A_84 = arith.constant 80 : i32
      %lt3A_85 = arith.cmpi slt, %add3A_83, %lt3A_84 : i32
      %convert_element_type3A_86 = arith.extui %lt3A_85 : i1 to i32
      %cond3A_87 = arith.constant 0 : i32
      %cond3A_88 = arith.cmpi ne, %convert_element_type3A_86, %cond3A_87 : i32
      scf.if %cond3A_88 {
        %add3A_148 = arith.constant 3 : i32
        %add3A_149 = arith.addi %mul3A_71, %add3A_148 : i32
        %dma_start3A_150 = arith.constant 0 : i32
        %dma_start3A_151 = arith.constant 0 : i32
        %dma_start3A_152 = arith.constant 0 : i32
        %dma_start3A_153 = tpu.memref_slice %arg6[%dma_start3A_150, %dma_start3A_151, %dma_start3A_152] : memref<3x2x125xi32, #tpu.memory_space<vmem>> -> memref<1x2x125xi32, #tpu.memory_space<vmem>>
        %dma_start3A_154 = tpu.memref_squeeze %dma_start3A_153 : memref<1x2x125xi32, #tpu.memory_space<vmem>> -> memref<2x125xi32, #tpu.memory_space<vmem>>
        %dma_start3A_155 = arith.constant 0 : i32
        %dma_start3A_156 = arith.constant 0 : i32
        %dma_start3A_157 = tpu.memref_slice %arg3[%add3A, %add3A_149, %dma_start3A_155, %dma_start3A_156] : memref<32x80x2x125xi32, #tpu.memory_space<hbm>> -> memref<1x1x2x125xi32, #tpu.memory_space<hbm>>
        %dma_start3A_158 = tpu.memref_squeeze %dma_start3A_157 : memref<1x1x2x125xi32, #tpu.memory_space<hbm>> -> memref<2x125xi32, #tpu.memory_space<hbm>>
        %dma_start3A_159 = arith.constant 0 : i32
        %dma_start3A_160 = arith.constant 0 : i32
        %dma_start3A_161 = tpu.memref_slice %arg6[%dma_start3A_150, %dma_start3A_159, %dma_start3A_160] : memref<3x2x125xi32, #tpu.memory_space<vmem>> -> memref<1x2x125xi32, #tpu.memory_space<vmem>>
        %dma_start3A_162 = tpu.memref_squeeze %dma_start3A_161 : memref<1x2x125xi32, #tpu.memory_space<vmem>> -> memref<2x125xi32, #tpu.memory_space<vmem>>
        %dma_start3A_163 = arith.constant 0 : i32
        %dma_start3A_164 = arith.constant 0 : i32
        %dma_start3A_165 = tpu.memref_slice %arg3[%add3A, %add3A_149, %dma_start3A_163, %dma_start3A_164] : memref<32x80x2x125xi32, #tpu.memory_space<hbm>> -> memref<1x1x2x125xi32, #tpu.memory_space<hbm>>
        %dma_start3A_166 = tpu.memref_squeeze %dma_start3A_165 : memref<1x1x2x125xi32, #tpu.memory_space<hbm>> -> memref<2x125xi32, #tpu.memory_space<hbm>>
        tpu.enqueue_dma source(%dma_start3A_166 : memref<2x125xi32, #tpu.memory_space<hbm>>) target(%dma_start3A_162 : memref<2x125xi32, #tpu.memory_space<vmem>>) target_semaphore(%arg14 : memref<!tpu.dma_semaphore, #tpu.memory_space<semaphore_mem>>)
      } else {
      }
      %add3A_89 = arith.constant 2 : i32
      %add3A_90 = arith.addi %mul3A_71, %add3A_89 : i32
      %lt3A_91 = arith.constant 80 : i32
      %lt3A_92 = arith.cmpi slt, %add3A_90, %lt3A_91 : i32
      %convert_element_type3A_93 = arith.extui %lt3A_92 : i1 to i32
      %cond3A_94 = arith.constant 0 : i32
      %cond3A_95 = arith.cmpi ne, %convert_element_type3A_93, %cond3A_94 : i32
      scf.if %cond3A_95 {
        %dma_wait3A_148 = arith.constant 0 : i32
        %dma_wait3A_149 = arith.constant 2 : i32
        %dma_wait3A_150 = arith.constant 0 : i32
        %dma_wait3A_151 = arith.constant 0 : i32
        %dma_wait3A_152 = tpu.memref_slice %arg6[%dma_wait3A_149, %dma_wait3A_150, %dma_wait3A_151] : memref<3x2x125xi32, #tpu.memory_space<vmem>> -> memref<1x2x125xi32, #tpu.memory_space<vmem>>
        %dma_wait3A_153 = tpu.memref_squeeze %dma_wait3A_152 : memref<1x2x125xi32, #tpu.memory_space<vmem>> -> memref<2x125xi32, #tpu.memory_space<vmem>>
        %dma_wait3A_154 = arith.constant 0 : i32
        %dma_wait3A_155 = arith.constant 0 : i32
        %dma_wait3A_156 = tpu.memref_slice %arg3[%add3A, %dma_wait3A_148, %dma_wait3A_154, %dma_wait3A_155] : memref<32x80x2x125xi32, #tpu.memory_space<hbm>> -> memref<1x1x2x125xi32, #tpu.memory_space<hbm>>
        %dma_wait3A_157 = tpu.memref_squeeze %dma_wait3A_156 : memref<1x1x2x125xi32, #tpu.memory_space<hbm>> -> memref<2x125xi32, #tpu.memory_space<hbm>>
        %dma_wait3A_158 = arith.constant 0 : i32
        %dma_wait3A_159 = arith.constant 0 : i32
        %dma_wait3A_160 = tpu.memref_slice %arg6[%dma_wait3A_149, %dma_wait3A_158, %dma_wait3A_159] : memref<3x2x125xi32, #tpu.memory_space<vmem>> -> memref<1x2x125xi32, #tpu.memory_space<vmem>>
        %dma_wait3A_161 = tpu.memref_squeeze %dma_wait3A_160 : memref<1x2x125xi32, #tpu.memory_space<vmem>> -> memref<2x125xi32, #tpu.memory_space<vmem>>
        %dma_wait3A_162 = arith.constant 0 : i32
        %dma_wait3A_163 = arith.constant 0 : i32
        %dma_wait3A_164 = tpu.memref_slice %arg3[%add3A, %dma_wait3A_148, %dma_wait3A_162, %dma_wait3A_163] : memref<32x80x2x125xi32, #tpu.memory_space<hbm>> -> memref<1x1x2x125xi32, #tpu.memory_space<hbm>>
        %dma_wait3A_165 = tpu.memref_squeeze %dma_wait3A_164 : memref<1x1x2x125xi32, #tpu.memory_space<hbm>> -> memref<2x125xi32, #tpu.memory_space<hbm>>
        tpu.wait_dma2 semaphore(%arg16 : memref<!tpu.dma_semaphore, #tpu.memory_space<semaphore_mem>>) src(%dma_wait3A_165 : memref<2x125xi32, #tpu.memory_space<hbm>>) dst(%dma_wait3A_161 : memref<2x125xi32, #tpu.memory_space<vmem>>)
        %dma_start3A_166 = arith.constant 2 : i32
        %dma_start3A_167 = arith.constant 0 : i32
        %dma_start3A_168 = arith.constant 0 : i32
        %dma_start3A_169 = tpu.memref_slice %arg6[%dma_start3A_166, %dma_start3A_167, %dma_start3A_168] : memref<3x2x125xi32, #tpu.memory_space<vmem>> -> memref<1x1x125xi32, #tpu.memory_space<vmem>>
        %dma_start3A_170 = tpu.memref_squeeze %dma_start3A_169 : memref<1x1x125xi32, #tpu.memory_space<vmem>> -> memref<125xi32, #tpu.memory_space<vmem>>
        %dma_start3A_171 = arith.constant 0 : i32
        %dma_start3A_172 = arith.constant 0 : i32
        %dma_start3A_173 = tpu.memref_slice %arg2[%dma_start3A_171, %dma_start3A_172] : memref<10000x128xf32, #tpu.memory_space<hbm>> -> memref<10000x128xf32, #tpu.memory_space<hbm>>
        tpu.enqueue_indirect_dma source(%dma_start3A_173 : memref<10000x128xf32, #tpu.memory_space<hbm>>) target(%arg9 : memref<125x128xf32, #tpu.memory_space<vmem>>) offsets(%dma_start3A_170 : memref<125xi32, #tpu.memory_space<vmem>>) semaphore(%arg13 : memref<!tpu.dma_semaphore, #tpu.memory_space<semaphore_mem>>)
      } else {
      }
      %add3A_96 = arith.constant 1 : i32
      %add3A_97 = arith.addi %mul3A_71, %add3A_96 : i32
      %dma_wait3A_98 = arith.constant 1 : i32
      %dma_wait3A_99 = arith.constant 0 : i32
      %dma_wait3A_100 = arith.constant 0 : i32
      %dma_wait3A_101 = tpu.memref_slice %arg6[%dma_wait3A_98, %dma_wait3A_99, %dma_wait3A_100] : memref<3x2x125xi32, #tpu.memory_space<vmem>> -> memref<1x1x125xi32, #tpu.memory_space<vmem>>
      %dma_wait3A_102 = tpu.memref_squeeze %dma_wait3A_101 : memref<1x1x125xi32, #tpu.memory_space<vmem>> -> memref<125xi32, #tpu.memory_space<vmem>>
      %dma_wait3A_103 = arith.constant 0 : i32
      %dma_wait3A_104 = arith.constant 0 : i32
      %dma_wait3A_105 = tpu.memref_slice %arg2[%dma_wait3A_103, %dma_wait3A_104] : memref<10000x128xf32, #tpu.memory_space<hbm>> -> memref<10000x128xf32, #tpu.memory_space<hbm>>
      tpu.wait_indirect_dma semaphore(%arg12 : memref<!tpu.dma_semaphore, #tpu.memory_space<semaphore_mem>>) src(%dma_wait3A_105 : memref<10000x128xf32, #tpu.memory_space<hbm>>) dst(%arg8 : memref<125x128xf32, #tpu.memory_space<vmem>>)
      %run_scoped3A_106 = arith.constant 1 : i32
      %run_scoped3A_107 = arith.constant 1 : i32
      "tpu.region"() ({
        %run_scoped3A_148 = tpu.sem_alloc : memref<!tpu.dma_semaphore, #tpu.memory_space<semaphore_mem>>
        %dma_start3A_149 = arith.constant 0 : i32
        %dma_start3A_150 = tpu.memref_slice %arg6[%run_scoped3A_106, %run_scoped3A_107, %dma_start3A_149] : memref<3x2x125xi32, #tpu.memory_space<vmem>> -> memref<1x1x125xi32, #tpu.memory_space<vmem>>
        %dma_start3A_151 = tpu.memref_squeeze %dma_start3A_150 : memref<1x1x125xi32, #tpu.memory_space<vmem>> -> memref<125xi32, #tpu.memory_space<vmem>>
        %dma_start3A_152 = arith.constant 0 : i32
        %dma_start3A_153 = arith.constant 0 : i32
        %dma_start3A_154 = tpu.memref_slice %arg10[%dma_start3A_152, %dma_start3A_153] : memref<10000x128xf32, #tpu.memory_space<vmem_shared>> -> memref<10000x128xf32, #tpu.memory_space<vmem_shared>>
        tpu.enqueue_indirect_dma source(%arg8 : memref<125x128xf32, #tpu.memory_space<vmem>>) target(%dma_start3A_154 : memref<10000x128xf32, #tpu.memory_space<vmem_shared>>) offsets(%dma_start3A_151 : memref<125xi32, #tpu.memory_space<vmem>>) semaphore(%run_scoped3A_148 : memref<!tpu.dma_semaphore, #tpu.memory_space<semaphore_mem>>) {add = true}
        %dma_wait3A_155 = arith.constant 0 : i32
        %dma_wait3A_156 = tpu.memref_slice %arg6[%run_scoped3A_106, %run_scoped3A_107, %dma_wait3A_155] : memref<3x2x125xi32, #tpu.memory_space<vmem>> -> memref<1x1x125xi32, #tpu.memory_space<vmem>>
        %dma_wait3A_157 = tpu.memref_squeeze %dma_wait3A_156 : memref<1x1x125xi32, #tpu.memory_space<vmem>> -> memref<125xi32, #tpu.memory_space<vmem>>
        %dma_wait3A_158 = arith.constant 0 : i32
        %dma_wait3A_159 = arith.constant 0 : i32
        %dma_wait3A_160 = tpu.memref_slice %arg10[%dma_wait3A_158, %dma_wait3A_159] : memref<10000x128xf32, #tpu.memory_space<vmem_shared>> -> memref<10000x128xf32, #tpu.memory_space<vmem_shared>>
        tpu.wait_indirect_dma semaphore(%run_scoped3A_148 : memref<!tpu.dma_semaphore, #tpu.memory_space<semaphore_mem>>) src(%arg8 : memref<125x128xf32, #tpu.memory_space<vmem>>) dst(%dma_wait3A_160 : memref<10000x128xf32, #tpu.memory_space<vmem_shared>>)
        tpu.yield
      }) : () -> ()
      %add3A_108 = arith.constant 3 : i32
      %add3A_109 = arith.addi %add3A_97, %add3A_108 : i32
      %lt3A_110 = arith.constant 80 : i32
      %lt3A_111 = arith.cmpi slt, %add3A_109, %lt3A_110 : i32
      %convert_element_type3A_112 = arith.extui %lt3A_111 : i1 to i32
      %cond3A_113 = arith.constant 0 : i32
      %cond3A_114 = arith.cmpi ne, %convert_element_type3A_112, %cond3A_113 : i32
      scf.if %cond3A_114 {
        %add3A_148 = arith.constant 3 : i32
        %add3A_149 = arith.addi %add3A_97, %add3A_148 : i32
        %dma_start3A_150 = arith.constant 1 : i32
        %dma_start3A_151 = arith.constant 0 : i32
        %dma_start3A_152 = arith.constant 0 : i32
        %dma_start3A_153 = tpu.memref_slice %arg6[%dma_start3A_150, %dma_start3A_151, %dma_start3A_152] : memref<3x2x125xi32, #tpu.memory_space<vmem>> -> memref<1x2x125xi32, #tpu.memory_space<vmem>>
        %dma_start3A_154 = tpu.memref_squeeze %dma_start3A_153 : memref<1x2x125xi32, #tpu.memory_space<vmem>> -> memref<2x125xi32, #tpu.memory_space<vmem>>
        %dma_start3A_155 = arith.constant 0 : i32
        %dma_start3A_156 = arith.constant 0 : i32
        %dma_start3A_157 = tpu.memref_slice %arg3[%add3A, %add3A_149, %dma_start3A_155, %dma_start3A_156] : memref<32x80x2x125xi32, #tpu.memory_space<hbm>> -> memref<1x1x2x125xi32, #tpu.memory_space<hbm>>
        %dma_start3A_158 = tpu.memref_squeeze %dma_start3A_157 : memref<1x1x2x125xi32, #tpu.memory_space<hbm>> -> memref<2x125xi32, #tpu.memory_space<hbm>>
        %dma_start3A_159 = arith.constant 0 : i32
        %dma_start3A_160 = arith.constant 0 : i32
        %dma_start3A_161 = tpu.memref_slice %arg6[%dma_start3A_150, %dma_start3A_159, %dma_start3A_160] : memref<3x2x125xi32, #tpu.memory_space<vmem>> -> memref<1x2x125xi32, #tpu.memory_space<vmem>>
        %dma_start3A_162 = tpu.memref_squeeze %dma_start3A_161 : memref<1x2x125xi32, #tpu.memory_space<vmem>> -> memref<2x125xi32, #tpu.memory_space<vmem>>
        %dma_start3A_163 = arith.constant 0 : i32
        %dma_start3A_164 = arith.constant 0 : i32
        %dma_start3A_165 = tpu.memref_slice %arg3[%add3A, %add3A_149, %dma_start3A_163, %dma_start3A_164] : memref<32x80x2x125xi32, #tpu.memory_space<hbm>> -> memref<1x1x2x125xi32, #tpu.memory_space<hbm>>
        %dma_start3A_166 = tpu.memref_squeeze %dma_start3A_165 : memref<1x1x2x125xi32, #tpu.memory_space<hbm>> -> memref<2x125xi32, #tpu.memory_space<hbm>>
        tpu.enqueue_dma source(%dma_start3A_166 : memref<2x125xi32, #tpu.memory_space<hbm>>) target(%dma_start3A_162 : memref<2x125xi32, #tpu.memory_space<vmem>>) target_semaphore(%arg15 : memref<!tpu.dma_semaphore, #tpu.memory_space<semaphore_mem>>)
      } else {
      }
      %add3A_115 = arith.constant 2 : i32
      %add3A_116 = arith.addi %add3A_97, %add3A_115 : i32
      %lt3A_117 = arith.constant 80 : i32
      %lt3A_118 = arith.cmpi slt, %add3A_116, %lt3A_117 : i32
      %convert_element_type3A_119 = arith.extui %lt3A_118 : i1 to i32
      %cond3A_120 = arith.constant 0 : i32
      %cond3A_121 = arith.cmpi ne, %convert_element_type3A_119, %cond3A_120 : i32
      scf.if %cond3A_121 {
        %dma_wait3A_148 = arith.constant 0 : i32
        %dma_wait3A_149 = arith.constant 0 : i32
        %dma_wait3A_150 = arith.constant 0 : i32
        %dma_wait3A_151 = arith.constant 0 : i32
        %dma_wait3A_152 = tpu.memref_slice %arg6[%dma_wait3A_149, %dma_wait3A_150, %dma_wait3A_151] : memref<3x2x125xi32, #tpu.memory_space<vmem>> -> memref<1x2x125xi32, #tpu.memory_space<vmem>>
        %dma_wait3A_153 = tpu.memref_squeeze %dma_wait3A_152 : memref<1x2x125xi32, #tpu.memory_space<vmem>> -> memref<2x125xi32, #tpu.memory_space<vmem>>
        %dma_wait3A_154 = arith.constant 0 : i32
        %dma_wait3A_155 = arith.constant 0 : i32
        %dma_wait3A_156 = tpu.memref_slice %arg3[%add3A, %dma_wait3A_148, %dma_wait3A_154, %dma_wait3A_155] : memref<32x80x2x125xi32, #tpu.memory_space<hbm>> -> memref<1x1x2x125xi32, #tpu.memory_space<hbm>>
        %dma_wait3A_157 = tpu.memref_squeeze %dma_wait3A_156 : memref<1x1x2x125xi32, #tpu.memory_space<hbm>> -> memref<2x125xi32, #tpu.memory_space<hbm>>
        %dma_wait3A_158 = arith.constant 0 : i32
        %dma_wait3A_159 = arith.constant 0 : i32
        %dma_wait3A_160 = tpu.memref_slice %arg6[%dma_wait3A_149, %dma_wait3A_158, %dma_wait3A_159] : memref<3x2x125xi32, #tpu.memory_space<vmem>> -> memref<1x2x125xi32, #tpu.memory_space<vmem>>
        %dma_wait3A_161 = tpu.memref_squeeze %dma_wait3A_160 : memref<1x2x125xi32, #tpu.memory_space<vmem>> -> memref<2x125xi32, #tpu.memory_space<vmem>>
        %dma_wait3A_162 = arith.constant 0 : i32
        %dma_wait3A_163 = arith.constant 0 : i32
        %dma_wait3A_164 = tpu.memref_slice %arg3[%add3A, %dma_wait3A_148, %dma_wait3A_162, %dma_wait3A_163] : memref<32x80x2x125xi32, #tpu.memory_space<hbm>> -> memref<1x1x2x125xi32, #tpu.memory_space<hbm>>
        %dma_wait3A_165 = tpu.memref_squeeze %dma_wait3A_164 : memref<1x1x2x125xi32, #tpu.memory_space<hbm>> -> memref<2x125xi32, #tpu.memory_space<hbm>>
        tpu.wait_dma2 semaphore(%arg14 : memref<!tpu.dma_semaphore, #tpu.memory_space<semaphore_mem>>) src(%dma_wait3A_165 : memref<2x125xi32, #tpu.memory_space<hbm>>) dst(%dma_wait3A_161 : memref<2x125xi32, #tpu.memory_space<vmem>>)
        %dma_start3A_166 = arith.constant 0 : i32
        %dma_start3A_167 = arith.constant 0 : i32
        %dma_start3A_168 = arith.constant 0 : i32
        %dma_start3A_169 = tpu.memref_slice %arg6[%dma_start3A_166, %dma_start3A_167, %dma_start3A_168] : memref<3x2x125xi32, #tpu.memory_space<vmem>> -> memref<1x1x125xi32, #tpu.memory_space<vmem>>
        %dma_start3A_170 = tpu.memref_squeeze %dma_start3A_169 : memref<1x1x125xi32, #tpu.memory_space<vmem>> -> memref<125xi32, #tpu.memory_space<vmem>>
        %dma_start3A_171 = arith.constant 0 : i32
        %dma_start3A_172 = arith.constant 0 : i32
        %dma_start3A_173 = tpu.memref_slice %arg2[%dma_start3A_171, %dma_start3A_172] : memref<10000x128xf32, #tpu.memory_space<hbm>> -> memref<10000x128xf32, #tpu.memory_space<hbm>>
        tpu.enqueue_indirect_dma source(%dma_start3A_173 : memref<10000x128xf32, #tpu.memory_space<hbm>>) target(%arg7 : memref<125x128xf32, #tpu.memory_space<vmem>>) offsets(%dma_start3A_170 : memref<125xi32, #tpu.memory_space<vmem>>) semaphore(%arg11 : memref<!tpu.dma_semaphore, #tpu.memory_space<semaphore_mem>>)
      } else {
      }
      %add3A_122 = arith.constant 2 : i32
      %add3A_123 = arith.addi %mul3A_71, %add3A_122 : i32
      %dma_wait3A_124 = arith.constant 2 : i32
      %dma_wait3A_125 = arith.constant 0 : i32
      %dma_wait3A_126 = arith.constant 0 : i32
      %dma_wait3A_127 = tpu.memref_slice %arg6[%dma_wait3A_124, %dma_wait3A_125, %dma_wait3A_126] : memref<3x2x125xi32, #tpu.memory_space<vmem>> -> memref<1x1x125xi32, #tpu.memory_space<vmem>>
      %dma_wait3A_128 = tpu.memref_squeeze %dma_wait3A_127 : memref<1x1x125xi32, #tpu.memory_space<vmem>> -> memref<125xi32, #tpu.memory_space<vmem>>
      %dma_wait3A_129 = arith.constant 0 : i32
      %dma_wait3A_130 = arith.constant 0 : i32
      %dma_wait3A_131 = tpu.memref_slice %arg2[%dma_wait3A_129, %dma_wait3A_130] : memref<10000x128xf32, #tpu.memory_space<hbm>> -> memref<10000x128xf32, #tpu.memory_space<hbm>>
      tpu.wait_indirect_dma semaphore(%arg13 : memref<!tpu.dma_semaphore, #tpu.memory_space<semaphore_mem>>) src(%dma_wait3A_131 : memref<10000x128xf32, #tpu.memory_space<hbm>>) dst(%arg9 : memref<125x128xf32, #tpu.memory_space<vmem>>)
      %run_scoped3A_132 = arith.constant 2 : i32
      %run_scoped3A_133 = arith.constant 1 : i32
      "tpu.region"() ({
        %run_scoped3A_148 = tpu.sem_alloc : memref<!tpu.dma_semaphore, #tpu.memory_space<semaphore_mem>>
        %dma_start3A_149 = arith.constant 0 : i32
        %dma_start3A_150 = tpu.memref_slice %arg6[%run_scoped3A_132, %run_scoped3A_133, %dma_start3A_149] : memref<3x2x125xi32, #tpu.memory_space<vmem>> -> memref<1x1x125xi32, #tpu.memory_space<vmem>>
        %dma_start3A_151 = tpu.memref_squeeze %dma_start3A_150 : memref<1x1x125xi32, #tpu.memory_space<vmem>> -> memref<125xi32, #tpu.memory_space<vmem>>
        %dma_start3A_152 = arith.constant 0 : i32
        %dma_start3A_153 = arith.constant 0 : i32
        %dma_start3A_154 = tpu.memref_slice %arg10[%dma_start3A_152, %dma_start3A_153] : memref<10000x128xf32, #tpu.memory_space<vmem_shared>> -> memref<10000x128xf32, #tpu.memory_space<vmem_shared>>
        tpu.enqueue_indirect_dma source(%arg9 : memref<125x128xf32, #tpu.memory_space<vmem>>) target(%dma_start3A_154 : memref<10000x128xf32, #tpu.memory_space<vmem_shared>>) offsets(%dma_start3A_151 : memref<125xi32, #tpu.memory_space<vmem>>) semaphore(%run_scoped3A_148 : memref<!tpu.dma_semaphore, #tpu.memory_space<semaphore_mem>>) {add = true}
        %dma_wait3A_155 = arith.constant 0 : i32
        %dma_wait3A_156 = tpu.memref_slice %arg6[%run_scoped3A_132, %run_scoped3A_133, %dma_wait3A_155] : memref<3x2x125xi32, #tpu.memory_space<vmem>> -> memref<1x1x125xi32, #tpu.memory_space<vmem>>
        %dma_wait3A_157 = tpu.memref_squeeze %dma_wait3A_156 : memref<1x1x125xi32, #tpu.memory_space<vmem>> -> memref<125xi32, #tpu.memory_space<vmem>>
        %dma_wait3A_158 = arith.constant 0 : i32
        %dma_wait3A_159 = arith.constant 0 : i32
        %dma_wait3A_160 = tpu.memref_slice %arg10[%dma_wait3A_158, %dma_wait3A_159] : memref<10000x128xf32, #tpu.memory_space<vmem_shared>> -> memref<10000x128xf32, #tpu.memory_space<vmem_shared>>
        tpu.wait_indirect_dma semaphore(%run_scoped3A_148 : memref<!tpu.dma_semaphore, #tpu.memory_space<semaphore_mem>>) src(%arg9 : memref<125x128xf32, #tpu.memory_space<vmem>>) dst(%dma_wait3A_160 : memref<10000x128xf32, #tpu.memory_space<vmem_shared>>)
        tpu.yield
      }) : () -> ()
      %add3A_134 = arith.constant 3 : i32
      %add3A_135 = arith.addi %add3A_123, %add3A_134 : i32
      %lt3A_136 = arith.constant 80 : i32
      %lt3A_137 = arith.cmpi slt, %add3A_135, %lt3A_136 : i32
      %convert_element_type3A_138 = arith.extui %lt3A_137 : i1 to i32
      %cond3A_139 = arith.constant 0 : i32
      %cond3A_140 = arith.cmpi ne, %convert_element_type3A_138, %cond3A_139 : i32
      scf.if %cond3A_140 {
        %add3A_148 = arith.constant 3 : i32
        %add3A_149 = arith.addi %add3A_123, %add3A_148 : i32
        %dma_start3A_150 = arith.constant 2 : i32
        %dma_start3A_151 = arith.constant 0 : i32
        %dma_start3A_152 = arith.constant 0 : i32
        %dma_start3A_153 = tpu.memref_slice %arg6[%dma_start3A_150, %dma_start3A_151, %dma_start3A_152] : memref<3x2x125xi32, #tpu.memory_space<vmem>> -> memref<1x2x125xi32, #tpu.memory_space<vmem>>
        %dma_start3A_154 = tpu.memref_squeeze %dma_start3A_153 : memref<1x2x125xi32, #tpu.memory_space<vmem>> -> memref<2x125xi32, #tpu.memory_space<vmem>>
        %dma_start3A_155 = arith.constant 0 : i32
        %dma_start3A_156 = arith.constant 0 : i32
        %dma_start3A_157 = tpu.memref_slice %arg3[%add3A, %add3A_149, %dma_start3A_155, %dma_start3A_156] : memref<32x80x2x125xi32, #tpu.memory_space<hbm>> -> memref<1x1x2x125xi32, #tpu.memory_space<hbm>>
        %dma_start3A_158 = tpu.memref_squeeze %dma_start3A_157 : memref<1x1x2x125xi32, #tpu.memory_space<hbm>> -> memref<2x125xi32, #tpu.memory_space<hbm>>
        %dma_start3A_159 = arith.constant 0 : i32
        %dma_start3A_160 = arith.constant 0 : i32
        %dma_start3A_161 = tpu.memref_slice %arg6[%dma_start3A_150, %dma_start3A_159, %dma_start3A_160] : memref<3x2x125xi32, #tpu.memory_space<vmem>> -> memref<1x2x125xi32, #tpu.memory_space<vmem>>
        %dma_start3A_162 = tpu.memref_squeeze %dma_start3A_161 : memref<1x2x125xi32, #tpu.memory_space<vmem>> -> memref<2x125xi32, #tpu.memory_space<vmem>>
        %dma_start3A_163 = arith.constant 0 : i32
        %dma_start3A_164 = arith.constant 0 : i32
        %dma_start3A_165 = tpu.memref_slice %arg3[%add3A, %add3A_149, %dma_start3A_163, %dma_start3A_164] : memref<32x80x2x125xi32, #tpu.memory_space<hbm>> -> memref<1x1x2x125xi32, #tpu.memory_space<hbm>>
        %dma_start3A_166 = tpu.memref_squeeze %dma_start3A_165 : memref<1x1x2x125xi32, #tpu.memory_space<hbm>> -> memref<2x125xi32, #tpu.memory_space<hbm>>
        tpu.enqueue_dma source(%dma_start3A_166 : memref<2x125xi32, #tpu.memory_space<hbm>>) target(%dma_start3A_162 : memref<2x125xi32, #tpu.memory_space<vmem>>) target_semaphore(%arg16 : memref<!tpu.dma_semaphore, #tpu.memory_space<semaphore_mem>>)
      } else {
      }
      %add3A_141 = arith.constant 2 : i32
      %add3A_142 = arith.addi %add3A_123, %add3A_141 : i32
      %lt3A_143 = arith.constant 80 : i32
      %lt3A_144 = arith.cmpi slt, %add3A_142, %lt3A_143 : i32
      %convert_element_type3A_145 = arith.extui %lt3A_144 : i1 to i32
      %cond3A_146 = arith.constant 0 : i32
      %cond3A_147 = arith.cmpi ne, %convert_element_type3A_145, %cond3A_146 : i32
      scf.if %cond3A_147 {
        %dma_wait3A_148 = arith.constant 0 : i32
        %dma_wait3A_149 = arith.constant 1 : i32
        %dma_wait3A_150 = arith.constant 0 : i32
        %dma_wait3A_151 = arith.constant 0 : i32
        %dma_wait3A_152 = tpu.memref_slice %arg6[%dma_wait3A_149, %dma_wait3A_150, %dma_wait3A_151] : memref<3x2x125xi32, #tpu.memory_space<vmem>> -> memref<1x2x125xi32, #tpu.memory_space<vmem>>
        %dma_wait3A_153 = tpu.memref_squeeze %dma_wait3A_152 : memref<1x2x125xi32, #tpu.memory_space<vmem>> -> memref<2x125xi32, #tpu.memory_space<vmem>>
        %dma_wait3A_154 = arith.constant 0 : i32
        %dma_wait3A_155 = arith.constant 0 : i32
        %dma_wait3A_156 = tpu.memref_slice %arg3[%add3A, %dma_wait3A_148, %dma_wait3A_154, %dma_wait3A_155] : memref<32x80x2x125xi32, #tpu.memory_space<hbm>> -> memref<1x1x2x125xi32, #tpu.memory_space<hbm>>
        %dma_wait3A_157 = tpu.memref_squeeze %dma_wait3A_156 : memref<1x1x2x125xi32, #tpu.memory_space<hbm>> -> memref<2x125xi32, #tpu.memory_space<hbm>>
        %dma_wait3A_158 = arith.constant 0 : i32
        %dma_wait3A_159 = arith.constant 0 : i32
        %dma_wait3A_160 = tpu.memref_slice %arg6[%dma_wait3A_149, %dma_wait3A_158, %dma_wait3A_159] : memref<3x2x125xi32, #tpu.memory_space<vmem>> -> memref<1x2x125xi32, #tpu.memory_space<vmem>>
        %dma_wait3A_161 = tpu.memref_squeeze %dma_wait3A_160 : memref<1x2x125xi32, #tpu.memory_space<vmem>> -> memref<2x125xi32, #tpu.memory_space<vmem>>
        %dma_wait3A_162 = arith.constant 0 : i32
        %dma_wait3A_163 = arith.constant 0 : i32
        %dma_wait3A_164 = tpu.memref_slice %arg3[%add3A, %dma_wait3A_148, %dma_wait3A_162, %dma_wait3A_163] : memref<32x80x2x125xi32, #tpu.memory_space<hbm>> -> memref<1x1x2x125xi32, #tpu.memory_space<hbm>>
        %dma_wait3A_165 = tpu.memref_squeeze %dma_wait3A_164 : memref<1x1x2x125xi32, #tpu.memory_space<hbm>> -> memref<2x125xi32, #tpu.memory_space<hbm>>
        tpu.wait_dma2 semaphore(%arg15 : memref<!tpu.dma_semaphore, #tpu.memory_space<semaphore_mem>>) src(%dma_wait3A_165 : memref<2x125xi32, #tpu.memory_space<hbm>>) dst(%dma_wait3A_161 : memref<2x125xi32, #tpu.memory_space<vmem>>)
        %dma_start3A_166 = arith.constant 1 : i32
        %dma_start3A_167 = arith.constant 0 : i32
        %dma_start3A_168 = arith.constant 0 : i32
        %dma_start3A_169 = tpu.memref_slice %arg6[%dma_start3A_166, %dma_start3A_167, %dma_start3A_168] : memref<3x2x125xi32, #tpu.memory_space<vmem>> -> memref<1x1x125xi32, #tpu.memory_space<vmem>>
        %dma_start3A_170 = tpu.memref_squeeze %dma_start3A_169 : memref<1x1x125xi32, #tpu.memory_space<vmem>> -> memref<125xi32, #tpu.memory_space<vmem>>
        %dma_start3A_171 = arith.constant 0 : i32
        %dma_start3A_172 = arith.constant 0 : i32
        %dma_start3A_173 = tpu.memref_slice %arg2[%dma_start3A_171, %dma_start3A_172] : memref<10000x128xf32, #tpu.memory_space<hbm>> -> memref<10000x128xf32, #tpu.memory_space<hbm>>
        tpu.enqueue_indirect_dma source(%dma_start3A_173 : memref<10000x128xf32, #tpu.memory_space<hbm>>) target(%arg8 : memref<125x128xf32, #tpu.memory_space<vmem>>) offsets(%dma_start3A_170 : memref<125xi32, #tpu.memory_space<vmem>>) semaphore(%arg12 : memref<!tpu.dma_semaphore, #tpu.memory_space<semaphore_mem>>)
      } else {
      }
    }
    %scan3A_43 = arith.constant 26 : i32
    %dma_wait3A = arith.constant 0 : i32
    %dma_wait3A_44 = arith.constant 0 : i32
    %dma_wait3A_45 = arith.constant 0 : i32
    %dma_wait3A_46 = tpu.memref_slice %arg6[%dma_wait3A, %dma_wait3A_44, %dma_wait3A_45] : memref<3x2x125xi32, #tpu.memory_space<vmem>> -> memref<1x1x125xi32, #tpu.memory_space<vmem>>
    %dma_wait3A_47 = tpu.memref_squeeze %dma_wait3A_46 : memref<1x1x125xi32, #tpu.memory_space<vmem>> -> memref<125xi32, #tpu.memory_space<vmem>>
    %dma_wait3A_48 = arith.constant 0 : i32
    %dma_wait3A_49 = arith.constant 0 : i32
    %dma_wait3A_50 = tpu.memref_slice %arg2[%dma_wait3A_48, %dma_wait3A_49] : memref<10000x128xf32, #tpu.memory_space<hbm>> -> memref<10000x128xf32, #tpu.memory_space<hbm>>
    tpu.wait_indirect_dma semaphore(%arg11 : memref<!tpu.dma_semaphore, #tpu.memory_space<semaphore_mem>>) src(%dma_wait3A_50 : memref<10000x128xf32, #tpu.memory_space<hbm>>) dst(%arg7 : memref<125x128xf32, #tpu.memory_space<vmem>>)
    %run_scoped3A_51 = arith.constant 0 : i32
    %run_scoped3A_52 = arith.constant 1 : i32
    "tpu.region"() ({
      %run_scoped3A_69 = tpu.sem_alloc : memref<!tpu.dma_semaphore, #tpu.memory_space<semaphore_mem>>
      %dma_start3A_70 = arith.constant 0 : i32
      %dma_start3A_71 = tpu.memref_slice %arg6[%run_scoped3A_51, %run_scoped3A_52, %dma_start3A_70] : memref<3x2x125xi32, #tpu.memory_space<vmem>> -> memref<1x1x125xi32, #tpu.memory_space<vmem>>
      %dma_start3A_72 = tpu.memref_squeeze %dma_start3A_71 : memref<1x1x125xi32, #tpu.memory_space<vmem>> -> memref<125xi32, #tpu.memory_space<vmem>>
      %dma_start3A_73 = arith.constant 0 : i32
      %dma_start3A_74 = arith.constant 0 : i32
      %dma_start3A_75 = tpu.memref_slice %arg10[%dma_start3A_73, %dma_start3A_74] : memref<10000x128xf32, #tpu.memory_space<vmem_shared>> -> memref<10000x128xf32, #tpu.memory_space<vmem_shared>>
      tpu.enqueue_indirect_dma source(%arg7 : memref<125x128xf32, #tpu.memory_space<vmem>>) target(%dma_start3A_75 : memref<10000x128xf32, #tpu.memory_space<vmem_shared>>) offsets(%dma_start3A_72 : memref<125xi32, #tpu.memory_space<vmem>>) semaphore(%run_scoped3A_69 : memref<!tpu.dma_semaphore, #tpu.memory_space<semaphore_mem>>) {add = true}
      %dma_wait3A_76 = arith.constant 0 : i32
      %dma_wait3A_77 = tpu.memref_slice %arg6[%run_scoped3A_51, %run_scoped3A_52, %dma_wait3A_76] : memref<3x2x125xi32, #tpu.memory_space<vmem>> -> memref<1x1x125xi32, #tpu.memory_space<vmem>>
      %dma_wait3A_78 = tpu.memref_squeeze %dma_wait3A_77 : memref<1x1x125xi32, #tpu.memory_space<vmem>> -> memref<125xi32, #tpu.memory_space<vmem>>
      %dma_wait3A_79 = arith.constant 0 : i32
      %dma_wait3A_80 = arith.constant 0 : i32
      %dma_wait3A_81 = tpu.memref_slice %arg10[%dma_wait3A_79, %dma_wait3A_80] : memref<10000x128xf32, #tpu.memory_space<vmem_shared>> -> memref<10000x128xf32, #tpu.memory_space<vmem_shared>>
      tpu.wait_indirect_dma semaphore(%run_scoped3A_69 : memref<!tpu.dma_semaphore, #tpu.memory_space<semaphore_mem>>) src(%arg7 : memref<125x128xf32, #tpu.memory_space<vmem>>) dst(%dma_wait3A_81 : memref<10000x128xf32, #tpu.memory_space<vmem_shared>>)
      tpu.yield
    }) : () -> ()
    %dma_wait3A_53 = arith.constant 1 : i32
    %dma_wait3A_54 = arith.constant 0 : i32
    %dma_wait3A_55 = arith.constant 0 : i32
    %dma_wait3A_56 = tpu.memref_slice %arg6[%dma_wait3A_53, %dma_wait3A_54, %dma_wait3A_55] : memref<3x2x125xi32, #tpu.memory_space<vmem>> -> memref<1x1x125xi32, #tpu.memory_space<vmem>>
    %dma_wait3A_57 = tpu.memref_squeeze %dma_wait3A_56 : memref<1x1x125xi32, #tpu.memory_space<vmem>> -> memref<125xi32, #tpu.memory_space<vmem>>
    %dma_wait3A_58 = arith.constant 0 : i32
    %dma_wait3A_59 = arith.constant 0 : i32
    %dma_wait3A_60 = tpu.memref_slice %arg2[%dma_wait3A_58, %dma_wait3A_59] : memref<10000x128xf32, #tpu.memory_space<hbm>> -> memref<10000x128xf32, #tpu.memory_space<hbm>>
    tpu.wait_indirect_dma semaphore(%arg12 : memref<!tpu.dma_semaphore, #tpu.memory_space<semaphore_mem>>) src(%dma_wait3A_60 : memref<10000x128xf32, #tpu.memory_space<hbm>>) dst(%arg8 : memref<125x128xf32, #tpu.memory_space<vmem>>)
    %run_scoped3A_61 = arith.constant 1 : i32
    %run_scoped3A_62 = arith.constant 1 : i32
    "tpu.region"() ({
      %run_scoped3A_69 = tpu.sem_alloc : memref<!tpu.dma_semaphore, #tpu.memory_space<semaphore_mem>>
      %dma_start3A_70 = arith.constant 0 : i32
      %dma_start3A_71 = tpu.memref_slice %arg6[%run_scoped3A_61, %run_scoped3A_62, %dma_start3A_70] : memref<3x2x125xi32, #tpu.memory_space<vmem>> -> memref<1x1x125xi32, #tpu.memory_space<vmem>>
      %dma_start3A_72 = tpu.memref_squeeze %dma_start3A_71 : memref<1x1x125xi32, #tpu.memory_space<vmem>> -> memref<125xi32, #tpu.memory_space<vmem>>
      %dma_start3A_73 = arith.constant 0 : i32
      %dma_start3A_74 = arith.constant 0 : i32
      %dma_start3A_75 = tpu.memref_slice %arg10[%dma_start3A_73, %dma_start3A_74] : memref<10000x128xf32, #tpu.memory_space<vmem_shared>> -> memref<10000x128xf32, #tpu.memory_space<vmem_shared>>
      tpu.enqueue_indirect_dma source(%arg8 : memref<125x128xf32, #tpu.memory_space<vmem>>) target(%dma_start3A_75 : memref<10000x128xf32, #tpu.memory_space<vmem_shared>>) offsets(%dma_start3A_72 : memref<125xi32, #tpu.memory_space<vmem>>) semaphore(%run_scoped3A_69 : memref<!tpu.dma_semaphore, #tpu.memory_space<semaphore_mem>>) {add = true}
      %dma_wait3A_76 = arith.constant 0 : i32
      %dma_wait3A_77 = tpu.memref_slice %arg6[%run_scoped3A_61, %run_scoped3A_62, %dma_wait3A_76] : memref<3x2x125xi32, #tpu.memory_space<vmem>> -> memref<1x1x125xi32, #tpu.memory_space<vmem>>
      %dma_wait3A_78 = tpu.memref_squeeze %dma_wait3A_77 : memref<1x1x125xi32, #tpu.memory_space<vmem>> -> memref<125xi32, #tpu.memory_space<vmem>>
      %dma_wait3A_79 = arith.constant 0 : i32
      %dma_wait3A_80 = arith.constant 0 : i32
      %dma_wait3A_81 = tpu.memref_slice %arg10[%dma_wait3A_79, %dma_wait3A_80] : memref<10000x128xf32, #tpu.memory_space<vmem_shared>> -> memref<10000x128xf32, #tpu.memory_space<vmem_shared>>
      tpu.wait_indirect_dma semaphore(%run_scoped3A_69 : memref<!tpu.dma_semaphore, #tpu.memory_space<semaphore_mem>>) src(%arg8 : memref<125x128xf32, #tpu.memory_space<vmem>>) dst(%dma_wait3A_81 : memref<10000x128xf32, #tpu.memory_space<vmem_shared>>)
      tpu.yield
    }) : () -> ()
    %barrier3A_63 = arith.constant 0 : index
    tpu.barrier barrier_id(%barrier3A_63)
    %lt3A_64 = arith.constant 10 : i32
    %lt3A_65 = arith.cmpi slt, %arg1, %lt3A_64 : i32
    %convert_element_type3A_66 = arith.extui %lt3A_65 : i1 to i32
    %cond3A_67 = arith.constant 0 : i32
    %cond3A_68 = arith.cmpi ne, %convert_element_type3A_66, %cond3A_67 : i32
    scf.if %cond3A_68 {
      %mul3A_69 = arith.constant 1000 : i32
      %mul3A_70 = arith.muli %arg1, %mul3A_69 : i32
      %mul3A_71 = arith.constant 1000 : i32
      %mul3A_72 = arith.muli %arg1, %mul3A_71 : i32
      "tpu.region"() ({
        %run_scoped3A_73 = tpu.sem_alloc : memref<!tpu.dma_semaphore, #tpu.memory_space<semaphore_mem>>
        %dma_start3A_74 = arith.constant 0 : i32
        %dma_start3A_75 = tpu.memref_slice %arg5[%arg0, %mul3A_72, %dma_start3A_74] : memref<2x10000x128xf32, #tpu.memory_space<hbm>> -> memref<1x1000x128xf32, #tpu.memory_space<hbm>>
        %dma_start3A_76 = tpu.memref_squeeze %dma_start3A_75 : memref<1x1000x128xf32, #tpu.memory_space<hbm>> -> memref<1000x128xf32, #tpu.memory_space<hbm>>
        %dma_start3A_77 = arith.constant 0 : i32
        %dma_start3A_78 = tpu.memref_slice %arg10[%mul3A_70, %dma_start3A_77] : memref<10000x128xf32, #tpu.memory_space<vmem_shared>> -> memref<1000x128xf32, #tpu.memory_space<vmem_shared>>
        tpu.enqueue_dma source(%dma_start3A_78 : memref<1000x128xf32, #tpu.memory_space<vmem_shared>>) target(%dma_start3A_76 : memref<1000x128xf32, #tpu.memory_space<hbm>>) target_semaphore(%run_scoped3A_73 : memref<!tpu.dma_semaphore, #tpu.memory_space<semaphore_mem>>)
        %dma_wait3A_79 = arith.constant 0 : i32
        %dma_wait3A_80 = tpu.memref_slice %arg5[%arg0, %mul3A_72, %dma_wait3A_79] : memref<2x10000x128xf32, #tpu.memory_space<hbm>> -> memref<1x1000x128xf32, #tpu.memory_space<hbm>>
        %dma_wait3A_81 = tpu.memref_squeeze %dma_wait3A_80 : memref<1x1000x128xf32, #tpu.memory_space<hbm>> -> memref<1000x128xf32, #tpu.memory_space<hbm>>
        %dma_wait3A_82 = arith.constant 0 : i32
        %dma_wait3A_83 = tpu.memref_slice %arg10[%mul3A_70, %dma_wait3A_82] : memref<10000x128xf32, #tpu.memory_space<vmem_shared>> -> memref<1000x128xf32, #tpu.memory_space<vmem_shared>>
        tpu.wait_dma2 semaphore(%run_scoped3A_73 : memref<!tpu.dma_semaphore, #tpu.memory_space<semaphore_mem>>) src(%dma_wait3A_83 : memref<1000x128xf32, #tpu.memory_space<vmem_shared>>) dst(%dma_wait3A_81 : memref<1000x128xf32, #tpu.memory_space<hbm>>)
        tpu.yield
      }) : () -> ()
    } else {
    }
    return
  }
}

module attributes {stable_mosaic.version = 14 : i64} {
  func.func @body(%arg0: i32, %arg1: memref<2x1000x128xf32, #tpu.memory_space<vmem>>, %arg2: memref<1000x128xf32, #tpu.memory_space<vmem>>, %arg3: memref<1000x128xf32, #tpu.memory_space<vmem>>, %arg4: memref<1000x1xf32, #tpu.memory_space<vmem>>) attributes {dimension_semantics = [#tpu.dimension_semantics<arbitrary>], iteration_bounds = array<i64: 10>, scalar_prefetch = 0 : i64, scratch_operands = 0 : i64, tpu.core_type = #tpu.core_type<tc>, window_params = [{transform_indices = @transform_0, window_bounds = array<i64: 2, 1000, 128>}, {transform_indices = @transform_1, window_bounds = array<i64: 1000, 128>}, {transform_indices = @transform_2, window_bounds = array<i64: 1000, 128>}, {transform_indices = @transform_3, window_bounds = array<i64: 1000, 1>}]} {
    %get3A = arith.constant 0 : index
    %get3A_0 = arith.constant 0 : index
    %get3A_1 = arith.constant 0 : index
    %get3A_2 = vector.load %arg1[%get3A, %get3A_0, %get3A_1] : memref<2x1000x128xf32, #tpu.memory_space<vmem>>, vector<1x1000x128xf32>
    %get3A_3 = vector.shape_cast %get3A_2 : vector<1x1000x128xf32> to vector<1000x128xf32>
    %slice3A = vector.extract_strided_slice %get3A_3 {offsets = [0, 0], sizes = [1000, 1], strides = [1, 1]} : vector<1000x128xf32> to vector<1000x1xf32>
    %get3A_4 = arith.constant 1 : index
    %get3A_5 = arith.constant 0 : index
    %get3A_6 = arith.constant 0 : index
    %get3A_7 = vector.load %arg1[%get3A_4, %get3A_5, %get3A_6] : memref<2x1000x128xf32, #tpu.memory_space<vmem>>, vector<1x1000x128xf32>
    %get3A_8 = vector.shape_cast %get3A_7 : vector<1x1000x128xf32> to vector<1000x128xf32>
    %slice3A_9 = vector.extract_strided_slice %get3A_8 {offsets = [0, 0], sizes = [1000, 1], strides = [1, 1]} : vector<1000x128xf32> to vector<1000x1xf32>
    %add3A = arith.addf %slice3A, %slice3A_9 : vector<1000x1xf32>
    %add3A_10 = arith.constant 1.000000e+00 : f32
    %add3A_11 = vector.broadcast %add3A_10 : f32 to vector<1000x1xf32>
    %add3A_12 = arith.addf %add3A, %add3A_11 : vector<1000x1xf32>
    %rsqrt3A = math.rsqrt %add3A_12 : vector<1000x1xf32>
    %swap3A = arith.constant 0 : index
    %swap3A_13 = arith.constant 0 : index
    %swap3A_14 = vector.load %arg4[%swap3A, %swap3A_13] : memref<1000x1xf32, #tpu.memory_space<vmem>>, vector<1000x1xf32>
    tpu.vector_store %arg4[%swap3A, %swap3A_13], %rsqrt3A {strides = array<i32>} : memref<1000x1xf32, #tpu.memory_space<vmem>>, vector<1000x1xf32>,
    %get3A_15 = arith.constant 0 : index
    %get3A_16 = arith.constant 0 : index
    %get3A_17 = vector.load %arg2[%get3A_15, %get3A_16] : memref<1000x128xf32, #tpu.memory_space<vmem>>, vector<1000x128xf32>
    %mul3A = vector.broadcast %rsqrt3A : vector<1000x1xf32> to vector<1000x128xf32>
    %mul3A_18 = arith.mulf %get3A_17, %mul3A : vector<1000x128xf32>
    %swap3A_19 = arith.constant 0 : index
    %swap3A_20 = arith.constant 0 : index
    %swap3A_21 = vector.load %arg3[%swap3A_19, %swap3A_20] : memref<1000x128xf32, #tpu.memory_space<vmem>>, vector<1000x128xf32>
    tpu.vector_store %arg3[%swap3A_19, %swap3A_20], %mul3A_18 {strides = array<i32>} : memref<1000x128xf32, #tpu.memory_space<vmem>>, vector<1000x128xf32>,
    return
  }
  func.func @transform_0(%arg0: i32) -> (i32, i32, i32) {
    %c0_i32 = arith.constant 0 : i32
    %c0_i32_0 = arith.constant 0 : i32
    %c0_i32_1 = arith.constant 0 : i32
    return %c0_i32, %arg0, %c0_i32_0 : i32, i32, i32
  }
  func.func @transform_1(%arg0: i32) -> (i32, i32) {
    %c0_i32 = arith.constant 0 : i32
    %c0_i32_0 = arith.constant 0 : i32
    return %arg0, %c0_i32 : i32, i32
  }
  func.func @transform_2(%arg0: i32) -> (i32, i32) {
    %c0_i32 = arith.constant 0 : i32
    %c0_i32_0 = arith.constant 0 : i32
    return %arg0, %c0_i32 : i32, i32
  }
  func.func @transform_3(%arg0: i32) -> (i32, i32) {
    %c0_i32 = arith.constant 0 : i32
    %c0_i32_0 = arith.constant 0 : i32
    return %arg0, %c0_i32 : i32, i32
  }
}

module attributes {stable_mosaic.version = 14 : i64} {
  func.func @body(%arg0: i32, %arg1: memref<2x1000x128xf32, #tpu.memory_space<vmem>>, %arg2: memref<1000x128xf32, #tpu.memory_space<vmem>>, %arg3: memref<1000x1xf32, #tpu.memory_space<vmem>>, %arg4: memref<128x256xf32, #tpu.memory_space<vmem>>, %arg5: memref<1x256xf32, #tpu.memory_space<vmem>>, %arg6: memref<256x128xf32, #tpu.memory_space<vmem>>, %arg7: memref<1000x128xf32, #tpu.memory_space<vmem>>, %arg8: memref<1000x128xf32, #tpu.memory_space<vmem>>) attributes {dimension_semantics = [#tpu.dimension_semantics<arbitrary>], iteration_bounds = array<i64: 10>, scalar_prefetch = 0 : i64, scratch_operands = 0 : i64, tpu.core_type = #tpu.core_type<tc>, window_params = [{transform_indices = @transform_0, window_bounds = array<i64: 2, 1000, 128>}, {transform_indices = @transform_1, window_bounds = array<i64: 1000, 128>}, {transform_indices = @transform_2, window_bounds = array<i64: 1000, 1>}, {pipeline_mode = #tpu.pipeline_mode<synchronous>, transform_indices = @transform_3, window_bounds = array<i64: 128, 256>}, {pipeline_mode = #tpu.pipeline_mode<synchronous>, transform_indices = @transform_4, window_bounds = array<i64: 1, 256>}, {pipeline_mode = #tpu.pipeline_mode<synchronous>, transform_indices = @transform_5, window_bounds = array<i64: 256, 128>}, {transform_indices = @transform_6, window_bounds = array<i64: 1000, 128>}, {transform_indices = @transform_7, window_bounds = array<i64: 1000, 128>}]} {
    %get3A = arith.constant 0 : index
    %get3A_0 = arith.constant 0 : index
    %get3A_1 = vector.load %arg3[%get3A, %get3A_0] : memref<1000x1xf32, #tpu.memory_space<vmem>>, vector<1000x1xf32>
    %get3A_2 = arith.constant 0 : index
    %get3A_3 = arith.constant 0 : index
    %get3A_4 = arith.constant 0 : index
    %get3A_5 = vector.load %arg1[%get3A_2, %get3A_3, %get3A_4] : memref<2x1000x128xf32, #tpu.memory_space<vmem>>, vector<1x1000x128xf32>
    %get3A_6 = vector.shape_cast %get3A_5 : vector<1x1000x128xf32> to vector<1000x128xf32>
    %get3A_7 = arith.constant 1 : index
    %get3A_8 = arith.constant 0 : index
    %get3A_9 = arith.constant 0 : index
    %get3A_10 = vector.load %arg1[%get3A_7, %get3A_8, %get3A_9] : memref<2x1000x128xf32, #tpu.memory_space<vmem>>, vector<1x1000x128xf32>
    %get3A_11 = vector.shape_cast %get3A_10 : vector<1x1000x128xf32> to vector<1000x128xf32>
    %add3A = arith.addf %get3A_6, %get3A_11 : vector<1000x128xf32>
    %mul3A = vector.broadcast %get3A_1 : vector<1000x1xf32> to vector<1000x128xf32>
    %mul3A_12 = arith.mulf %mul3A, %add3A : vector<1000x128xf32>
    %mul3A_13 = arith.mulf %get3A_1, %get3A_1 : vector<1000x1xf32>
    %get3A_14 = arith.constant 0 : index
    %get3A_15 = arith.constant 0 : index
    %get3A_16 = vector.load %arg2[%get3A_14, %get3A_15] : memref<1000x128xf32, #tpu.memory_space<vmem>>, vector<1000x128xf32>
    %mul3A_17 = vector.broadcast %mul3A_13 : vector<1000x1xf32> to vector<1000x128xf32>
    %mul3A_18 = arith.mulf %mul3A_17, %get3A_16 : vector<1000x128xf32>
    %add3A_19 = arith.addf %mul3A_12, %mul3A_18 : vector<1000x128xf32>
    %get3A_20 = arith.constant 0 : index
    %get3A_21 = arith.constant 0 : index
    %get3A_22 = vector.load %arg4[%get3A_20, %get3A_21] : memref<128x256xf32, #tpu.memory_space<vmem>>, vector<128x256xf32>
    %dot_general3A = arith.constant dense<0.000000e+00> : vector<1000x256xf32>
    %dot_general3A_23 = tpu.matmul %add3A_19, %get3A_22, %dot_general3A {dimension_numbers = #tpu.dot_dimension_numbers<[1], [0], [0], [1], [0, 0, 1, 1], [], []>, transpose_lhs_hint = false} : vector<1000x128xf32>, vector<128x256xf32>, vector<1000x256xf32> -> vector<1000x256xf32>
    %get3A_24 = arith.constant 0 : index
    %get3A_25 = arith.constant 0 : index
    %get3A_26 = vector.load %arg5[%get3A_24, %get3A_25] : memref<1x256xf32, #tpu.memory_space<vmem>>, vector<1x256xf32>
    %add3A_27 = vector.broadcast %get3A_26 : vector<1x256xf32> to vector<1000x256xf32>
    %add3A_28 = arith.addf %dot_general3A_23, %add3A_27 : vector<1000x256xf32>
    %max3A = arith.constant 0.000000e+00 : f32
    %max3A_29 = vector.broadcast %max3A : f32 to vector<1000x256xf32>
    %max3A_30 = arith.maximumf %add3A_28, %max3A_29 : vector<1000x256xf32>
    %get3A_31 = arith.constant 0 : index
    %get3A_32 = arith.constant 0 : index
    %get3A_33 = vector.load %arg6[%get3A_31, %get3A_32] : memref<256x128xf32, #tpu.memory_space<vmem>>, vector<256x128xf32>
    %dot_general3A_34 = arith.constant dense<0.000000e+00> : vector<1000x128xf32>
    %dot_general3A_35 = tpu.matmul %max3A_30, %get3A_33, %dot_general3A_34 {dimension_numbers = #tpu.dot_dimension_numbers<[1], [0], [0], [1], [0, 0, 1, 1], [], []>, transpose_lhs_hint = false} : vector<1000x256xf32>, vector<256x128xf32>, vector<1000x128xf32> -> vector<1000x128xf32>
    %swap3A = arith.constant 0 : index
    %swap3A_36 = arith.constant 0 : index
    %swap3A_37 = vector.load %arg7[%swap3A, %swap3A_36] : memref<1000x128xf32, #tpu.memory_space<vmem>>, vector<1000x128xf32>
    tpu.vector_store %arg7[%swap3A, %swap3A_36], %dot_general3A_35 {strides = array<i32>} : memref<1000x128xf32, #tpu.memory_space<vmem>>, vector<1000x128xf32>,
    %mul3A_38 = vector.broadcast %get3A_1 : vector<1000x1xf32> to vector<1000x128xf32>
    %mul3A_39 = arith.mulf %mul3A_38, %dot_general3A_35 : vector<1000x128xf32>
    %swap3A_40 = arith.constant 0 : index
    %swap3A_41 = arith.constant 0 : index
    %swap3A_42 = vector.load %arg8[%swap3A_40, %swap3A_41] : memref<1000x128xf32, #tpu.memory_space<vmem>>, vector<1000x128xf32>
    tpu.vector_store %arg8[%swap3A_40, %swap3A_41], %mul3A_39 {strides = array<i32>} : memref<1000x128xf32, #tpu.memory_space<vmem>>, vector<1000x128xf32>,
    return
  }
  func.func @transform_0(%arg0: i32) -> (i32, i32, i32) {
    %c0_i32 = arith.constant 0 : i32
    %c0_i32_0 = arith.constant 0 : i32
    %c0_i32_1 = arith.constant 0 : i32
    return %c0_i32, %arg0, %c0_i32_0 : i32, i32, i32
  }
  func.func @transform_1(%arg0: i32) -> (i32, i32) {
    %c0_i32 = arith.constant 0 : i32
    %c0_i32_0 = arith.constant 0 : i32
    return %arg0, %c0_i32 : i32, i32
  }
  func.func @transform_2(%arg0: i32) -> (i32, i32) {
    %c0_i32 = arith.constant 0 : i32
    %c0_i32_0 = arith.constant 0 : i32
    return %arg0, %c0_i32 : i32, i32
  }
  func.func @transform_3(%arg0: i32) -> (i32, i32) {
    %c0_i32 = arith.constant 0 : i32
    %c0_i32_0 = arith.constant 0 : i32
    %c0_i32_1 = arith.constant 0 : i32
    return %c0_i32, %c0_i32_0 : i32, i32
  }
  func.func @transform_4(%arg0: i32) -> (i32, i32) {
    %c0_i32 = arith.constant 0 : i32
    %c0_i32_0 = arith.constant 0 : i32
    %c0_i32_1 = arith.constant 0 : i32
    return %c0_i32, %c0_i32_0 : i32, i32
  }
  func.func @transform_5(%arg0: i32) -> (i32, i32) {
    %c0_i32 = arith.constant 0 : i32
    %c0_i32_0 = arith.constant 0 : i32
    %c0_i32_1 = arith.constant 0 : i32
    return %c0_i32, %c0_i32_0 : i32, i32
  }
  func.func @transform_6(%arg0: i32) -> (i32, i32) {
    %c0_i32 = arith.constant 0 : i32
    %c0_i32_0 = arith.constant 0 : i32
    return %arg0, %c0_i32 : i32, i32
  }
  func.func @transform_7(%arg0: i32) -> (i32, i32) {
    %c0_i32 = arith.constant 0 : i32
    %c0_i32_0 = arith.constant 0 : i32
    return %arg0, %c0_i32 : i32, i32
  }
}

module attributes {stable_mosaic.version = 14 : i64} {
  func.func @body(%arg0: i32, %arg1: memref<2x1000x128xf32, #tpu.memory_space<vmem>>, %arg2: memref<1000x128xf32, #tpu.memory_space<vmem>>, %arg3: memref<1000x1xf32, #tpu.memory_space<vmem>>, %arg4: memref<1x128xf32, #tpu.memory_space<vmem>>, %arg5: memref<1000x128xf32, #tpu.memory_space<vmem>>) attributes {dimension_semantics = [#tpu.dimension_semantics<arbitrary>], iteration_bounds = array<i64: 10>, scalar_prefetch = 0 : i64, scratch_operands = 0 : i64, tpu.core_type = #tpu.core_type<tc>, window_params = [{transform_indices = @transform_0, window_bounds = array<i64: 2, 1000, 128>}, {transform_indices = @transform_1, window_bounds = array<i64: 1000, 128>}, {transform_indices = @transform_2, window_bounds = array<i64: 1000, 1>}, {pipeline_mode = #tpu.pipeline_mode<synchronous>, transform_indices = @transform_3, window_bounds = array<i64: 1, 128>}, {transform_indices = @transform_4, window_bounds = array<i64: 1000, 128>}]} {
    %get3A = arith.constant 0 : index
    %get3A_0 = arith.constant 0 : index
    %get3A_1 = vector.load %arg3[%get3A, %get3A_0] : memref<1000x1xf32, #tpu.memory_space<vmem>>, vector<1000x1xf32>
    %get3A_2 = arith.constant 0 : index
    %get3A_3 = arith.constant 0 : index
    %get3A_4 = arith.constant 0 : index
    %get3A_5 = vector.load %arg1[%get3A_2, %get3A_3, %get3A_4] : memref<2x1000x128xf32, #tpu.memory_space<vmem>>, vector<1x1000x128xf32>
    %get3A_6 = vector.shape_cast %get3A_5 : vector<1x1000x128xf32> to vector<1000x128xf32>
    %get3A_7 = arith.constant 1 : index
    %get3A_8 = arith.constant 0 : index
    %get3A_9 = arith.constant 0 : index
    %get3A_10 = vector.load %arg1[%get3A_7, %get3A_8, %get3A_9] : memref<2x1000x128xf32, #tpu.memory_space<vmem>>, vector<1x1000x128xf32>
    %get3A_11 = vector.shape_cast %get3A_10 : vector<1x1000x128xf32> to vector<1000x128xf32>
    %add3A = arith.addf %get3A_6, %get3A_11 : vector<1000x128xf32>
    %mul3A = vector.broadcast %get3A_1 : vector<1000x1xf32> to vector<1000x128xf32>
    %mul3A_12 = arith.mulf %mul3A, %add3A : vector<1000x128xf32>
    %mul3A_13 = arith.mulf %get3A_1, %get3A_1 : vector<1000x1xf32>
    %get3A_14 = arith.constant 0 : index
    %get3A_15 = arith.constant 0 : index
    %get3A_16 = vector.load %arg2[%get3A_14, %get3A_15] : memref<1000x128xf32, #tpu.memory_space<vmem>>, vector<1000x128xf32>
    %mul3A_17 = vector.broadcast %mul3A_13 : vector<1000x1xf32> to vector<1000x128xf32>
    %mul3A_18 = arith.mulf %mul3A_17, %get3A_16 : vector<1000x128xf32>
    %add3A_19 = arith.addf %mul3A_12, %mul3A_18 : vector<1000x128xf32>
    %get3A_20 = arith.constant 0 : index
    %get3A_21 = arith.constant 0 : index
    %get3A_22 = vector.load %arg4[%get3A_20, %get3A_21] : memref<1x128xf32, #tpu.memory_space<vmem>>, vector<1x128xf32>
    %add3A_23 = vector.broadcast %get3A_22 : vector<1x128xf32> to vector<1000x128xf32>
    %add3A_24 = arith.addf %add3A_19, %add3A_23 : vector<1000x128xf32>
    %swap3A = arith.constant 0 : index
    %swap3A_25 = arith.constant 0 : index
    %swap3A_26 = vector.load %arg5[%swap3A, %swap3A_25] : memref<1000x128xf32, #tpu.memory_space<vmem>>, vector<1000x128xf32>
    tpu.vector_store %arg5[%swap3A, %swap3A_25], %add3A_24 {strides = array<i32>} : memref<1000x128xf32, #tpu.memory_space<vmem>>, vector<1000x128xf32>,
    return
  }
  func.func @transform_0(%arg0: i32) -> (i32, i32, i32) {
    %c0_i32 = arith.constant 0 : i32
    %c0_i32_0 = arith.constant 0 : i32
    %c0_i32_1 = arith.constant 0 : i32
    return %c0_i32, %arg0, %c0_i32_0 : i32, i32, i32
  }
  func.func @transform_1(%arg0: i32) -> (i32, i32) {
    %c0_i32 = arith.constant 0 : i32
    %c0_i32_0 = arith.constant 0 : i32
    return %arg0, %c0_i32 : i32, i32
  }
  func.func @transform_2(%arg0: i32) -> (i32, i32) {
    %c0_i32 = arith.constant 0 : i32
    %c0_i32_0 = arith.constant 0 : i32
    return %arg0, %c0_i32 : i32, i32
  }
  func.func @transform_3(%arg0: i32) -> (i32, i32) {
    %c0_i32 = arith.constant 0 : i32
    %c0_i32_0 = arith.constant 0 : i32
    %c0_i32_1 = arith.constant 0 : i32
    return %c0_i32, %c0_i32_0 : i32, i32
  }
  func.func @transform_4(%arg0: i32) -> (i32, i32) {
    %c0_i32 = arith.constant 0 : i32
    %c0_i32_0 = arith.constant 0 : i32
    return %arg0, %c0_i32 : i32, i32
  }
}

</mosaic_0001>

<sc_bundles>
// kernel: kernel.11.cloned.1.call-start
scs
__scs_entry_jumppad:
0x0: {  	(pc) =	sbr.rel $0x88, $3  }
0x1: {  	(tag) =	ssettag $0x0;
	lr =	simm.s32 $0x1  }
0x2: {  	[smem:$0x3F9B] =	sst lr;
	_ =	strace $0xD0000000  }
0x3: {  	_ = 	snop  }
0x4: {  	_ = 	snop  }
0x5: {  	_ = 	snop  }
0x6: {  	_ = 	snop  }
0x7: {  	_ = 	snop  }
__scs_overlays_trampoline_lowered:
0x8: {  	[smem:$0x3FAA] =	sst s0  }
0x9: {  	[smem:$0x3FAB] =	sst s1  }
0xa: {  	[smem:$0x3FAC] =	sst s2  }
0xb: {  	[smem:$0x3FAD] =	sst s3  }
0xc: {  	[smem:$0x3FAE] =	sst s4  }
0xd: {  	[smem:$0x3FAF] =	sst s5  }
0xe: {  	[smem:$0x3FB0] =	sst s6  }
0xf: {  	[smem:$0x3FB1] =	sst s7  }
0x10: {  	[smem:$0x3FB2] =	sst s8  }
0x11: {  	[smem:$0x3FB3] =	sst s9;
	s0 =	simm.s32 @!p0 $0x0  }
0x12: {  	s1 =	sld [smem:$0x3F99];
	s0 =	simm.s32 @p0 $0x1  }
0x13: {  	[smem:$0x3FB4] =	sst s0;
	s0 =	simm.s32 @!p1 $0x0  }
0x14: {  	s2 =	sld [smem:$0x3F98];
	s0 =	simm.s32 @p1 $0x1  }
0x15: {  	[smem:$0x3FB5] =	sst s0;
	s0 =	simm.s32 @!p2 $0x0  }
0x16: {  	s3 =	sld [smem:$0x3FDB];
	s0 =	simm.s32 @p2 $0x1  }
0x17: {  	s4 =	simm.s32 $0x1BF5;
	[smem:$0x3FB7] =	sst s0  }
0x18: {  	s0 =	sld [smem:$0x3F9A];
	_ =	swait.ge [sflag:s4], $0x0  }
0x19: {  	s7 =	sld [smem:$0x3F9B]  }
0x1a: {  	s8 =	sadd.s32 $0xFFFFE003, lr  }
0x1b: {  	s9 =	sadd.s32 $0xFFFFFEF7, lr;
	s5 =	simm.s32 $0xFFFFFFFF;
	p2 =	slt.u32 s8, $0xFFFFF086  }
0x1c: {  	p1 =	slt.u32 s9, $0xF7A;
	s5 =	simm.s32 @!p2 $0x0  }
0x1d: {  	s5 =	simm.s32 @p1 $0x1;
	p0 =	seq.s32 s7, s2  }
0x1e: {  	s7 =	smul.u32 @!p0 $0xF7A, s2;
	p2 =	seq.s32 @!p0 s5, $0x0  }
0x1f: {  	s9 =	smul.u32 $0xF7A, s1;
	s8 =	simm.s32 @!p0 $0x1BF5;
	p2 =	por !p2, p0  }
0x20: {  	[sflag:s8] =	ssyncset.s32 @!p0 $0xFFFFF086;
	s6 =	sadd.s32 @!p0 s3, s7;
	s7 =	simm.s32 @!p0 $0x108  }
0x21: {  	s3 =	sadd.s32 s3, s9;
	s6 =	sadd.s32 @!p0 $0x88, s6;
	s7 =	simm.s32 @p2 $0x1082  }
0x22: {  	[simem:s7], [sflag:s8] =	dma.local @!p0 [hbm:s6], $0xF7A  }
0x23: {  	s9 =	sor.u32 $0xD0000000, s2;
	s6 =	simm.s32 $0x108;
	_ =	swait.ge @!p0 [sflag:s8], $0x0  }
0x24: {  	s3 =	sadd.s32 $0x88, s3;
	s6 =	simm.s32 @!p1 $0x1082;
	[sflag:s4] =	ssyncset.s32 $0xFFFFF086  }
0x25: {  	[simem:s6], [sflag:s4] =	dma.local [hbm:s3], $0xF7A  }
0x26: {  	[smem:$0x3F9B] =	sst s1;
	(tag) =	ssettag s2;
	_ =	strace s9  }
0x27: {  	s1 =	sld [smem:$0x3FAB]  }
0x28: {  	s2 =	sld [smem:$0x3FAC]  }
0x29: {  	s4 =	sld [smem:$0x3FAE]  }
0x2a: {  	p0 =	seq.s32 s5, $0x0;
	s5 =	sld [smem:$0x3FAF]  }
0x2b: {  	s6 =	sld [smem:$0x3FB0]  }
0x2c: {  	s7 =	sld [smem:$0x3FB1]  }
0x2d: {  	s3 =	simm.s32 $0x108;
	s8 =	sld [smem:$0x3FB2]  }
0x2e: {  	s3 =	simm.s32 @!p0 $0x1082;
	s9 =	sld [smem:$0x3FB3]  }
0x2f: {  	lr =	sadd.s32 s0, s3;
	s0 =	sld [smem:$0x3FAA]  }
0x30: {  	s3 =	sld [smem:$0x3FAD]  }
0x31: {  	[smem:$0x3FB6] =	sst s10  }
0x32: {  	s10 =	sld [smem:$0x3FB4];
	_ =	sdelay $0x3  }
0x33: {  	p0 =	seq.s32 s10, $0x1;
	s10 =	sld [smem:$0x3FB6];
	_ =	sdelay $0x3  }
0x34: {  	[smem:$0x3FB6] =	sst s10  }
0x35: {  	s10 =	sld [smem:$0x3FB5];
	_ =	sdelay $0x3  }
0x36: {  	p1 =	seq.s32 s10, $0x1;
	s10 =	sld [smem:$0x3FB6];
	_ =	sdelay $0x3  }
0x37: {  	[smem:$0x3FB6] =	sst s10  }
0x38: {  	s10 =	sld [smem:$0x3FB7]  }
0x39: {  	_ = 	snop;
	(pc) =	sbr.ind lr, $3  }
0x3a: {  	_ = 	snop  }
0x3b: {  	_ = 	snop  }
0x3c: {  	p2 =	seq.s32 s10, $0x1;
	s10 =	sld [smem:$0x3FB6]  }
0x3d: {  	_ =	shalt  }
0x3e: {  	_ =	shalt  }
0x3f: {  	_ =	shalt  }
0x40: {  	_ =	shalt  }
0x41: {  	_ =	shalt  }
0x42: {  	_ =	shalt  }
0x43: {  	_ =	shalt  }
0x44: {  	_ =	shalt  }
0x45: {  	_ =	shalt  }
0x46: {  	_ =	shalt  }
0x47: {  	_ =	shalt  }
0x48: {  	_ =	shalt  }
0x49: {  	_ =	shalt  }
0x4a: {  	_ =	shalt  }
0x4b: {  	_ =	shalt  }
0x4c: {  	_ =	shalt  }
0x4d: {  	_ =	shalt  }
0x4e: {  	_ =	shalt  }
0x4f: {  	_ =	shalt  }
0x50: {  	_ =	shalt  }
0x51: {  	_ =	shalt  }
0x52: {  	_ =	shalt  }
0x53: {  	_ =	shalt  }
0x54: {  	_ =	shalt  }
0x55: {  	_ =	shalt  }
0x56: {  	_ =	shalt  }
0x57: {  	_ =	shalt  }
0x58: {  	_ =	shalt  }
0x59: {  	_ =	shalt  }
0x5a: {  	_ =	shalt  }
0x5b: {  	_ =	shalt  }
0x5c: {  	_ =	shalt  }
0x5d: {  	_ =	shalt  }
0x5e: {  	_ =	shalt  }
0x5f: {  	_ =	shalt  }
0x60: {  	_ =	shalt  }
0x61: {  	_ =	shalt  }
0x62: {  	_ =	shalt  }
0x63: {  	_ =	shalt  }
0x64: {  	_ =	shalt  }
0x65: {  	_ =	shalt  }
0x66: {  	_ =	shalt  }
0x67: {  	_ =	shalt  }
0x68: {  	_ =	shalt  }
0x69: {  	_ =	shalt  }
0x6a: {  	_ =	shalt  }
0x6b: {  	_ =	shalt  }
0x6c: {  	_ =	shalt  }
0x6d: {  	_ =	shalt  }
0x6e: {  	_ =	shalt  }
0x6f: {  	_ =	shalt  }
0x70: {  	_ =	shalt  }
0x71: {  	_ =	shalt  }
0x72: {  	_ =	shalt  }
0x73: {  	_ =	shalt  }
0x74: {  	_ =	shalt  }
0x75: {  	_ =	shalt  }
0x76: {  	_ =	shalt  }
0x77: {  	_ =	shalt  }
0x78: {  	_ =	shalt  }
0x79: {  	_ =	shalt  }
0x7a: {  	_ =	shalt  }
0x7b: {  	_ =	shalt  }
0x7c: {  	_ =	shalt  }
0x7d: {  	_ =	shalt  }
0x7e: {  	_ =	shalt  }
0x7f: {  	_ =	shalt  }
0x80: {  	_ =	shalt  }
0x81: {  	_ =	shalt  }
0x82: {  	_ =	shalt  }
0x83: {  	_ =	shalt  }
0x84: {  	_ =	shalt  }
0x85: {  	_ =	shalt  }
0x86: {  	_ =	shalt  }
0x87: {  	_ =	shalt  }
.Lfunc_end0:
.L_simem_size_0:
called_computation.1_lowered:
.L_overlay_start_0:
0x88: {  	s2 =	sld [smem:$0x3FD9]  }
0x89: {  	s3 =	sld [smem:$0x3FFE];
	_ =	sdelay $0x1  }
0x8a: {  	s1 =	srdreg.scid  }
0x8b: {  	s0 =	sand.u32 $0x1, s1  }
0x8c: {  	s17 =	sshll.u32 s0, $0xA;
	s2 =	sadd.s32 s3, s2  }
0x8d: {  	s2 =	sadd.s32 s2, s17  }
0x8e: {  	[smem:$0x3FC2] =	sst s2  }
0x8f: {  	_ = 	snop  }
0x90: {  	s2 =	sld [smem:$0x3FD0];
	(tm) =	ssettm $0x1  }
0x91: {  	s18 =	sld [smem:$0x3FFB];
	_ =	sdelay $0x3  }
0x92: {  	_ =	strace s18  }
0x93: {  	s3 =	sld [smem:$0x3FFC];
	_ =	sdelay $0x3  }
0x94: {  	_ =	strace s3  }
0x95: {  	s3 =	sld [smem:$0x3FFD];
	_ =	sdelay $0x3  }
0x96: {  	_ =	strace s3  }
0x97: {  	_ =	strace $0x8FFFFFFF  }
0x98: {  	s19 =	sld [smem:$0x3FDB];
	_ =	sdelay $0x1  }
0x99: {  	s4 =	simm.s32 $_scs_section_size  }
0x9a: {  	s5 =	simm.s32 $_size__tile_overlayer_lowered;
	s6 =	simm.s32 $_tile_overlayer_lowered  }
0x9b: {  	s22 =	simm.s32 $0x1BFF;
	s21 =	sshll.u32 s6, $0x1;
	s3 =	sadd.s32 s4, s19  }
0x9c: {  	s7 =	simm.s32 $0x0;
	s20 =	sshll.u32 s5, $0x1;
	s5 =	sadd.s32 s21, s3  }
0x9d: {  	[timem:s7], [sflag:s22] =	dma.local [hbm:s5], s20  }
0x9e: {  	_ =	swait.ge [sflag:s22], s20  }
0x9f: {  	s4 =	ssub.s32 $0x0, s20;
	[sflag:s22] =	ssyncset.done $0x0  }
0xa0: {  	[sflag:s22] =	ssyncadd.s32 s4;
	_ =	sdelay $0x1  }
0xa1: {  	s23 =	simm.s32 $0x1B8B  }
0xa2: {  	_ =	swait.ge [sflag:s23], $0x1  }
0xa3: {  	[sflag:s23] =	ssyncset.done $0x0  }
0xa4: {  	s25 =	simm.s32 $0x1B8E;
	s24 =	sld [smem:$0x3FFE];
	[sflag:s23] =	ssyncadd.s32 $0xFFFFFFFF  }
0xa5: {  	s26 =	simm.s32 $execute0_lowered;
	[smem:$0x3FD2] =	sst s25  }
0xa6: {  	s5 =	sshll.u32 s26, $0x1;
	_ =	strace $0x80000049;
	[dreg:$0x1] =	wrdreg $0xFFFFFFFF  }
0xa7: {  	s28 =	simm.s32 $_size_execute0_lowered;
	s3 =	sadd.s32 s3, s5;
	[dreg:$0x0] =	wrdreg $0x0  }
0xa8: {  	s5 =	sshll.u32 s28, $0x1;
	[dreg:$0x2] =	wrdreg s3  }
0xa9: {  	[dreg:$0x3] =	wrdreg s5  }
0xaa: {  	[dreg:$0x4] =	wrdreg $0xC0  }
0xab: {  	_ =	task [dreg:s7], $0x5FFFF  }
0xac: {  	[dreg:$0x1] =	wrdreg $0xFFFFFFFF  }
0xad: {  	[dreg:$0x0] =	wrdreg $0x60  }
0xae: {  	[dreg:$0x2] =	wrdreg s24  }
0xaf: {  	[dreg:$0x3] =	wrdreg s2  }
0xb0: {  	[dreg:$0x4] =	wrdreg $0xC3000  }
0xb1: {  	[dreg:$0x5] =	wrdreg $0x9  }
0xb2: {  	_ =	task.clear_ibuf [dreg:s7], $0x6FFFF;
	_ =	strace $0x90000049  }
0xb3: {  	s29 =	simm.s32 $0x9;
	_ =	strace $0x8000004B  }
0xb4: {  	_ =	swait.ge [sflag:s29], $0x1  }
0xb5: {  	[sflag:s29] =	ssyncadd.s32 $0xFFFFFFFF  }
0xb6: {  	_ =	strace $0x9000004B  }
0xb7: {  	_ =	sfence  }
0xb8: {  	s30 =	sld [smem:$0x0];
	_ =	sdelay $0x2  }
0xb9: {  	s31 =	sshll.u32 s1, $0xD;
	s1 =	sshrl.u32 s1, $0x2  }
0xba: {  	s3 =	sand.u32 $0x4000, s31;
	s1 =	sadd.s32 s1, s30  }
0xbb: {  	s0 =	sor.u32 s3, s0;
	s1 =	sshll.u32 s1, $0x11  }
0xbc: {  	s0 =	sor.u32 s1, s0  }
0xbd: {  	s0 =	sadd.s32 $0x8F2B, s0  }
0xbe: {  	[sflag:s0] =	ssyncadd.remote.s32 $0x1  }
0xbf: {  	_ =	sfence.sel $0xFFFF  }
0xc0: {  	[dreg:$0x0] =	wrdreg $0xFFFFFFFF;
	(pc) =	sbr.abs _section_cstart, $3  }
0xc1: {  	[dreg:$0x1] =	wrdreg $0xFFFFFFFF  }
0xc2: {  	_ =	task.clear_ibuf [dreg:s7], $0x2FFFF;
	_ =	strace $0x9FFFFFFF  }
0xc3: {  	(tm) =	ssettm $0x7FFFFFFF  }
tec
execute0_lowered:
.L_overlay_start_1:
0x0: {  	(tag) =	ssettag $0x1  }
0x1: {  	s0 =	rddreg [dreg:$0x0]  }
0x2: {  	s2 =	rddreg [dreg:$0x1]  }
0x3: {  	s1 =	rddreg [dreg:$0x2];
	s3 =	simm.s32 $0x0  }
0x4: {  	s4 =	srdreg.scid;
	s14 =	stileid.u32;
	s28 =	simm.s32 $0x8300  }
0x5: {  	s29 =	simm.s32 $0x2;
	s30 =	simm.s32 $0x180;
	s7 =	smul.u32 $0x1F400, s14  }
0x6: {  	s31 =	simm.s32 $0x4;
	[smem:$0x7FF] =	sst s3;
	s9 =	smul.u32 $0x7D000, s14  }
0x7: {  	s5 =	sand.u32 $0x1, s4;
	s4 =	sadd.s32 $0x2400, s0;
	s17 =	smul.u32 $0x3E80, s14  }
0x8: {  	s15 =	sadd.s32 $0x5AE00, s0;
	s10 =	smul.u32 $0xA000, s14;
	p0 =	sgt.u32 s14, $0x9  }
0x9: {  	s8 =	sshll.u32 s14, $0x1;
	s6 =	smul.u32 $0x138800, s5;
	_ =	strace $0x8000004A  }
0xa: {  	s16 =	sor.u32 s5, s8;
	s18 =	ssub.s32 $0x2, s5;
	s5 =	smul.u32 $0x5000, s5  }
0xb: {  	s11 =	sshrl.u32 s18, $0x1;
	s9 =	sshrl.u32 s9, $0x2;
	s2 =	sadd.s32 s2, s17  }
0xc: {  	s6 =	sadd.s32 s7, s6;
	s7 =	smul.u32 $0x5000, s16;
	s11 =	ssub.s32 s18, s11  }
0xd: {  	s9 =	sadd.s32 s9, s1;
	[dreg:$0x4] =	wrdreg s2;
	s20 =	sadd.s32 s5, s10  }
0xe: {  	s5 =	sshll.u32 @!p0 s14, $0x6;
	s18 =	simm.s32 $0x7;
	s6 =	sshrl.u32 s6, $0x3  }
0xf: {  	s23 =	sor.u32 $0x500, s20;
	s24 =	smax.u32 s11, $0x1;
	s26 =	sor.u32 $0x400, s20  }
0x10: {  	s2 =	sor.u32 $0x300, s20;
	s16 =	sor.u32 @!p0 $0x1C07, s5;
	s17 =	sshrl.u32 @!p0 s9, $0x3  }
0x11: {  	s20 =	simm.s32 $0x200;
	s5 =	simm.s32 $0x5;
	s0 =	sadd.s32 s6, s0  }
0x12: {  	s19 =	sshrl.u32 s7, $0x3;
	[dreg:$0x8] =	wrdreg s24;
	s25 =	sshrl.u32 s23, $0x3  }
0x13: {  	s2 =	sshrl.u32 s2, $0x3;
	s23 =	simm.s32 $0x4300;
	s24 =	simm.s32 $0x1  }
0x14: {  	s7 =	simm.s32 $0x0;
	s6 =	sadd.s32 s15, s19;
	s0 =	sadd.s32 $0x6EE00, s0  }
0x15: {  	s13 =	sadd.s32 s25, s15;
	s19 =	simm.s32 $0x100;
	s25 =	simm.s32 $0x80  }
0x16: {  	s21 =	sadd.s32 $0x20, s6;
	s22 =	sadd.s32 $0x40, s6;
	[dreg:$0x7] =	wrdreg s0  }
0x17: {  	s11 =	sadd.s32 $0x9C0, s6;
	s12 =	sadd.s32 $0x9E0, s6;
	[dreg:$0x5] =	wrdreg s21  }
0x18: {  	s0 =	sshrl.u32 s26, $0x3;
	s26 =	simm.s32 $0x6;
	[dreg:$0x6] =	wrdreg s22  }
0x19: {  	s14 =	sadd.s32 s0, s15;
	s15 =	sadd.s32 s2, s15;
	s21 =	simm.s32 $0x7D  }
0x1a: {  	s22 =	simm.s32 $0x300;
	s0 =	simm.s32 $0x3;
	s2 =	simm.s32 $0x280  }
.LBB2_1:
0x1b: {  	s8 =	rddreg [dreg:$0x4]  }
0x1c: {  	[spmem:s17], [sflag:s16] =	dma.local @!p0 [hbm:s8], $0x3E80  }
0x1d: {  	s8 =	simm.s32 @!p0 $0x7  }
0x1e: {  	_ =	swait.ge @!p0 [sflag:s8], $0x3E80  }
0x1f: {  	[sflag:s8] =	ssyncset.done @!p0 $0x0  }
0x20: {  	[sflag:s8] =	ssyncadd.s32 @!p0 $0xFFFFC180  }
0x21: {  	[bflag:$0x0] =	sbarrier.arrive $0xFFFF  }
0x22: {  	[tilespmem:s3], [sflag:$0x7] =	stream.linear.gather [hbm4b:s6+s3], $0x100, $0x38;
	[tilespmem:$0x1FB80] =	vst v63  }
0x23: {  	_ =	swait.ge [sflag:s18], $0x100  }
0x24: {  	[sflag:s18] =	ssyncset.done $0x0  }
0x25: {  	s10 =	rddreg [dreg:$0x5];
	[sflag:s18] =	ssyncadd.s32 $0xFFFFFF00  }
0x26: {  	[tilespmem:s19], [sflag:$0x7] =	stream.linear.gather [hbm4b:s10+s3], $0x100, $0x38;
	[tilespmem:$0x1FB80] =	vst v63  }
0x27: {  	_ =	swait.ge [sflag:s18], $0x100  }
0x28: {  	[sflag:s18] =	ssyncset.done $0x0  }
0x29: {  	s9 =	rddreg [dreg:$0x6];
	[sflag:s18] =	ssyncadd.s32 $0xFFFFFF00  }
0x2a: {  	[tilespmem:s20], [sflag:$0x6] =	stream.linear.gather [hbm4b:s9+s3], $0x100, $0x38;
	[tilespmem:$0x1FB80] =	vst v63  }
0x2b: {  	_ = 	snop  }
0x2c: {  	[tilespmem:s22], [sflag:$0x1] =	stream.indirect.gather [hbm4b:s4+s21], $0x80, s3, s21, $0xb8;
	[tilespmem:$0x1FB80] =	vst v63  }
0x2d: {  	_ = 	snop  }
0x2e: {  	[tilespmem:s23], [sflag:$0x2] =	stream.indirect.gather [hbm4b:s4+s21], $0x80, s19, s21, $0xb8;
	[tilespmem:$0x1FB80] =	vst v63  }
0x2f: {  	_ =	swait.ge [sflag:s24], $0x3E80  }
0x30: {  	[sflag:s24] =	ssyncset.done $0x0  }
0x31: {  	[sflag:s24] =	ssyncadd.s32 $0xFFFFC180  }
0x32: {  	[spmem:s1] =	stream.indirect.scatter.add.f32 [tilespmem:s22], [sflag:$0x7], $0x80, s25, s21, $0xb8;
	[tilespmem:$0x1FB80] =	vst v63  }
0x33: {  	_ =	swait.ge [sflag:s18], $0x3E80  }
0x34: {  	[sflag:s18] =	ssyncset.done $0x0  }
0x35: {  	s10 =	sadd.s32 $0x0, s15;
	[sflag:s18] =	ssyncadd.s32 $0xFFFFC180  }
0x36: {  	[tilespmem:s3], [sflag:$0x4] =	stream.linear.gather [hbm4b:s10+s3], $0x100, $0x38;
	[tilespmem:$0x1FB80] =	vst v63  }
0x37: {  	_ =	swait.ge [sflag:s26], $0x100  }
0x38: {  	[sflag:s26] =	ssyncset.done $0x0  }
0x39: {  	[sflag:s26] =	ssyncadd.s32 $0xFFFFFF00  }
0x3a: {  	[tilespmem:s28], [sflag:$0x3] =	stream.indirect.gather [hbm4b:s4+s21], $0x80, s20, s21, $0xb8;
	[tilespmem:$0x1FB80] =	vst v63  }
0x3b: {  	_ =	swait.ge [sflag:s29], $0x3E80  }
0x3c: {  	[sflag:s29] =	ssyncset.done $0x0  }
0x3d: {  	[sflag:s29] =	ssyncadd.s32 $0xFFFFC180  }
0x3e: {  	[spmem:s1] =	stream.indirect.scatter.add.f32 [tilespmem:s23], [sflag:$0x7], $0x80, s30, s21, $0xb8;
	[tilespmem:$0x1FB80] =	vst v63  }
0x3f: {  	_ =	swait.ge [sflag:s18], $0x3E80  }
0x40: {  	[sflag:s18] =	ssyncset.done $0x0  }
0x41: {  	s9 =	sadd.s32 $0x0, s14;
	[sflag:s18] =	ssyncadd.s32 $0xFFFFC180  }
0x42: {  	[tilespmem:s19], [sflag:$0x5] =	stream.linear.gather [hbm4b:s9+s3], $0x100, $0x38;
	[tilespmem:$0x1FB80] =	vst v63  }
0x43: {  	_ =	swait.ge [sflag:s31], $0x100  }
0x44: {  	[sflag:s31] =	ssyncset.done $0x0  }
0x45: {  	[sflag:s31] =	ssyncadd.s32 $0xFFFFFF00  }
0x46: {  	[tilespmem:s22], [sflag:$0x1] =	stream.indirect.gather [hbm4b:s4+s21], $0x80, s3, s21, $0xb8;
	[tilespmem:$0x1FB80] =	vst v63  }
0x47: {  	_ =	swait.ge [sflag:s0], $0x3E80  }
0x48: {  	[sflag:s0] =	ssyncset.done $0x0  }
0x49: {  	[sflag:s0] =	ssyncadd.s32 $0xFFFFC180  }
0x4a: {  	[spmem:s1] =	stream.indirect.scatter.add.f32 [tilespmem:s28], [sflag:$0x7], $0x80, s2, s21, $0xb8;
	[tilespmem:$0x1FB80] =	vst v63  }
0x4b: {  	_ =	swait.ge [sflag:s18], $0x3E80  }
0x4c: {  	[sflag:s18] =	ssyncset.done $0x0  }
0x4d: {  	s10 =	sadd.s32 $0x0, s13;
	[sflag:s18] =	ssyncadd.s32 $0xFFFFC180  }
0x4e: {  	[tilespmem:s20], [sflag:$0x6] =	stream.linear.gather [hbm4b:s10+s3], $0x100, $0x38;
	[tilespmem:$0x1FB80] =	vst v63  }
0x4f: {  	_ =	swait.ge [sflag:s5], $0x100  }
0x50: {  	[sflag:s5] =	ssyncset.done $0x0  }
0x51: {  	s8 =	simm.s32 $0x60;
	[sflag:s5] =	ssyncadd.s32 $0xFFFFFF00  }
.LBB2_2:
0x52: {  	[tilespmem:s23], [sflag:$0x2] =	stream.indirect.gather [hbm4b:s4+s21], $0x80, s19, s21, $0xb8;
	[tilespmem:$0x1FB80] =	vst v63  }
0x53: {  	s9 =	smov.u32 s8  }
0x54: {  	p1 =	sne.s32 s8, $0x900;
	s8 =	sadd.s32 $0x60, s8;
	_ =	swait.ge [sflag:s24], $0x3E80  }
0x55: {  	[sflag:s24] =	ssyncset.done $0x0  }
0x56: {  	[sflag:s24] =	ssyncadd.s32 $0xFFFFC180  }
0x57: {  	[spmem:s1] =	stream.indirect.scatter.add.f32 [tilespmem:s22], [sflag:$0x7], $0x80, s25, s21, $0xb8;
	[tilespmem:$0x1FB80] =	vst v63  }
0x58: {  	_ =	swait.ge [sflag:s18], $0x3E80  }
0x59: {  	[sflag:s18] =	ssyncset.done $0x0  }
0x5a: {  	s10 =	sadd.s32 s9, s15;
	[sflag:s18] =	ssyncadd.s32 $0xFFFFC180  }
0x5b: {  	[tilespmem:s3], [sflag:$0x4] =	stream.linear.gather [hbm4b:s10+s3], $0x100, $0x38;
	[tilespmem:$0x1FB80] =	vst v63  }
0x5c: {  	_ =	swait.ge [sflag:s26], $0x100  }
0x5d: {  	[sflag:s26] =	ssyncset.done $0x0  }
0x5e: {  	[sflag:s26] =	ssyncadd.s32 $0xFFFFFF00  }
0x5f: {  	[tilespmem:s28], [sflag:$0x3] =	stream.indirect.gather [hbm4b:s4+s21], $0x80, s20, s21, $0xb8;
	[tilespmem:$0x1FB80] =	vst v63  }
0x60: {  	_ =	swait.ge [sflag:s29], $0x3E80  }
0x61: {  	[sflag:s29] =	ssyncset.done $0x0  }
0x62: {  	[sflag:s29] =	ssyncadd.s32 $0xFFFFC180  }
0x63: {  	[spmem:s1] =	stream.indirect.scatter.add.f32 [tilespmem:s23], [sflag:$0x7], $0x80, s30, s21, $0xb8;
	[tilespmem:$0x1FB80] =	vst v63  }
0x64: {  	_ =	swait.ge [sflag:s18], $0x3E80  }
0x65: {  	[sflag:s18] =	ssyncset.done $0x0  }
0x66: {  	s10 =	sadd.s32 s9, s14;
	[sflag:s18] =	ssyncadd.s32 $0xFFFFC180  }
0x67: {  	[tilespmem:s19], [sflag:$0x5] =	stream.linear.gather [hbm4b:s10+s3], $0x100, $0x38;
	[tilespmem:$0x1FB80] =	vst v63  }
0x68: {  	_ =	swait.ge [sflag:s31], $0x100  }
0x69: {  	[sflag:s31] =	ssyncset.done $0x0  }
0x6a: {  	[sflag:s31] =	ssyncadd.s32 $0xFFFFFF00  }
0x6b: {  	[tilespmem:s22], [sflag:$0x1] =	stream.indirect.gather [hbm4b:s4+s21], $0x80, s3, s21, $0xb8;
	[tilespmem:$0x1FB80] =	vst v63  }
0x6c: {  	_ =	swait.ge [sflag:s0], $0x3E80  }
0x6d: {  	[sflag:s0] =	ssyncset.done $0x0  }
0x6e: {  	[sflag:s0] =	ssyncadd.s32 $0xFFFFC180  }
0x6f: {  	[spmem:s1] =	stream.indirect.scatter.add.f32 [tilespmem:s28], [sflag:$0x7], $0x80, s2, s21, $0xb8;
	[tilespmem:$0x1FB80] =	vst v63  }
0x70: {  	_ =	swait.ge [sflag:s18], $0x3E80  }
0x71: {  	[sflag:s18] =	ssyncset.done $0x0  }
.Ltmp0:
0x72: {  	s9 =	sadd.s32 s9, s13;
	[sflag:s18] =	ssyncadd.s32 $0xFFFFC180;
	(pc) =	sbr.rel @p1 .LBB2_2-.Ltmp0, $4  }
0x73: {  	[tilespmem:s20], [sflag:$0x6] =	stream.linear.gather [hbm4b:s9+s3], $0x100, $0x38;
	[tilespmem:$0x1FB80] =	vst v63  }
0x74: {  	_ =	swait.ge [sflag:s5], $0x100  }
0x75: {  	[sflag:s5] =	ssyncset.done $0x0  }
0x76: {  	[sflag:s5] =	ssyncadd.s32 $0xFFFFFF00  }
0x77: {  	[tilespmem:s23], [sflag:$0x2] =	stream.indirect.gather [hbm4b:s4+s21], $0x80, s19, s21, $0xb8;
	[tilespmem:$0x1FB80] =	vst v63  }
0x78: {  	_ =	swait.ge [sflag:s24], $0x3E80  }
0x79: {  	[sflag:s24] =	ssyncset.done $0x0  }
0x7a: {  	[sflag:s24] =	ssyncadd.s32 $0xFFFFC180  }
0x7b: {  	[spmem:s1] =	stream.indirect.scatter.add.f32 [tilespmem:s22], [sflag:$0x7], $0x80, s25, s21, $0xb8;
	[tilespmem:$0x1FB80] =	vst v63  }
0x7c: {  	_ =	swait.ge [sflag:s18], $0x3E80  }
0x7d: {  	[sflag:s18] =	ssyncset.done $0x0  }
0x7e: {  	[sflag:s18] =	ssyncadd.s32 $0xFFFFC180  }
0x7f: {  	[tilespmem:s3], [sflag:$0x4] =	stream.linear.gather [hbm4b:s11+s3], $0x100, $0x38;
	[tilespmem:$0x1FB80] =	vst v63  }
0x80: {  	_ =	swait.ge [sflag:s26], $0x100  }
0x81: {  	[sflag:s26] =	ssyncset.done $0x0  }
0x82: {  	[sflag:s26] =	ssyncadd.s32 $0xFFFFFF00  }
0x83: {  	[tilespmem:s28], [sflag:$0x3] =	stream.indirect.gather [hbm4b:s4+s21], $0x80, s20, s21, $0xb8;
	[tilespmem:$0x1FB80] =	vst v63  }
0x84: {  	_ =	swait.ge [sflag:s29], $0x3E80  }
0x85: {  	[sflag:s29] =	ssyncset.done $0x0  }
0x86: {  	[sflag:s29] =	ssyncadd.s32 $0xFFFFC180  }
0x87: {  	[spmem:s1] =	stream.indirect.scatter.add.f32 [tilespmem:s23], [sflag:$0x7], $0x80, s30, s21, $0xb8;
	[tilespmem:$0x1FB80] =	vst v63  }
0x88: {  	_ =	swait.ge [sflag:s18], $0x3E80  }
0x89: {  	[sflag:s18] =	ssyncset.done $0x0  }
0x8a: {  	[sflag:s18] =	ssyncadd.s32 $0xFFFFC180  }
0x8b: {  	[tilespmem:s19], [sflag:$0x5] =	stream.linear.gather [hbm4b:s12+s3], $0x100, $0x38;
	[tilespmem:$0x1FB80] =	vst v63  }
0x8c: {  	_ =	swait.ge [sflag:s31], $0x100  }
0x8d: {  	[sflag:s31] =	ssyncset.done $0x0  }
0x8e: {  	[sflag:s31] =	ssyncadd.s32 $0xFFFFFF00  }
0x8f: {  	[tilespmem:s22], [sflag:$0x1] =	stream.indirect.gather [hbm4b:s4+s21], $0x80, s3, s21, $0xb8;
	[tilespmem:$0x1FB80] =	vst v63  }
0x90: {  	_ =	swait.ge [sflag:s0], $0x3E80  }
0x91: {  	[sflag:s0] =	ssyncset.done $0x0  }
0x92: {  	[sflag:s0] =	ssyncadd.s32 $0xFFFFC180  }
0x93: {  	[spmem:s1] =	stream.indirect.scatter.add.f32 [tilespmem:s28], [sflag:$0x7], $0x80, s2, s21, $0xb8;
	[tilespmem:$0x1FB80] =	vst v63  }
0x94: {  	_ =	swait.ge [sflag:s18], $0x3E80  }
0x95: {  	[sflag:s18] =	ssyncset.done $0x0  }
0x96: {  	[sflag:s18] =	ssyncadd.s32 $0xFFFFC180  }
0x97: {  	_ =	swait.ge [sflag:s5], $0x100  }
0x98: {  	[sflag:s5] =	ssyncset.done $0x0  }
0x99: {  	[sflag:s5] =	ssyncadd.s32 $0xFFFFFF00  }
0x9a: {  	[tilespmem:s23], [sflag:$0x2] =	stream.indirect.gather [hbm4b:s4+s21], $0x80, s19, s21, $0xb8;
	[tilespmem:$0x1FB80] =	vst v63  }
0x9b: {  	_ =	swait.ge [sflag:s24], $0x3E80  }
0x9c: {  	[sflag:s24] =	ssyncset.done $0x0  }
0x9d: {  	[sflag:s24] =	ssyncadd.s32 $0xFFFFC180  }
0x9e: {  	[spmem:s1] =	stream.indirect.scatter.add.f32 [tilespmem:s22], [sflag:$0x7], $0x80, s25, s21, $0xb8;
	[tilespmem:$0x1FB80] =	vst v63  }
0x9f: {  	_ =	swait.ge [sflag:s18], $0x3E80  }
0xa0: {  	[sflag:s18] =	ssyncset.done $0x0  }
0xa1: {  	[sflag:s18] =	ssyncadd.s32 $0xFFFFC180  }
0xa2: {  	_ =	swait.ge [sflag:s29], $0x3E80  }
0xa3: {  	[sflag:s29] =	ssyncset.done $0x0  }
0xa4: {  	[sflag:s29] =	ssyncadd.s32 $0xFFFFC180  }
0xa5: {  	[spmem:s1] =	stream.indirect.scatter.add.f32 [tilespmem:s23], [sflag:$0x7], $0x80, s30, s21, $0xb8;
	[tilespmem:$0x1FB80] =	vst v63  }
0xa6: {  	_ =	swait.ge [sflag:s18], $0x3E80  }
0xa7: {  	[sflag:s18] =	ssyncset.done $0x0  }
0xa8: {  	[sflag:s18] =	ssyncadd.s32 $0xFFFFC180  }
0xa9: {  	[bflag:$0x0] =	sbarrier.arrive $0xFFFF  }
0xaa: {  	s8 =	rddreg [dreg:$0x7]  }
0xab: {  	[hbm:s8], [sflag:s16] =	dma.local @!p0 [spmem:s17], $0x3E80  }
0xac: {  	s8 =	simm.s32 @!p0 $0x7  }
0xad: {  	_ =	swait.ge @!p0 [sflag:s8], $0x3E80  }
0xae: {  	s7 =	sadd.s32 $0x1, s7;
	s9 =	rddreg [dreg:$0x8]  }
0xaf: {  	p1 =	sne.s32 s7, s9  }
.Ltmp1:
0xb0: {  	_ = 	snop;
	(pc) =	sbr.rel @p1 .LBB2_1-.Ltmp1, $3  }
0xb1: {  	_ =	sdelay $0x1  }
0xb2: {  	[sflag:s8] =	ssyncset.done @!p0 $0x0  }
0xb3: {  	[sflag:s8] =	ssyncadd.s32 @!p0 $0xFFFFC180  }
0xb4: {  	_ =	sfence.sel $0x180000  }
0xb5: {  	[bflag:$0x0] =	sbarrier.arrive $0xFFFF  }
0xb6: {  	_ =	strace $0x9000004A  }
0xb7: {  	s0 =	stileid.u32;
	[bflag:$0x2] =	sbarrier.arrive $0xFFFF  }
0xb8: {  	p0 =	sne.s32 s0, $0x0;
	s0 =	rddreg [dreg:$0x3]  }
0xb9: {  	s0 =	sadd.s32 @!p0 $0x100000, s0  }
0xba: {  	[sflag:s0] =	ssyncadd.tile.s32 @!p0 $0x1;
	_ =	shalt  }
.Lfunc_end2:
_tile_overlayer_lowered:
.L_overlay_start_2:
0xbb: {  	(tag) =	ssettag $0x2  }
0xbc: {  	s0 =	rddreg [dreg:$0x0];
	s2 =	stileid.u32  }
0xbd: {  	s1 =	rddreg [dreg:$0x1];
	p0 =	sne.s32 s2, $0x0  }
0xbe: {  	s3 =	rddreg [dreg:$0x2];
	[bflag:$0x3] =	sbarrier.arrive $0xFFFF;
	s2 =	simm.s32 @!p0 $0x1C07  }
0xbf: {  	[timem:s3], [sflag:s2] =	dma.local @!p0 [hbm:s0], s1  }
0xc0: {  	s0 =	simm.s32 @!p0 $0x7  }
0xc1: {  	_ =	swait.ge @!p0 [sflag:s0], s1  }
0xc2: {  	s1 =	ssub.s32 @!p0 $0x0, s1;
	[sflag:s0] =	ssyncset.done @!p0 $0x0  }
0xc3: {  	[sflag:s0] =	ssyncadd.s32 @!p0 s1  }
0xc4: {  	[bflag:$0x3] =	sbarrier.arrive $0xFFFF  }
0xc5: {  	_ =	shalt  }

// kernel: kernel.14.cloned.1.call-start
scs
__scs_entry_jumppad:
0x0: {  	(pc) =	sbr.rel $0x88, $3  }
0x1: {  	(tag) =	ssettag $0x0;
	lr =	simm.s32 $0x1  }
0x2: {  	[smem:$0x3F9B] =	sst lr;
	_ =	strace $0xD0000000  }
0x3: {  	_ = 	snop  }
0x4: {  	_ = 	snop  }
0x5: {  	_ = 	snop  }
0x6: {  	_ = 	snop  }
0x7: {  	_ = 	snop  }
__scs_overlays_trampoline_lowered:
0x8: {  	[smem:$0x3FAA] =	sst s0  }
0x9: {  	[smem:$0x3FAB] =	sst s1  }
0xa: {  	[smem:$0x3FAC] =	sst s2  }
0xb: {  	[smem:$0x3FAD] =	sst s3  }
0xc: {  	[smem:$0x3FAE] =	sst s4  }
0xd: {  	[smem:$0x3FAF] =	sst s5  }
0xe: {  	[smem:$0x3FB0] =	sst s6  }
0xf: {  	[smem:$0x3FB1] =	sst s7  }
0x10: {  	[smem:$0x3FB2] =	sst s8  }
0x11: {  	[smem:$0x3FB3] =	sst s9;
	s0 =	simm.s32 @!p0 $0x0  }
0x12: {  	s1 =	sld [smem:$0x3F99];
	s0 =	simm.s32 @p0 $0x1  }
0x13: {  	[smem:$0x3FB4] =	sst s0;
	s0 =	simm.s32 @!p1 $0x0  }
0x14: {  	s2 =	sld [smem:$0x3F98];
	s0 =	simm.s32 @p1 $0x1  }
0x15: {  	[smem:$0x3FB5] =	sst s0;
	s0 =	simm.s32 @!p2 $0x0  }
0x16: {  	s3 =	sld [smem:$0x3FDB];
	s0 =	simm.s32 @p2 $0x1  }
0x17: {  	s4 =	simm.s32 $0x1BF5;
	[smem:$0x3FB7] =	sst s0  }
0x18: {  	s0 =	sld [smem:$0x3F9A];
	_ =	swait.ge [sflag:s4], $0x0  }
0x19: {  	s7 =	sld [smem:$0x3F9B]  }
0x1a: {  	s8 =	sadd.s32 $0xFFFFE003, lr  }
0x1b: {  	s9 =	sadd.s32 $0xFFFFFEF7, lr;
	s5 =	simm.s32 $0xFFFFFFFF;
	p2 =	slt.u32 s8, $0xFFFFF086  }
0x1c: {  	p1 =	slt.u32 s9, $0xF7A;
	s5 =	simm.s32 @!p2 $0x0  }
0x1d: {  	s5 =	simm.s32 @p1 $0x1;
	p0 =	seq.s32 s7, s2  }
0x1e: {  	s7 =	smul.u32 @!p0 $0xF7A, s2;
	p2 =	seq.s32 @!p0 s5, $0x0  }
0x1f: {  	s9 =	smul.u32 $0xF7A, s1;
	s8 =	simm.s32 @!p0 $0x1BF5;
	p2 =	por !p2, p0  }
0x20: {  	[sflag:s8] =	ssyncset.s32 @!p0 $0xFFFFF086;
	s6 =	sadd.s32 @!p0 s3, s7;
	s7 =	simm.s32 @!p0 $0x108  }
0x21: {  	s3 =	sadd.s32 s3, s9;
	s6 =	sadd.s32 @!p0 $0x88, s6;
	s7 =	simm.s32 @p2 $0x1082  }
0x22: {  	[simem:s7], [sflag:s8] =	dma.local @!p0 [hbm:s6], $0xF7A  }
0x23: {  	s9 =	sor.u32 $0xD0000000, s2;
	s6 =	simm.s32 $0x108;
	_ =	swait.ge @!p0 [sflag:s8], $0x0  }
0x24: {  	s3 =	sadd.s32 $0x88, s3;
	s6 =	simm.s32 @!p1 $0x1082;
	[sflag:s4] =	ssyncset.s32 $0xFFFFF086  }
0x25: {  	[simem:s6], [sflag:s4] =	dma.local [hbm:s3], $0xF7A  }
0x26: {  	[smem:$0x3F9B] =	sst s1;
	(tag) =	ssettag s2;
	_ =	strace s9  }
0x27: {  	s1 =	sld [smem:$0x3FAB]  }
0x28: {  	s2 =	sld [smem:$0x3FAC]  }
0x29: {  	s4 =	sld [smem:$0x3FAE]  }
0x2a: {  	p0 =	seq.s32 s5, $0x0;
	s5 =	sld [smem:$0x3FAF]  }
0x2b: {  	s6 =	sld [smem:$0x3FB0]  }
0x2c: {  	s7 =	sld [smem:$0x3FB1]  }
0x2d: {  	s3 =	simm.s32 $0x108;
	s8 =	sld [smem:$0x3FB2]  }
0x2e: {  	s3 =	simm.s32 @!p0 $0x1082;
	s9 =	sld [smem:$0x3FB3]  }
0x2f: {  	lr =	sadd.s32 s0, s3;
	s0 =	sld [smem:$0x3FAA]  }
0x30: {  	s3 =	sld [smem:$0x3FAD]  }
0x31: {  	[smem:$0x3FB6] =	sst s10  }
0x32: {  	s10 =	sld [smem:$0x3FB4];
	_ =	sdelay $0x3  }
0x33: {  	p0 =	seq.s32 s10, $0x1;
	s10 =	sld [smem:$0x3FB6];
	_ =	sdelay $0x3  }
0x34: {  	[smem:$0x3FB6] =	sst s10  }
0x35: {  	s10 =	sld [smem:$0x3FB5];
	_ =	sdelay $0x3  }
0x36: {  	p1 =	seq.s32 s10, $0x1;
	s10 =	sld [smem:$0x3FB6];
	_ =	sdelay $0x3  }
0x37: {  	[smem:$0x3FB6] =	sst s10  }
0x38: {  	s10 =	sld [smem:$0x3FB7]  }
0x39: {  	_ = 	snop;
	(pc) =	sbr.ind lr, $3  }
0x3a: {  	_ = 	snop  }
0x3b: {  	_ = 	snop  }
0x3c: {  	p2 =	seq.s32 s10, $0x1;
	s10 =	sld [smem:$0x3FB6]  }
0x3d: {  	_ =	shalt  }
0x3e: {  	_ =	shalt  }
0x3f: {  	_ =	shalt  }
0x40: {  	_ =	shalt  }
0x41: {  	_ =	shalt  }
0x42: {  	_ =	shalt  }
0x43: {  	_ =	shalt  }
0x44: {  	_ =	shalt  }
0x45: {  	_ =	shalt  }
0x46: {  	_ =	shalt  }
0x47: {  	_ =	shalt  }
0x48: {  	_ =	shalt  }
0x49: {  	_ =	shalt  }
0x4a: {  	_ =	shalt  }
0x4b: {  	_ =	shalt  }
0x4c: {  	_ =	shalt  }
0x4d: {  	_ =	shalt  }
0x4e: {  	_ =	shalt  }
0x4f: {  	_ =	shalt  }
0x50: {  	_ =	shalt  }
0x51: {  	_ =	shalt  }
0x52: {  	_ =	shalt  }
0x53: {  	_ =	shalt  }
0x54: {  	_ =	shalt  }
0x55: {  	_ =	shalt  }
0x56: {  	_ =	shalt  }
0x57: {  	_ =	shalt  }
0x58: {  	_ =	shalt  }
0x59: {  	_ =	shalt  }
0x5a: {  	_ =	shalt  }
0x5b: {  	_ =	shalt  }
0x5c: {  	_ =	shalt  }
0x5d: {  	_ =	shalt  }
0x5e: {  	_ =	shalt  }
0x5f: {  	_ =	shalt  }
0x60: {  	_ =	shalt  }
0x61: {  	_ =	shalt  }
0x62: {  	_ =	shalt  }
0x63: {  	_ =	shalt  }
0x64: {  	_ =	shalt  }
0x65: {  	_ =	shalt  }
0x66: {  	_ =	shalt  }
0x67: {  	_ =	shalt  }
0x68: {  	_ =	shalt  }
0x69: {  	_ =	shalt  }
0x6a: {  	_ =	shalt  }
0x6b: {  	_ =	shalt  }
0x6c: {  	_ =	shalt  }
0x6d: {  	_ =	shalt  }
0x6e: {  	_ =	shalt  }
0x6f: {  	_ =	shalt  }
0x70: {  	_ =	shalt  }
0x71: {  	_ =	shalt  }
0x72: {  	_ =	shalt  }
0x73: {  	_ =	shalt  }
0x74: {  	_ =	shalt  }
0x75: {  	_ =	shalt  }
0x76: {  	_ =	shalt  }
0x77: {  	_ =	shalt  }
0x78: {  	_ =	shalt  }
0x79: {  	_ =	shalt  }
0x7a: {  	_ =	shalt  }
0x7b: {  	_ =	shalt  }
0x7c: {  	_ =	shalt  }
0x7d: {  	_ =	shalt  }
0x7e: {  	_ =	shalt  }
0x7f: {  	_ =	shalt  }
0x80: {  	_ =	shalt  }
0x81: {  	_ =	shalt  }
0x82: {  	_ =	shalt  }
0x83: {  	_ =	shalt  }
0x84: {  	_ =	shalt  }
0x85: {  	_ =	shalt  }
0x86: {  	_ =	shalt  }
0x87: {  	_ =	shalt  }
.Lfunc_end0:
.L_simem_size_0:
called_computation.2_lowered:
.L_overlay_start_0:
0x88: {  	s2 =	sld [smem:$0x3FD9]  }
0x89: {  	s3 =	sld [smem:$0x3FFE];
	_ =	sdelay $0x1  }
0x8a: {  	s1 =	srdreg.scid  }
0x8b: {  	s0 =	sand.u32 $0x1, s1  }
0x8c: {  	s17 =	sshll.u32 s0, $0xA;
	s2 =	sadd.s32 s3, s2  }
0x8d: {  	s2 =	sadd.s32 s2, s17  }
0x8e: {  	[smem:$0x3FC2] =	sst s2  }
0x8f: {  	_ = 	snop  }
0x90: {  	s2 =	sld [smem:$0x3FD0];
	(tm) =	ssettm $0x1  }
0x91: {  	s18 =	sld [smem:$0x3FFB];
	_ =	sdelay $0x3  }
0x92: {  	_ =	strace s18  }
0x93: {  	s3 =	sld [smem:$0x3FFC];
	_ =	sdelay $0x3  }
0x94: {  	_ =	strace s3  }
0x95: {  	s3 =	sld [smem:$0x3FFD];
	_ =	sdelay $0x3  }
0x96: {  	_ =	strace s3  }
0x97: {  	_ =	strace $0x8FFFFFFF  }
0x98: {  	s19 =	sld [smem:$0x3FDB];
	_ =	sdelay $0x1  }
0x99: {  	s4 =	simm.s32 $_scs_section_size  }
0x9a: {  	s5 =	simm.s32 $_size__tile_overlayer_lowered;
	s6 =	simm.s32 $_tile_overlayer_lowered  }
0x9b: {  	s22 =	simm.s32 $0x1BFF;
	s21 =	sshll.u32 s6, $0x1;
	s3 =	sadd.s32 s4, s19  }
0x9c: {  	s7 =	simm.s32 $0x0;
	s20 =	sshll.u32 s5, $0x1;
	s5 =	sadd.s32 s21, s3  }
0x9d: {  	[timem:s7], [sflag:s22] =	dma.local [hbm:s5], s20  }
0x9e: {  	_ =	swait.ge [sflag:s22], s20  }
0x9f: {  	s4 =	ssub.s32 $0x0, s20;
	[sflag:s22] =	ssyncset.done $0x0  }
0xa0: {  	[sflag:s22] =	ssyncadd.s32 s4;
	_ =	sdelay $0x1  }
0xa1: {  	s23 =	simm.s32 $0x1B8B  }
0xa2: {  	_ =	swait.ge [sflag:s23], $0x1  }
0xa3: {  	[sflag:s23] =	ssyncset.done $0x0  }
0xa4: {  	s25 =	simm.s32 $0x1B8E;
	s24 =	sld [smem:$0x3FFE];
	[sflag:s23] =	ssyncadd.s32 $0xFFFFFFFF  }
0xa5: {  	s26 =	simm.s32 $execute0_lowered;
	[smem:$0x3FD2] =	sst s25  }
0xa6: {  	s5 =	sshll.u32 s26, $0x1;
	_ =	strace $0x8000004C;
	[dreg:$0x1] =	wrdreg $0xFFFFFFFF  }
0xa7: {  	s28 =	simm.s32 $_size_execute0_lowered;
	s3 =	sadd.s32 s3, s5;
	[dreg:$0x0] =	wrdreg $0x0  }
0xa8: {  	s5 =	sshll.u32 s28, $0x1;
	[dreg:$0x2] =	wrdreg s3  }
0xa9: {  	[dreg:$0x3] =	wrdreg s5  }
0xaa: {  	[dreg:$0x4] =	wrdreg $0xC0  }
0xab: {  	_ =	task [dreg:s7], $0x5FFFF  }
0xac: {  	[dreg:$0x1] =	wrdreg $0xFFFFFFFF  }
0xad: {  	[dreg:$0x0] =	wrdreg $0x60  }
0xae: {  	[dreg:$0x2] =	wrdreg s24  }
0xaf: {  	[dreg:$0x3] =	wrdreg s2  }
0xb0: {  	[dreg:$0x4] =	wrdreg $0xC3000  }
0xb1: {  	[dreg:$0x5] =	wrdreg $0x9  }
0xb2: {  	_ =	task.clear_ibuf [dreg:s7], $0x6FFFF;
	_ =	strace $0x9000004C  }
0xb3: {  	s29 =	simm.s32 $0x9;
	_ =	strace $0x8000004E  }
0xb4: {  	_ =	swait.ge [sflag:s29], $0x1  }
0xb5: {  	[sflag:s29] =	ssyncadd.s32 $0xFFFFFFFF  }
0xb6: {  	_ =	strace $0x9000004E  }
0xb7: {  	_ =	sfence  }
0xb8: {  	s30 =	sld [smem:$0x0];
	_ =	sdelay $0x2  }
0xb9: {  	s31 =	sshll.u32 s1, $0xD;
	s1 =	sshrl.u32 s1, $0x2  }
0xba: {  	s3 =	sand.u32 $0x4000, s31;
	s1 =	sadd.s32 s1, s30  }
0xbb: {  	s0 =	sor.u32 s3, s0;
	s1 =	sshll.u32 s1, $0x11  }
0xbc: {  	s0 =	sor.u32 s1, s0  }
0xbd: {  	s0 =	sadd.s32 $0x8F2B, s0  }
0xbe: {  	[sflag:s0] =	ssyncadd.remote.s32 $0x1  }
0xbf: {  	_ =	sfence.sel $0xFFFF  }
0xc0: {  	[dreg:$0x0] =	wrdreg $0xFFFFFFFF;
	(pc) =	sbr.abs _section_cstart, $3  }
0xc1: {  	[dreg:$0x1] =	wrdreg $0xFFFFFFFF  }
0xc2: {  	_ =	task.clear_ibuf [dreg:s7], $0x2FFFF;
	_ =	strace $0x9FFFFFFF  }
0xc3: {  	(tm) =	ssettm $0x7FFFFFFF  }
tec
execute0_lowered:
.L_overlay_start_1:
0x0: {  	(tag) =	ssettag $0x1  }
0x1: {  	s0 =	rddreg [dreg:$0x0]  }
0x2: {  	s2 =	rddreg [dreg:$0x1]  }
0x3: {  	s1 =	rddreg [dreg:$0x2];
	s3 =	simm.s32 $0x0  }
0x4: {  	s4 =	srdreg.scid;
	s14 =	stileid.u32;
	s28 =	simm.s32 $0x8300  }
0x5: {  	s29 =	simm.s32 $0x2;
	s30 =	simm.s32 $0x180;
	s7 =	smul.u32 $0x1F400, s14  }
0x6: {  	s31 =	simm.s32 $0x4;
	[smem:$0x7FF] =	sst s3;
	s9 =	smul.u32 $0x7D000, s14  }
0x7: {  	s5 =	sand.u32 $0x1, s4;
	s4 =	sadd.s32 $0x2400, s0;
	s17 =	smul.u32 $0x3E80, s14  }
0x8: {  	s15 =	sadd.s32 $0x5AE00, s0;
	s10 =	smul.u32 $0xA000, s14;
	p0 =	sgt.u32 s14, $0x9  }
0x9: {  	s8 =	sshll.u32 s14, $0x1;
	s6 =	smul.u32 $0x138800, s5;
	_ =	strace $0x8000004D  }
0xa: {  	s16 =	sor.u32 s5, s8;
	s18 =	ssub.s32 $0x2, s5;
	s5 =	smul.u32 $0x5000, s5  }
0xb: {  	s11 =	sshrl.u32 s18, $0x1;
	s9 =	sshrl.u32 s9, $0x2;
	s2 =	sadd.s32 s2, s17  }
0xc: {  	s6 =	sadd.s32 s7, s6;
	s7 =	smul.u32 $0x5000, s16;
	s11 =	ssub.s32 s18, s11  }
0xd: {  	s9 =	sadd.s32 s9, s1;
	[dreg:$0x4] =	wrdreg s2;
	s20 =	sadd.s32 s5, s10  }
0xe: {  	s5 =	sshll.u32 @!p0 s14, $0x6;
	s18 =	simm.s32 $0x7;
	s6 =	sshrl.u32 s6, $0x3  }
0xf: {  	s23 =	sor.u32 $0x500, s20;
	s24 =	smax.u32 s11, $0x1;
	s26 =	sor.u32 $0x400, s20  }
0x10: {  	s2 =	sor.u32 $0x300, s20;
	s16 =	sor.u32 @!p0 $0x1C07, s5;
	s17 =	sshrl.u32 @!p0 s9, $0x3  }
0x11: {  	s20 =	simm.s32 $0x200;
	s5 =	simm.s32 $0x5;
	s0 =	sadd.s32 s6, s0  }
0x12: {  	s19 =	sshrl.u32 s7, $0x3;
	[dreg:$0x8] =	wrdreg s24;
	s25 =	sshrl.u32 s23, $0x3  }
0x13: {  	s2 =	sshrl.u32 s2, $0x3;
	s23 =	simm.s32 $0x4300;
	s24 =	simm.s32 $0x1  }
0x14: {  	s7 =	simm.s32 $0x0;
	s6 =	sadd.s32 s15, s19;
	s0 =	sadd.s32 $0x6EE00, s0  }
0x15: {  	s13 =	sadd.s32 s25, s15;
	s19 =	simm.s32 $0x100;
	s25 =	simm.s32 $0x80  }
0x16: {  	s21 =	sadd.s32 $0x20, s6;
	s22 =	sadd.s32 $0x40, s6;
	[dreg:$0x7] =	wrdreg s0  }
0x17: {  	s11 =	sadd.s32 $0x9C0, s6;
	s12 =	sadd.s32 $0x9E0, s6;
	[dreg:$0x5] =	wrdreg s21  }
0x18: {  	s0 =	sshrl.u32 s26, $0x3;
	s26 =	simm.s32 $0x6;
	[dreg:$0x6] =	wrdreg s22  }
0x19: {  	s14 =	sadd.s32 s0, s15;
	s15 =	sadd.s32 s2, s15;
	s21 =	simm.s32 $0x7D  }
0x1a: {  	s22 =	simm.s32 $0x300;
	s0 =	simm.s32 $0x3;
	s2 =	simm.s32 $0x280  }
.LBB2_1:
0x1b: {  	s8 =	rddreg [dreg:$0x4]  }
0x1c: {  	[spmem:s17], [sflag:s16] =	dma.local @!p0 [hbm:s8], $0x3E80  }
0x1d: {  	s8 =	simm.s32 @!p0 $0x7  }
0x1e: {  	_ =	swait.ge @!p0 [sflag:s8], $0x3E80  }
0x1f: {  	[sflag:s8] =	ssyncset.done @!p0 $0x0  }
0x20: {  	[sflag:s8] =	ssyncadd.s32 @!p0 $0xFFFFC180  }
0x21: {  	[bflag:$0x0] =	sbarrier.arrive $0xFFFF  }
0x22: {  	[tilespmem:s3], [sflag:$0x7] =	stream.linear.gather [hbm4b:s6+s3], $0x100, $0x38;
	[tilespmem:$0x1FB80] =	vst v63  }
0x23: {  	_ =	swait.ge [sflag:s18], $0x100  }
0x24: {  	[sflag:s18] =	ssyncset.done $0x0  }
0x25: {  	s10 =	rddreg [dreg:$0x5];
	[sflag:s18] =	ssyncadd.s32 $0xFFFFFF00  }
0x26: {  	[tilespmem:s19], [sflag:$0x7] =	stream.linear.gather [hbm4b:s10+s3], $0x100, $0x38;
	[tilespmem:$0x1FB80] =	vst v63  }
0x27: {  	_ =	swait.ge [sflag:s18], $0x100  }
0x28: {  	[sflag:s18] =	ssyncset.done $0x0  }
0x29: {  	s9 =	rddreg [dreg:$0x6];
	[sflag:s18] =	ssyncadd.s32 $0xFFFFFF00  }
0x2a: {  	[tilespmem:s20], [sflag:$0x6] =	stream.linear.gather [hbm4b:s9+s3], $0x100, $0x38;
	[tilespmem:$0x1FB80] =	vst v63  }
0x2b: {  	_ = 	snop  }
0x2c: {  	[tilespmem:s22], [sflag:$0x1] =	stream.indirect.gather [hbm4b:s4+s21], $0x80, s3, s21, $0xb8;
	[tilespmem:$0x1FB80] =	vst v63  }
0x2d: {  	_ = 	snop  }
0x2e: {  	[tilespmem:s23], [sflag:$0x2] =	stream.indirect.gather [hbm4b:s4+s21], $0x80, s19, s21, $0xb8;
	[tilespmem:$0x1FB80] =	vst v63  }
0x2f: {  	_ =	swait.ge [sflag:s24], $0x3E80  }
0x30: {  	[sflag:s24] =	ssyncset.done $0x0  }
0x31: {  	[sflag:s24] =	ssyncadd.s32 $0xFFFFC180  }
0x32: {  	[spmem:s1] =	stream.indirect.scatter.add.f32 [tilespmem:s22], [sflag:$0x7], $0x80, s25, s21, $0xb8;
	[tilespmem:$0x1FB80] =	vst v63  }
0x33: {  	_ =	swait.ge [sflag:s18], $0x3E80  }
0x34: {  	[sflag:s18] =	ssyncset.done $0x0  }
0x35: {  	s10 =	sadd.s32 $0x0, s15;
	[sflag:s18] =	ssyncadd.s32 $0xFFFFC180  }
0x36: {  	[tilespmem:s3], [sflag:$0x4] =	stream.linear.gather [hbm4b:s10+s3], $0x100, $0x38;
	[tilespmem:$0x1FB80] =	vst v63  }
0x37: {  	_ =	swait.ge [sflag:s26], $0x100  }
0x38: {  	[sflag:s26] =	ssyncset.done $0x0  }
0x39: {  	[sflag:s26] =	ssyncadd.s32 $0xFFFFFF00  }
0x3a: {  	[tilespmem:s28], [sflag:$0x3] =	stream.indirect.gather [hbm4b:s4+s21], $0x80, s20, s21, $0xb8;
	[tilespmem:$0x1FB80] =	vst v63  }
0x3b: {  	_ =	swait.ge [sflag:s29], $0x3E80  }
0x3c: {  	[sflag:s29] =	ssyncset.done $0x0  }
0x3d: {  	[sflag:s29] =	ssyncadd.s32 $0xFFFFC180  }
0x3e: {  	[spmem:s1] =	stream.indirect.scatter.add.f32 [tilespmem:s23], [sflag:$0x7], $0x80, s30, s21, $0xb8;
	[tilespmem:$0x1FB80] =	vst v63  }
0x3f: {  	_ =	swait.ge [sflag:s18], $0x3E80  }
0x40: {  	[sflag:s18] =	ssyncset.done $0x0  }
0x41: {  	s9 =	sadd.s32 $0x0, s14;
	[sflag:s18] =	ssyncadd.s32 $0xFFFFC180  }
0x42: {  	[tilespmem:s19], [sflag:$0x5] =	stream.linear.gather [hbm4b:s9+s3], $0x100, $0x38;
	[tilespmem:$0x1FB80] =	vst v63  }
0x43: {  	_ =	swait.ge [sflag:s31], $0x100  }
0x44: {  	[sflag:s31] =	ssyncset.done $0x0  }
0x45: {  	[sflag:s31] =	ssyncadd.s32 $0xFFFFFF00  }
0x46: {  	[tilespmem:s22], [sflag:$0x1] =	stream.indirect.gather [hbm4b:s4+s21], $0x80, s3, s21, $0xb8;
	[tilespmem:$0x1FB80] =	vst v63  }
0x47: {  	_ =	swait.ge [sflag:s0], $0x3E80  }
0x48: {  	[sflag:s0] =	ssyncset.done $0x0  }
0x49: {  	[sflag:s0] =	ssyncadd.s32 $0xFFFFC180  }
0x4a: {  	[spmem:s1] =	stream.indirect.scatter.add.f32 [tilespmem:s28], [sflag:$0x7], $0x80, s2, s21, $0xb8;
	[tilespmem:$0x1FB80] =	vst v63  }
0x4b: {  	_ =	swait.ge [sflag:s18], $0x3E80  }
0x4c: {  	[sflag:s18] =	ssyncset.done $0x0  }
0x4d: {  	s10 =	sadd.s32 $0x0, s13;
	[sflag:s18] =	ssyncadd.s32 $0xFFFFC180  }
0x4e: {  	[tilespmem:s20], [sflag:$0x6] =	stream.linear.gather [hbm4b:s10+s3], $0x100, $0x38;
	[tilespmem:$0x1FB80] =	vst v63  }
0x4f: {  	_ =	swait.ge [sflag:s5], $0x100  }
0x50: {  	[sflag:s5] =	ssyncset.done $0x0  }
0x51: {  	s8 =	simm.s32 $0x60;
	[sflag:s5] =	ssyncadd.s32 $0xFFFFFF00  }
.LBB2_2:
0x52: {  	[tilespmem:s23], [sflag:$0x2] =	stream.indirect.gather [hbm4b:s4+s21], $0x80, s19, s21, $0xb8;
	[tilespmem:$0x1FB80] =	vst v63  }
0x53: {  	s9 =	smov.u32 s8  }
0x54: {  	p1 =	sne.s32 s8, $0x900;
	s8 =	sadd.s32 $0x60, s8;
	_ =	swait.ge [sflag:s24], $0x3E80  }
0x55: {  	[sflag:s24] =	ssyncset.done $0x0  }
0x56: {  	[sflag:s24] =	ssyncadd.s32 $0xFFFFC180  }
0x57: {  	[spmem:s1] =	stream.indirect.scatter.add.f32 [tilespmem:s22], [sflag:$0x7], $0x80, s25, s21, $0xb8;
	[tilespmem:$0x1FB80] =	vst v63  }
0x58: {  	_ =	swait.ge [sflag:s18], $0x3E80  }
0x59: {  	[sflag:s18] =	ssyncset.done $0x0  }
0x5a: {  	s10 =	sadd.s32 s9, s15;
	[sflag:s18] =	ssyncadd.s32 $0xFFFFC180  }
0x5b: {  	[tilespmem:s3], [sflag:$0x4] =	stream.linear.gather [hbm4b:s10+s3], $0x100, $0x38;
	[tilespmem:$0x1FB80] =	vst v63  }
0x5c: {  	_ =	swait.ge [sflag:s26], $0x100  }
0x5d: {  	[sflag:s26] =	ssyncset.done $0x0  }
0x5e: {  	[sflag:s26] =	ssyncadd.s32 $0xFFFFFF00  }
0x5f: {  	[tilespmem:s28], [sflag:$0x3] =	stream.indirect.gather [hbm4b:s4+s21], $0x80, s20, s21, $0xb8;
	[tilespmem:$0x1FB80] =	vst v63  }
0x60: {  	_ =	swait.ge [sflag:s29], $0x3E80  }
0x61: {  	[sflag:s29] =	ssyncset.done $0x0  }
0x62: {  	[sflag:s29] =	ssyncadd.s32 $0xFFFFC180  }
0x63: {  	[spmem:s1] =	stream.indirect.scatter.add.f32 [tilespmem:s23], [sflag:$0x7], $0x80, s30, s21, $0xb8;
	[tilespmem:$0x1FB80] =	vst v63  }
0x64: {  	_ =	swait.ge [sflag:s18], $0x3E80  }
0x65: {  	[sflag:s18] =	ssyncset.done $0x0  }
0x66: {  	s10 =	sadd.s32 s9, s14;
	[sflag:s18] =	ssyncadd.s32 $0xFFFFC180  }
0x67: {  	[tilespmem:s19], [sflag:$0x5] =	stream.linear.gather [hbm4b:s10+s3], $0x100, $0x38;
	[tilespmem:$0x1FB80] =	vst v63  }
0x68: {  	_ =	swait.ge [sflag:s31], $0x100  }
0x69: {  	[sflag:s31] =	ssyncset.done $0x0  }
0x6a: {  	[sflag:s31] =	ssyncadd.s32 $0xFFFFFF00  }
0x6b: {  	[tilespmem:s22], [sflag:$0x1] =	stream.indirect.gather [hbm4b:s4+s21], $0x80, s3, s21, $0xb8;
	[tilespmem:$0x1FB80] =	vst v63  }
0x6c: {  	_ =	swait.ge [sflag:s0], $0x3E80  }
0x6d: {  	[sflag:s0] =	ssyncset.done $0x0  }
0x6e: {  	[sflag:s0] =	ssyncadd.s32 $0xFFFFC180  }
0x6f: {  	[spmem:s1] =	stream.indirect.scatter.add.f32 [tilespmem:s28], [sflag:$0x7], $0x80, s2, s21, $0xb8;
	[tilespmem:$0x1FB80] =	vst v63  }
0x70: {  	_ =	swait.ge [sflag:s18], $0x3E80  }
0x71: {  	[sflag:s18] =	ssyncset.done $0x0  }
.Ltmp0:
0x72: {  	s9 =	sadd.s32 s9, s13;
	[sflag:s18] =	ssyncadd.s32 $0xFFFFC180;
	(pc) =	sbr.rel @p1 .LBB2_2-.Ltmp0, $4  }
0x73: {  	[tilespmem:s20], [sflag:$0x6] =	stream.linear.gather [hbm4b:s9+s3], $0x100, $0x38;
	[tilespmem:$0x1FB80] =	vst v63  }
0x74: {  	_ =	swait.ge [sflag:s5], $0x100  }
0x75: {  	[sflag:s5] =	ssyncset.done $0x0  }
0x76: {  	[sflag:s5] =	ssyncadd.s32 $0xFFFFFF00  }
0x77: {  	[tilespmem:s23], [sflag:$0x2] =	stream.indirect.gather [hbm4b:s4+s21], $0x80, s19, s21, $0xb8;
	[tilespmem:$0x1FB80] =	vst v63  }
0x78: {  	_ =	swait.ge [sflag:s24], $0x3E80  }
0x79: {  	[sflag:s24] =	ssyncset.done $0x0  }
0x7a: {  	[sflag:s24] =	ssyncadd.s32 $0xFFFFC180  }
0x7b: {  	[spmem:s1] =	stream.indirect.scatter.add.f32 [tilespmem:s22], [sflag:$0x7], $0x80, s25, s21, $0xb8;
	[tilespmem:$0x1FB80] =	vst v63  }
0x7c: {  	_ =	swait.ge [sflag:s18], $0x3E80  }
0x7d: {  	[sflag:s18] =	ssyncset.done $0x0  }
0x7e: {  	[sflag:s18] =	ssyncadd.s32 $0xFFFFC180  }
0x7f: {  	[tilespmem:s3], [sflag:$0x4] =	stream.linear.gather [hbm4b:s11+s3], $0x100, $0x38;
	[tilespmem:$0x1FB80] =	vst v63  }
0x80: {  	_ =	swait.ge [sflag:s26], $0x100  }
0x81: {  	[sflag:s26] =	ssyncset.done $0x0  }
0x82: {  	[sflag:s26] =	ssyncadd.s32 $0xFFFFFF00  }
0x83: {  	[tilespmem:s28], [sflag:$0x3] =	stream.indirect.gather [hbm4b:s4+s21], $0x80, s20, s21, $0xb8;
	[tilespmem:$0x1FB80] =	vst v63  }
0x84: {  	_ =	swait.ge [sflag:s29], $0x3E80  }
0x85: {  	[sflag:s29] =	ssyncset.done $0x0  }
0x86: {  	[sflag:s29] =	ssyncadd.s32 $0xFFFFC180  }
0x87: {  	[spmem:s1] =	stream.indirect.scatter.add.f32 [tilespmem:s23], [sflag:$0x7], $0x80, s30, s21, $0xb8;
	[tilespmem:$0x1FB80] =	vst v63  }
0x88: {  	_ =	swait.ge [sflag:s18], $0x3E80  }
0x89: {  	[sflag:s18] =	ssyncset.done $0x0  }
0x8a: {  	[sflag:s18] =	ssyncadd.s32 $0xFFFFC180  }
0x8b: {  	[tilespmem:s19], [sflag:$0x5] =	stream.linear.gather [hbm4b:s12+s3], $0x100, $0x38;
	[tilespmem:$0x1FB80] =	vst v63  }
0x8c: {  	_ =	swait.ge [sflag:s31], $0x100  }
0x8d: {  	[sflag:s31] =	ssyncset.done $0x0  }
0x8e: {  	[sflag:s31] =	ssyncadd.s32 $0xFFFFFF00  }
0x8f: {  	[tilespmem:s22], [sflag:$0x1] =	stream.indirect.gather [hbm4b:s4+s21], $0x80, s3, s21, $0xb8;
	[tilespmem:$0x1FB80] =	vst v63  }
0x90: {  	_ =	swait.ge [sflag:s0], $0x3E80  }
0x91: {  	[sflag:s0] =	ssyncset.done $0x0  }
0x92: {  	[sflag:s0] =	ssyncadd.s32 $0xFFFFC180  }
0x93: {  	[spmem:s1] =	stream.indirect.scatter.add.f32 [tilespmem:s28], [sflag:$0x7], $0x80, s2, s21, $0xb8;
	[tilespmem:$0x1FB80] =	vst v63  }
0x94: {  	_ =	swait.ge [sflag:s18], $0x3E80  }
0x95: {  	[sflag:s18] =	ssyncset.done $0x0  }
0x96: {  	[sflag:s18] =	ssyncadd.s32 $0xFFFFC180  }
0x97: {  	_ =	swait.ge [sflag:s5], $0x100  }
0x98: {  	[sflag:s5] =	ssyncset.done $0x0  }
0x99: {  	[sflag:s5] =	ssyncadd.s32 $0xFFFFFF00  }
0x9a: {  	[tilespmem:s23], [sflag:$0x2] =	stream.indirect.gather [hbm4b:s4+s21], $0x80, s19, s21, $0xb8;
	[tilespmem:$0x1FB80] =	vst v63  }
0x9b: {  	_ =	swait.ge [sflag:s24], $0x3E80  }
0x9c: {  	[sflag:s24] =	ssyncset.done $0x0  }
0x9d: {  	[sflag:s24] =	ssyncadd.s32 $0xFFFFC180  }
0x9e: {  	[spmem:s1] =	stream.indirect.scatter.add.f32 [tilespmem:s22], [sflag:$0x7], $0x80, s25, s21, $0xb8;
	[tilespmem:$0x1FB80] =	vst v63  }
0x9f: {  	_ =	swait.ge [sflag:s18], $0x3E80  }
0xa0: {  	[sflag:s18] =	ssyncset.done $0x0  }
0xa1: {  	[sflag:s18] =	ssyncadd.s32 $0xFFFFC180  }
0xa2: {  	_ =	swait.ge [sflag:s29], $0x3E80  }
0xa3: {  	[sflag:s29] =	ssyncset.done $0x0  }
0xa4: {  	[sflag:s29] =	ssyncadd.s32 $0xFFFFC180  }
0xa5: {  	[spmem:s1] =	stream.indirect.scatter.add.f32 [tilespmem:s23], [sflag:$0x7], $0x80, s30, s21, $0xb8;
	[tilespmem:$0x1FB80] =	vst v63  }
0xa6: {  	_ =	swait.ge [sflag:s18], $0x3E80  }
0xa7: {  	[sflag:s18] =	ssyncset.done $0x0  }
0xa8: {  	[sflag:s18] =	ssyncadd.s32 $0xFFFFC180  }
0xa9: {  	[bflag:$0x0] =	sbarrier.arrive $0xFFFF  }
0xaa: {  	s8 =	rddreg [dreg:$0x7]  }
0xab: {  	[hbm:s8], [sflag:s16] =	dma.local @!p0 [spmem:s17], $0x3E80  }
0xac: {  	s8 =	simm.s32 @!p0 $0x7  }
0xad: {  	_ =	swait.ge @!p0 [sflag:s8], $0x3E80  }
0xae: {  	s7 =	sadd.s32 $0x1, s7;
	s9 =	rddreg [dreg:$0x8]  }
0xaf: {  	p1 =	sne.s32 s7, s9  }
.Ltmp1:
0xb0: {  	_ = 	snop;
	(pc) =	sbr.rel @p1 .LBB2_1-.Ltmp1, $3  }
0xb1: {  	_ =	sdelay $0x1  }
0xb2: {  	[sflag:s8] =	ssyncset.done @!p0 $0x0  }
0xb3: {  	[sflag:s8] =	ssyncadd.s32 @!p0 $0xFFFFC180  }
0xb4: {  	_ =	sfence.sel $0x180000  }
0xb5: {  	[bflag:$0x0] =	sbarrier.arrive $0xFFFF  }
0xb6: {  	_ =	strace $0x9000004D  }
0xb7: {  	s0 =	stileid.u32;
	[bflag:$0x2] =	sbarrier.arrive $0xFFFF  }
0xb8: {  	p0 =	sne.s32 s0, $0x0;
	s0 =	rddreg [dreg:$0x3]  }
0xb9: {  	s0 =	sadd.s32 @!p0 $0x100000, s0  }
0xba: {  	[sflag:s0] =	ssyncadd.tile.s32 @!p0 $0x1;
	_ =	shalt  }
.Lfunc_end2:
_tile_overlayer_lowered:
.L_overlay_start_2:
0xbb: {  	(tag) =	ssettag $0x2  }
0xbc: {  	s0 =	rddreg [dreg:$0x0];
	s2 =	stileid.u32  }
0xbd: {  	s1 =	rddreg [dreg:$0x1];
	p0 =	sne.s32 s2, $0x0  }
0xbe: {  	s3 =	rddreg [dreg:$0x2];
	[bflag:$0x3] =	sbarrier.arrive $0xFFFF;
	s2 =	simm.s32 @!p0 $0x1C07  }
0xbf: {  	[timem:s3], [sflag:s2] =	dma.local @!p0 [hbm:s0], s1  }
0xc0: {  	s0 =	simm.s32 @!p0 $0x7  }
0xc1: {  	_ =	swait.ge @!p0 [sflag:s0], s1  }
0xc2: {  	s1 =	ssub.s32 @!p0 $0x0, s1;
	[sflag:s0] =	ssyncset.done @!p0 $0x0  }
0xc3: {  	[sflag:s0] =	ssyncadd.s32 @!p0 s1  }
0xc4: {  	[bflag:$0x3] =	sbarrier.arrive $0xFFFF  }
0xc5: {  	_ =	shalt  }

// kernel: kernel.8.cloned.1.call-start
scs
__scs_entry_jumppad:
0x0: {  	(pc) =	sbr.rel $0x88, $3  }
0x1: {  	(tag) =	ssettag $0x0;
	lr =	simm.s32 $0x1  }
0x2: {  	[smem:$0x3F9B] =	sst lr;
	_ =	strace $0xD0000000  }
0x3: {  	_ = 	snop  }
0x4: {  	_ = 	snop  }
0x5: {  	_ = 	snop  }
0x6: {  	_ = 	snop  }
0x7: {  	_ = 	snop  }
__scs_overlays_trampoline_lowered:
0x8: {  	[smem:$0x3FAA] =	sst s0  }
0x9: {  	[smem:$0x3FAB] =	sst s1  }
0xa: {  	[smem:$0x3FAC] =	sst s2  }
0xb: {  	[smem:$0x3FAD] =	sst s3  }
0xc: {  	[smem:$0x3FAE] =	sst s4  }
0xd: {  	[smem:$0x3FAF] =	sst s5  }
0xe: {  	[smem:$0x3FB0] =	sst s6  }
0xf: {  	[smem:$0x3FB1] =	sst s7  }
0x10: {  	[smem:$0x3FB2] =	sst s8  }
0x11: {  	[smem:$0x3FB3] =	sst s9;
	s0 =	simm.s32 @!p0 $0x0  }
0x12: {  	s1 =	sld [smem:$0x3F99];
	s0 =	simm.s32 @p0 $0x1  }
0x13: {  	[smem:$0x3FB4] =	sst s0;
	s0 =	simm.s32 @!p1 $0x0  }
0x14: {  	s2 =	sld [smem:$0x3F98];
	s0 =	simm.s32 @p1 $0x1  }
0x15: {  	[smem:$0x3FB5] =	sst s0;
	s0 =	simm.s32 @!p2 $0x0  }
0x16: {  	s3 =	sld [smem:$0x3FDB];
	s0 =	simm.s32 @p2 $0x1  }
0x17: {  	s4 =	simm.s32 $0x1BF5;
	[smem:$0x3FB7] =	sst s0  }
0x18: {  	s0 =	sld [smem:$0x3F9A];
	_ =	swait.ge [sflag:s4], $0x0  }
0x19: {  	s7 =	sld [smem:$0x3F9B]  }
0x1a: {  	s8 =	sadd.s32 $0xFFFFE003, lr  }
0x1b: {  	s9 =	sadd.s32 $0xFFFFFEF7, lr;
	s5 =	simm.s32 $0xFFFFFFFF;
	p2 =	slt.u32 s8, $0xFFFFF086  }
0x1c: {  	p1 =	slt.u32 s9, $0xF7A;
	s5 =	simm.s32 @!p2 $0x0  }
0x1d: {  	s5 =	simm.s32 @p1 $0x1;
	p0 =	seq.s32 s7, s2  }
0x1e: {  	s7 =	smul.u32 @!p0 $0xF7A, s2;
	p2 =	seq.s32 @!p0 s5, $0x0  }
0x1f: {  	s9 =	smul.u32 $0xF7A, s1;
	s8 =	simm.s32 @!p0 $0x1BF5;
	p2 =	por !p2, p0  }
0x20: {  	[sflag:s8] =	ssyncset.s32 @!p0 $0xFFFFF086;
	s6 =	sadd.s32 @!p0 s3, s7;
	s7 =	simm.s32 @!p0 $0x108  }
0x21: {  	s3 =	sadd.s32 s3, s9;
	s6 =	sadd.s32 @!p0 $0x88, s6;
	s7 =	simm.s32 @p2 $0x1082  }
0x22: {  	[simem:s7], [sflag:s8] =	dma.local @!p0 [hbm:s6], $0xF7A  }
0x23: {  	s9 =	sor.u32 $0xD0000000, s2;
	s6 =	simm.s32 $0x108;
	_ =	swait.ge @!p0 [sflag:s8], $0x0  }
0x24: {  	s3 =	sadd.s32 $0x88, s3;
	s6 =	simm.s32 @!p1 $0x1082;
	[sflag:s4] =	ssyncset.s32 $0xFFFFF086  }
0x25: {  	[simem:s6], [sflag:s4] =	dma.local [hbm:s3], $0xF7A  }
0x26: {  	[smem:$0x3F9B] =	sst s1;
	(tag) =	ssettag s2;
	_ =	strace s9  }
0x27: {  	s1 =	sld [smem:$0x3FAB]  }
0x28: {  	s2 =	sld [smem:$0x3FAC]  }
0x29: {  	s4 =	sld [smem:$0x3FAE]  }
0x2a: {  	p0 =	seq.s32 s5, $0x0;
	s5 =	sld [smem:$0x3FAF]  }
0x2b: {  	s6 =	sld [smem:$0x3FB0]  }
0x2c: {  	s7 =	sld [smem:$0x3FB1]  }
0x2d: {  	s3 =	simm.s32 $0x108;
	s8 =	sld [smem:$0x3FB2]  }
0x2e: {  	s3 =	simm.s32 @!p0 $0x1082;
	s9 =	sld [smem:$0x3FB3]  }
0x2f: {  	lr =	sadd.s32 s0, s3;
	s0 =	sld [smem:$0x3FAA]  }
0x30: {  	s3 =	sld [smem:$0x3FAD]  }
0x31: {  	[smem:$0x3FB6] =	sst s10  }
0x32: {  	s10 =	sld [smem:$0x3FB4];
	_ =	sdelay $0x3  }
0x33: {  	p0 =	seq.s32 s10, $0x1;
	s10 =	sld [smem:$0x3FB6];
	_ =	sdelay $0x3  }
0x34: {  	[smem:$0x3FB6] =	sst s10  }
0x35: {  	s10 =	sld [smem:$0x3FB5];
	_ =	sdelay $0x3  }
0x36: {  	p1 =	seq.s32 s10, $0x1;
	s10 =	sld [smem:$0x3FB6];
	_ =	sdelay $0x3  }
0x37: {  	[smem:$0x3FB6] =	sst s10  }
0x38: {  	s10 =	sld [smem:$0x3FB7]  }
0x39: {  	_ = 	snop;
	(pc) =	sbr.ind lr, $3  }
0x3a: {  	_ = 	snop  }
0x3b: {  	_ = 	snop  }
0x3c: {  	p2 =	seq.s32 s10, $0x1;
	s10 =	sld [smem:$0x3FB6]  }
0x3d: {  	_ =	shalt  }
0x3e: {  	_ =	shalt  }
0x3f: {  	_ =	shalt  }
0x40: {  	_ =	shalt  }
0x41: {  	_ =	shalt  }
0x42: {  	_ =	shalt  }
0x43: {  	_ =	shalt  }
0x44: {  	_ =	shalt  }
0x45: {  	_ =	shalt  }
0x46: {  	_ =	shalt  }
0x47: {  	_ =	shalt  }
0x48: {  	_ =	shalt  }
0x49: {  	_ =	shalt  }
0x4a: {  	_ =	shalt  }
0x4b: {  	_ =	shalt  }
0x4c: {  	_ =	shalt  }
0x4d: {  	_ =	shalt  }
0x4e: {  	_ =	shalt  }
0x4f: {  	_ =	shalt  }
0x50: {  	_ =	shalt  }
0x51: {  	_ =	shalt  }
0x52: {  	_ =	shalt  }
0x53: {  	_ =	shalt  }
0x54: {  	_ =	shalt  }
0x55: {  	_ =	shalt  }
0x56: {  	_ =	shalt  }
0x57: {  	_ =	shalt  }
0x58: {  	_ =	shalt  }
0x59: {  	_ =	shalt  }
0x5a: {  	_ =	shalt  }
0x5b: {  	_ =	shalt  }
0x5c: {  	_ =	shalt  }
0x5d: {  	_ =	shalt  }
0x5e: {  	_ =	shalt  }
0x5f: {  	_ =	shalt  }
0x60: {  	_ =	shalt  }
0x61: {  	_ =	shalt  }
0x62: {  	_ =	shalt  }
0x63: {  	_ =	shalt  }
0x64: {  	_ =	shalt  }
0x65: {  	_ =	shalt  }
0x66: {  	_ =	shalt  }
0x67: {  	_ =	shalt  }
0x68: {  	_ =	shalt  }
0x69: {  	_ =	shalt  }
0x6a: {  	_ =	shalt  }
0x6b: {  	_ =	shalt  }
0x6c: {  	_ =	shalt  }
0x6d: {  	_ =	shalt  }
0x6e: {  	_ =	shalt  }
0x6f: {  	_ =	shalt  }
0x70: {  	_ =	shalt  }
0x71: {  	_ =	shalt  }
0x72: {  	_ =	shalt  }
0x73: {  	_ =	shalt  }
0x74: {  	_ =	shalt  }
0x75: {  	_ =	shalt  }
0x76: {  	_ =	shalt  }
0x77: {  	_ =	shalt  }
0x78: {  	_ =	shalt  }
0x79: {  	_ =	shalt  }
0x7a: {  	_ =	shalt  }
0x7b: {  	_ =	shalt  }
0x7c: {  	_ =	shalt  }
0x7d: {  	_ =	shalt  }
0x7e: {  	_ =	shalt  }
0x7f: {  	_ =	shalt  }
0x80: {  	_ =	shalt  }
0x81: {  	_ =	shalt  }
0x82: {  	_ =	shalt  }
0x83: {  	_ =	shalt  }
0x84: {  	_ =	shalt  }
0x85: {  	_ =	shalt  }
0x86: {  	_ =	shalt  }
0x87: {  	_ =	shalt  }
.Lfunc_end0:
.L_simem_size_0:
called_computation_lowered:
.L_overlay_start_0:
0x88: {  	s2 =	sld [smem:$0x3FD9]  }
0x89: {  	s3 =	sld [smem:$0x3FFE];
	_ =	sdelay $0x1  }
0x8a: {  	s1 =	srdreg.scid  }
0x8b: {  	s0 =	sand.u32 $0x1, s1  }
0x8c: {  	s17 =	sshll.u32 s0, $0xA;
	s2 =	sadd.s32 s3, s2  }
0x8d: {  	s2 =	sadd.s32 s2, s17  }
0x8e: {  	[smem:$0x3FC2] =	sst s2  }
0x8f: {  	_ = 	snop  }
0x90: {  	s2 =	sld [smem:$0x3FD0];
	(tm) =	ssettm $0x1  }
0x91: {  	s18 =	sld [smem:$0x3FFB];
	_ =	sdelay $0x3  }
0x92: {  	_ =	strace s18  }
0x93: {  	s3 =	sld [smem:$0x3FFC];
	_ =	sdelay $0x3  }
0x94: {  	_ =	strace s3  }
0x95: {  	s3 =	sld [smem:$0x3FFD];
	_ =	sdelay $0x3  }
0x96: {  	_ =	strace s3  }
0x97: {  	_ =	strace $0x8FFFFFFF  }
0x98: {  	s19 =	sld [smem:$0x3FDB];
	_ =	sdelay $0x1  }
0x99: {  	s4 =	simm.s32 $_scs_section_size  }
0x9a: {  	s5 =	simm.s32 $_size__tile_overlayer_lowered;
	s6 =	simm.s32 $_tile_overlayer_lowered  }
0x9b: {  	s22 =	simm.s32 $0x1BFF;
	s21 =	sshll.u32 s6, $0x1;
	s3 =	sadd.s32 s4, s19  }
0x9c: {  	s7 =	simm.s32 $0x0;
	s20 =	sshll.u32 s5, $0x1;
	s5 =	sadd.s32 s21, s3  }
0x9d: {  	[timem:s7], [sflag:s22] =	dma.local [hbm:s5], s20  }
0x9e: {  	_ =	swait.ge [sflag:s22], s20  }
0x9f: {  	s4 =	ssub.s32 $0x0, s20;
	[sflag:s22] =	ssyncset.done $0x0  }
0xa0: {  	[sflag:s22] =	ssyncadd.s32 s4;
	_ =	sdelay $0x1  }
0xa1: {  	s23 =	simm.s32 $0x1B8B  }
0xa2: {  	_ =	swait.ge [sflag:s23], $0x1  }
0xa3: {  	[sflag:s23] =	ssyncset.done $0x0  }
0xa4: {  	s25 =	simm.s32 $0x1B8E;
	s24 =	sld [smem:$0x3FFE];
	[sflag:s23] =	ssyncadd.s32 $0xFFFFFFFF  }
0xa5: {  	s26 =	simm.s32 $execute0_lowered;
	[smem:$0x3FD2] =	sst s25  }
0xa6: {  	s5 =	sshll.u32 s26, $0x1;
	_ =	strace $0x80000046;
	[dreg:$0x1] =	wrdreg $0xFFFFFFFF  }
0xa7: {  	s28 =	simm.s32 $_size_execute0_lowered;
	s3 =	sadd.s32 s3, s5;
	[dreg:$0x0] =	wrdreg $0x0  }
0xa8: {  	s5 =	sshll.u32 s28, $0x1;
	[dreg:$0x2] =	wrdreg s3  }
0xa9: {  	[dreg:$0x3] =	wrdreg s5  }
0xaa: {  	[dreg:$0x4] =	wrdreg $0xC0  }
0xab: {  	_ =	task [dreg:s7], $0x5FFFF  }
0xac: {  	[dreg:$0x1] =	wrdreg $0xFFFFFFFF  }
0xad: {  	[dreg:$0x0] =	wrdreg $0x60  }
0xae: {  	[dreg:$0x2] =	wrdreg s24  }
0xaf: {  	[dreg:$0x3] =	wrdreg s2  }
0xb0: {  	[dreg:$0x4] =	wrdreg $0x68000  }
0xb1: {  	[dreg:$0x5] =	wrdreg $0x9  }
0xb2: {  	_ =	task.clear_ibuf [dreg:s7], $0x6FFFF;
	_ =	strace $0x90000046  }
0xb3: {  	s29 =	simm.s32 $0x9;
	_ =	strace $0x80000048  }
0xb4: {  	_ =	swait.ge [sflag:s29], $0x1  }
0xb5: {  	[sflag:s29] =	ssyncadd.s32 $0xFFFFFFFF  }
0xb6: {  	_ =	strace $0x90000048  }
0xb7: {  	_ =	sfence  }
0xb8: {  	s30 =	sld [smem:$0x0];
	_ =	sdelay $0x2  }
0xb9: {  	s31 =	sshll.u32 s1, $0xD;
	s1 =	sshrl.u32 s1, $0x2  }
0xba: {  	s3 =	sand.u32 $0x4000, s31;
	s1 =	sadd.s32 s1, s30  }
0xbb: {  	s0 =	sor.u32 s3, s0;
	s1 =	sshll.u32 s1, $0x11  }
0xbc: {  	s0 =	sor.u32 s1, s0  }
0xbd: {  	s0 =	sadd.s32 $0x8F2B, s0  }
0xbe: {  	[sflag:s0] =	ssyncadd.remote.s32 $0x1  }
0xbf: {  	_ =	sfence.sel $0xFFFF  }
0xc0: {  	[dreg:$0x0] =	wrdreg $0xFFFFFFFF;
	(pc) =	sbr.abs _section_cstart, $3  }
0xc1: {  	[dreg:$0x1] =	wrdreg $0xFFFFFFFF  }
0xc2: {  	_ =	task.clear_ibuf [dreg:s7], $0x2FFFF;
	_ =	strace $0x9FFFFFFF  }
0xc3: {  	(tm) =	ssettm $0x7FFFFFFF  }
tec
execute0_lowered:
.L_overlay_start_1:
0x0: {  	(tag) =	ssettag $0x1  }
0x1: {  	s5 =	rddreg [dreg:$0x0]  }
0x2: {  	s1 =	srdreg.scid;
	s7 =	rddreg [dreg:$0x1]  }
0x3: {  	s0 =	stileid.u32;
	s2 =	rddreg [dreg:$0x2]  }
0x4: {  	s3 =	simm.s32 $0x0;
	s14 =	simm.s32 $0x80;
	s9 =	smul.u32 $0x1F400, s0  }
0x5: {  	s15 =	simm.s32 $0x1;
	s16 =	simm.s32 $0x0;
	s30 =	smul.u32 $0x7D000, s0  }
0x6: {  	s6 =	sand.u32 $0x1, s1;
	s29 =	sshll.u32 s0, $0x1;
	s12 =	smul.u32 $0x3E80, s0  }
0x7: {  	[smem:$0x7FF] =	sst s3;
	s1 =	sor.u32 s6, s29;
	s8 =	smul.u32 $0x138800, s6  }
0x8: {  	p0 =	sgt.u32 s0, $0x9;
	s6 =	ssub.s32 $0x2, s6;
	s4 =	smul.u32 $0x500, s1  }
0x9: {  	s1 =	rddreg [dreg:$0x3];
	_ =	strace $0x80000047;
	s11 =	sshrl.u32 s6, $0x1  }
0xa: {  	s31 =	sshrl.u32 s30, $0x2;
	s8 =	sadd.s32 s9, s8;
	s11 =	ssub.s32 s6, s11  }
0xb: {  	s13 =	sadd.s32 s31, s2;
	s9 =	sshll.u32 @!p0 s0, $0x6;
	s10 =	sadd.s32 s4, s5  }
0xc: {  	s4 =	sadd.s32 $0xC400, s5;
	s8 =	sshrl.u32 s8, $0x3;
	s9 =	sor.u32 @!p0 $0x1C02, s9  }
0xd: {  	s8 =	sadd.s32 s8, s5;
	s5 =	sadd.s32 s7, s12;
	s6 =	sadd.s32 $0x2400, s10  }
0xe: {  	s10 =	sshrl.u32 @!p0 s13, $0x3;
	s12 =	simm.s32 $0x2;
	s13 =	simm.s32 $0x7D  }
0xf: {  	s7 =	sadd.s32 $0xCC00, s8;
	s8 =	smax.u32 s11, $0x1;
	s11 =	simm.s32 $0x2800  }
.LBB2_1:
0x10: {  	[spmem:s10], [sflag:s9] =	dma.local @!p0 [hbm:s5], $0x3E80  }
0x11: {  	s17 =	simm.s32 @!p0 $0x2  }
0x12: {  	_ =	swait.ge @!p0 [sflag:s17], $0x3E80  }
0x13: {  	[sflag:s17] =	ssyncset.done @!p0 $0x0  }
0x14: {  	[sflag:s17] =	ssyncadd.s32 @!p0 $0xFFFFC180  }
0x15: {  	[tilespmem:s11], [sflag:$0x2] =	stream.linear.gather [hbm4b:s4+s3], $0x3E80, $0x38;
	[tilespmem:$0x1A080] =	vst v63  }
0x16: {  	_ =	swait.ge [sflag:s12], $0x3E80  }
0x17: {  	[sflag:s12] =	ssyncset.done $0x0  }
0x18: {  	[sflag:s12] =	ssyncadd.s32 $0xFFFFC180  }
0x19: {  	[tilespmem:s3], [sflag:$0x2] =	stream.linear.gather [hbm4b:s6+s3], $0x2800, $0x38;
	[tilespmem:$0x1A080] =	vst v63  }
0x1a: {  	_ =	swait.ge [sflag:s12], $0x2800  }
0x1b: {  	[sflag:s12] =	ssyncset.done $0x0  }
0x1c: {  	[sflag:s12] =	ssyncadd.s32 $0xFFFFD800  }
0x1d: {  	[bflag:$0x0] =	sbarrier.arrive $0xFFFF  }
0x1e: {  	[spmem:s2] =	stream.indirect.scatter.add.f32 [tilespmem:s11], [sflag:$0x1], $0x80, s3, s13, $0xb8;
	[tilespmem:$0x1A080] =	vst v63  }
0x1f: {  	p1 =	por $0x0, $0x0  }
0x20: {  	[spmem:s2] =	stream.indirect.scatter.add.f32 [tilespmem:s11], [sflag:$0x1], $0x80, s14, s13, $0xb8;
	[tilespmem:$0x1A080] =	vst v63  }
0x21: {  	s18 =	simm.s32 @!p1 $0x7D;
	s19 =	simm.s32 @!p1 $0x2800;
	s17 =	simm.s32 $0x100  }
0x22: {  	[spmem:s2] =	stream.indirect.scatter.add.f32 @!p1 [tilespmem:s19], [sflag:$0x1], $0x80, s17, s18, $0xb8;
	[tilespmem:$0x1A080] =	vst v63  }
0x23: {  	_ =	swait.ge [sflag:s15], $0x3E80  }
0x24: {  	s18 =	simm.s32 $0x1;
	[sflag:s15] =	ssyncset.done $0x0  }
.LBB2_2:
0x25: {  	s19 =	smov.u32 s18;
	s18 =	sadd.s32 $0x1, s18  }
0x26: {  	[sflag:s15] =	ssyncadd.s32 $0xFFFFC180;
	s17 =	sadd.s32 $0x80, s17;
	p2 =	sne.s32 s18, $0x50  }
.Ltmp0:
0x27: {  	p1 =	sgt.u32 s19, $0x4D;
	(pc) =	sbr.rel @p2 .LBB2_2-.Ltmp0, $4  }
0x28: {  	s19 =	simm.s32 @!p1 $0x7D;
	s20 =	simm.s32 @!p1 $0x2800  }
0x29: {  	[spmem:s2] =	stream.indirect.scatter.add.f32 @!p1 [tilespmem:s20], [sflag:$0x1], $0x80, s17, s19, $0xb8;
	[tilespmem:$0x1A080] =	vst v63  }
0x2a: {  	_ =	swait.ge [sflag:s15], $0x3E80  }
0x2b: {  	[sflag:s15] =	ssyncset.done $0x0  }
0x2c: {  	s16 =	sadd.s32 $0x1, s16  }
0x2d: {  	[sflag:s15] =	ssyncadd.s32 $0xFFFFC180;
	p1 =	sne.s32 s16, s8  }
.Ltmp1:
0x2e: {  	s17 =	simm.s32 @!p0 $0x2;
	[bflag:$0x0] =	sbarrier.arrive $0xFFFF;
	(pc) =	sbr.rel @p1 .LBB2_1-.Ltmp1, $4  }
0x2f: {  	[hbm:s7], [sflag:s9] =	dma.local @!p0 [spmem:s10], $0x3E80  }
0x30: {  	_ =	swait.ge @!p0 [sflag:s17], $0x3E80  }
0x31: {  	[sflag:s17] =	ssyncset.done @!p0 $0x0  }
0x32: {  	[sflag:s17] =	ssyncadd.s32 @!p0 $0xFFFFC180  }
0x33: {  	_ =	sfence.sel $0x180000  }
0x34: {  	[bflag:$0x0] =	sbarrier.arrive $0xFFFF  }
0x35: {  	p0 =	sne.s32 s0, $0x0;
	_ =	strace $0x90000047  }
0x36: {  	s0 =	sadd.s32 @!p0 $0x100000, s1;
	[bflag:$0x2] =	sbarrier.arrive $0xFFFF  }
0x37: {  	[sflag:s0] =	ssyncadd.tile.s32 @!p0 $0x1;
	_ =	shalt  }
.Lfunc_end2:
_tile_overlayer_lowered:
.L_overlay_start_2:
0x38: {  	(tag) =	ssettag $0x2  }
0x39: {  	s0 =	rddreg [dreg:$0x0];
	s2 =	stileid.u32  }
0x3a: {  	s1 =	rddreg [dreg:$0x1];
	p0 =	sne.s32 s2, $0x0  }
0x3b: {  	s3 =	rddreg [dreg:$0x2];
	[bflag:$0x3] =	sbarrier.arrive $0xFFFF;
	s2 =	simm.s32 @!p0 $0x1C02  }
0x3c: {  	[timem:s3], [sflag:s2] =	dma.local @!p0 [hbm:s0], s1  }
0x3d: {  	s0 =	simm.s32 @!p0 $0x2  }
0x3e: {  	_ =	swait.ge @!p0 [sflag:s0], s1  }
0x3f: {  	s1 =	ssub.s32 @!p0 $0x0, s1;
	[sflag:s0] =	ssyncset.done @!p0 $0x0  }
0x40: {  	[sflag:s0] =	ssyncadd.s32 @!p0 s1  }
0x41: {  	[bflag:$0x3] =	sbarrier.arrive $0xFFFF  }
0x42: {  	_ =	shalt  }

</sc_bundles>
